<compile_context>
chip_gen: v7x
topology: tpu7x:2x2x1
jax: 0.10.2.dev20260603
libtpu: 0.0.44.dev20260713+nightly
codegen_flags: <defaults>
</compile_context>

<pallas_src>
import functools
import numpy as np
import jax
import jax.numpy as jnp
from jax import lax
from jax.experimental import pallas as pl
from jax.experimental.pallas import tpu as pltpu
from jax.experimental.pallas import tpu_sc as plsc

N = 10000
E = 320000
F = 128
D = 128
DH = D // 2

NC = 2
NS = 16
EPS = E // NS
CK = 80
NCH = EPS // CK
N2 = 10240
RPT2 = N2 // NS
RPT = N // NS

BM = 2000
GRID = N // BM

_mesh = plsc.VectorSubcoreMesh(core_axis_name="c", subcore_axis_name="s")



@functools.partial(
    pl.kernel,
    out_type=jax.ShapeDtypeStruct((NC * 2 * N2,), jnp.float32),
    mesh=_mesh,
    compiler_params=pltpu.CompilerParams(use_tc_tiling_on_sc=False),
    scratch_types=[
        pltpu.VMEM((NCH, CK), jnp.int32),
        pltpu.VMEM((NCH, CK), jnp.int32),
        pltpu.VMEM((CK,), jnp.float32),
        pltpu.VMEM_SHARED((N2,), jnp.float32),
        pltpu.VMEM_SHARED((N2,), jnp.float32),
        pltpu.SemaphoreType.DMA,
        pltpu.SemaphoreType.DMA,
    ],
)
def _degrees(srcr_hbm, dstr_hbm, zeros1_hbm, out_hbm,
             src_v, dst_v, ones_v, acca_sh, accb_sh, sema, semb):
    c = lax.axis_index("c")
    s = lax.axis_index("s")
    for i in range(CK // 16):
        ones_v[pl.ds(i * 16, 16)] = jnp.ones((16,), jnp.float32)
    pltpu.sync_copy(srcr_hbm.at[s], src_v)
    pltpu.sync_copy(dstr_hbm.at[s], dst_v)
    pltpu.sync_copy(zeros1_hbm, acca_sh.at[pl.ds(s * RPT2, RPT2)])
    pltpu.sync_copy(zeros1_hbm, accb_sh.at[pl.ds(s * RPT2, RPT2)])
    plsc.subcore_barrier()

    half = NCH // 2
    W = 8

    def body(j, carry):
        jj = c * half + j
        pltpu.async_copy(ones_v, acca_sh.at[src_v.at[jj]], sema, add=True)
        pltpu.async_copy(ones_v, accb_sh.at[dst_v.at[jj]], semb, add=True)

        @pl.when(j >= W)
        def _():
            jd = jj - W
            pltpu.make_async_copy(ones_v, acca_sh.at[src_v.at[jd]],
                                  sema).wait()
            pltpu.make_async_copy(ones_v, accb_sh.at[dst_v.at[jd]],
                                  semb).wait()
        return carry

    lax.fori_loop(0, half, body, 0)
    for w in range(W):
        jd = c * half + (half - W + w)
        pltpu.make_async_copy(ones_v, acca_sh.at[src_v.at[jd]], sema).wait()
        pltpu.make_async_copy(ones_v, accb_sh.at[dst_v.at[jd]], semb).wait()
    plsc.subcore_barrier()
    pltpu.sync_copy(acca_sh.at[pl.ds(s * RPT2, RPT2)],
                    out_hbm.at[pl.ds((c * 2 + 0) * N2 + s * RPT2, RPT2)])
    pltpu.sync_copy(accb_sh.at[pl.ds(s * RPT2, RPT2)],
                    out_hbm.at[pl.ds((c * 2 + 1) * N2 + s * RPT2, RPT2)])


@functools.partial(
    pl.kernel,
    out_type=jax.ShapeDtypeStruct((NC, N, DH), jnp.float32),
    mesh=_mesh,
    compiler_params=pltpu.CompilerParams(use_tc_tiling_on_sc=False),
    scratch_types=[
        pltpu.VMEM((NCH, CK), jnp.int32),
        pltpu.VMEM((NCH, CK), jnp.int32),
        [pltpu.VMEM((CK, DH), jnp.float32) for _ in range(8)],
        pltpu.VMEM_SHARED((N, DH), jnp.float32),
        [pltpu.SemaphoreType.DMA for _ in range(8)],
    ],
)
def _spmm(y_hbm, srcr_hbm, dstr_hbm, zeros_hbm, out_hbm,
          src_v, dst_v, rows, acc_sh, sems):
    c = lax.axis_index("c")
    s = lax.axis_index("s")
    pltpu.sync_copy(srcr_hbm.at[s], src_v)
    pltpu.sync_copy(dstr_hbm.at[s], dst_v)

    ytab = y_hbm.at[c]

    R = 8
    A = R // 2
    for u in range(A):
        pltpu.async_copy(ytab.at[src_v.at[u]], rows[u], sems[u])

    pltpu.sync_copy(zeros_hbm, acc_sh.at[pl.ds(s * RPT, RPT)])
    plsc.subcore_barrier()

    def body(jj, carry):
        base = R * jj
        for u in range(R):
            k = base + u
            pltpu.make_async_copy(ytab.at[src_v.at[k]], rows[u],
                                  sems[u]).wait()
            pltpu.async_copy(rows[u], acc_sh.at[dst_v.at[k]], sems[u],
                             add=True)
            v = (u + A) % R
            kf = k - A

            @pl.when(kf >= 0)
            def _():
                pltpu.make_async_copy(rows[v], acc_sh.at[dst_v.at[kf]],
                                      sems[v]).wait()

            @pl.when(k + A < NCH)
            def _():
                pltpu.async_copy(ytab.at[src_v.at[k + A]], rows[v], sems[v])
        return carry

    lax.fori_loop(0, NCH // R, body, 0)
    tail = NCH - (NCH // R) * R
    for k in range(NCH - tail, NCH):
        u = k % R
        pltpu.make_async_copy(ytab.at[src_v.at[k]], rows[u], sems[u]).wait()
        pltpu.async_copy(rows[u], acc_sh.at[dst_v.at[k]], sems[u], add=True)
    for k in range(NCH - (A + tail), NCH):
        u = k % R
        pltpu.make_async_copy(rows[u], acc_sh.at[dst_v.at[k]], sems[u]).wait()

    plsc.subcore_barrier()
    pltpu.sync_copy(acc_sh.at[pl.ds(s * RPT, RPT)],
                    out_hbm.at[c, pl.ds(s * RPT, RPT)])



def _matmul1_body(x_ref, w1_ref, y_ref):
    y = jnp.dot(x_ref[...].astype(jnp.bfloat16), w1_ref[...],
                preferred_element_type=jnp.float32)
    y_ref[0] = y[:, :DH]
    y_ref[1] = y[:, DH:]


def _norm1_body(yp_ref, degp_ref, y1_ref, ns_ref, nd_ref):
    dp = degp_ref[...]
    dsum = dp[0] + dp[1]
    ns = lax.rsqrt(jnp.maximum(dsum[0], 1.0))
    nd = lax.rsqrt(jnp.maximum(dsum[1], 1.0))
    y1_ref[0] = yp_ref[0] * ns
    y1_ref[1] = yp_ref[1] * ns
    ns_ref[...] = ns
    nd_ref[...] = nd


def _dense2_body(aggp_ref, ns_ref, nd_ref, b1_ref, w2_ref, y2_ref):
    agg = jnp.concatenate([aggp_ref[0], aggp_ref[1]], axis=1)
    h1 = jnp.maximum(agg * nd_ref[...] + b1_ref[...], 0.0)
    y = jnp.dot((h1 * ns_ref[...]).astype(jnp.bfloat16), w2_ref[...],
                preferred_element_type=jnp.float32)
    y2_ref[0] = y[:, :DH]
    y2_ref[1] = y[:, DH:]


def _final_body(aggp_ref, nd_ref, b2_ref, emb_ref, acc_h, acc_n):
    i = pl.program_id(0)
    agg = jnp.concatenate([aggp_ref[0], aggp_ref[1]], axis=1)
    h2 = agg * nd_ref[...] + b2_ref[...]
    rs = jnp.sum(h2, axis=0, keepdims=True)
    rn = jnp.sum(jnp.sqrt(jnp.sum(h2 * h2, axis=1, keepdims=True)))

    @pl.when(i == 0)
    def _():
        acc_h[...] = rs
        acc_n[0, 0] = rn

    @pl.when(i > 0)
    def _():
        acc_h[...] = acc_h[...] + rs
        acc_n[0, 0] = acc_n[0, 0] + rn

    @pl.when(i == GRID - 1)
    def _():
        emb_ref[...] = acc_h[...] * (np.sqrt(float(D)) * N / acc_n[0, 0])


_matmul1 = pl.pallas_call(
    _matmul1_body,
    grid=(GRID,),
    in_specs=[
        pl.BlockSpec((BM, F), lambda i: (i, 0)),
        pl.BlockSpec((F, D), lambda i: (0, 0)),
    ],
    out_specs=pl.BlockSpec((NC, BM, DH), lambda i: (0, i, 0)),
    out_shape=jax.ShapeDtypeStruct((NC, N, DH), jnp.float32),
)

_norm1 = pl.pallas_call(
    _norm1_body,
    grid=(GRID,),
    in_specs=[
        pl.BlockSpec((NC, BM, DH), lambda i: (0, i, 0)),
        pl.BlockSpec((NC, 2, BM, 1), lambda i: (0, 0, i, 0)),
    ],
    out_specs=[
        pl.BlockSpec((NC, BM, DH), lambda i: (0, i, 0)),
        pl.BlockSpec((BM, 1), lambda i: (i, 0)),
        pl.BlockSpec((BM, 1), lambda i: (i, 0)),
    ],
    out_shape=[
        jax.ShapeDtypeStruct((NC, N, DH), jnp.float32),
        jax.ShapeDtypeStruct((N, 1), jnp.float32),
        jax.ShapeDtypeStruct((N, 1), jnp.float32),
    ],
)

_dense2 = pl.pallas_call(
    _dense2_body,
    grid=(GRID,),
    in_specs=[
        pl.BlockSpec((NC, BM, DH), lambda i: (0, i, 0)),
        pl.BlockSpec((BM, 1), lambda i: (i, 0)),
        pl.BlockSpec((BM, 1), lambda i: (i, 0)),
        pl.BlockSpec((1, D), lambda i: (0, 0)),
        pl.BlockSpec((D, D), lambda i: (0, 0)),
    ],
    out_specs=pl.BlockSpec((NC, BM, DH), lambda i: (0, i, 0)),
    out_shape=jax.ShapeDtypeStruct((NC, N, DH), jnp.float32),
)

_final = pl.pallas_call(
    _final_body,
    grid=(GRID,),
    in_specs=[
        pl.BlockSpec((NC, BM, DH), lambda i: (0, i, 0)),
        pl.BlockSpec((BM, 1), lambda i: (i, 0)),
        pl.BlockSpec((1, D), lambda i: (0, 0)),
    ],
    out_specs=pl.BlockSpec((1, D), lambda i: (0, 0)),
    out_shape=jax.ShapeDtypeStruct((1, D), jnp.float32),
    scratch_shapes=[
        pltpu.VMEM((1, D), jnp.float32),
        pltpu.SMEM((1, 1), jnp.float32),
    ],
)


def kernel(x, edge_index, W1, b1, W2, b2):
    src = edge_index[0].reshape(NS, NCH, CK)
    dst = edge_index[1].reshape(NS, NCH, CK)
    z1 = jnp.zeros((RPT2,), jnp.float32)
    z2 = jnp.zeros((RPT, DH), jnp.float32)

    degp = _degrees(src, dst, z1).reshape(NC, 2, N2, 1)[:, :, :N, :]
    y = _matmul1(x, W1.astype(jnp.bfloat16))
    y1, ns, nd = _norm1(y, degp)
    agg1 = _spmm(y1, src, dst, z2)
    y2 = _dense2(agg1, ns, nd, b1.reshape(1, D), W2.astype(jnp.bfloat16))
    agg2 = _spmm(y2, src, dst, z2)
    emb = _final(agg2, nd, b2.reshape(1, D))
    return emb

# --- scband reference (transcript-rebuilt; emitter-appended) ---
"""Pipeline reference for scband-gnn-49967649521735 (READ-ONLY COPY).

The authoritative reference and input builder live on the scoring server;
editing this copy changes nothing except your own understanding.
"""

import jax, jax.numpy as jnp
import numpy as np

N = 10000
E = 320000
F = 128
D = 128


def setup_inputs(seed: int = 0) -> dict:
    key = jax.random.key(seed)
    ks = jax.random.split(key, 6)
    x = jax.random.normal(ks[0], (N, F), dtype=jnp.float32)
    edge_index = jax.random.randint(ks[1], (2, E), 0, N, dtype=jnp.int32)
    # Learned parameters: two GraphConv layers (gcn, n_layer=2)
    W1 = jax.random.normal(ks[2], (F, D), dtype=jnp.float32) * (1.0 / np.sqrt(F))
    b1 = jnp.zeros((D,), dtype=jnp.float32)
    W2 = jax.random.normal(ks[3], (D, D), dtype=jnp.float32) * (1.0 / np.sqrt(D))
    b2 = jnp.zeros((D,), dtype=jnp.float32)
    return {"x": x, "edge_index": edge_index, "W1": W1, "b1": b1, "W2": W2, "b2": b2}


def _gcn_layer(h, W, b, src, dst, activation):
    # DGL GraphConv with norm='both': symmetric normalization, degrees clamped to min 1
    ones = jnp.ones((E,), dtype=jnp.float32)
    deg_out = jnp.clip(jnp.zeros((N,), jnp.float32).at[src].add(ones), 1.0, None)
    deg_in = jnp.clip(jnp.zeros((N,), jnp.float32).at[dst].add(ones), 1.0, None)
    norm_src = deg_out ** -0.5
    norm_dst = deg_in ** -0.5
    h = h * norm_src[:, None]
    # message passing: gather from src, scatter-add to dst
    msg = h[src]
    agg = jnp.zeros((N, h.shape[1]), dtype=jnp.float32).at[dst].add(msg)
    rst = agg @ W
    rst = rst * norm_dst[:, None]
    rst = rst + b
    if activation:
        rst = jax.nn.relu(rst)
    return rst


def reference(x, edge_index, W1, b1, W2, b2):
    src = edge_index[0]
    dst = edge_index[1]
    h = _gcn_layer(x, W1, b1, src, dst, activation=True)
    h = _gcn_layer(h, W2, b2, src, dst, activation=False)
    # factor = sqrt(dim) / mean(||h||) computed as a python float in torch (detached)
    factor = jax.lax.stop_gradient(jnp.sqrt(jnp.float32(D)) / jnp.mean(jnp.linalg.norm(h, axis=1)))
    h = h * factor
    # SumPooling over the single graph in the batch -> [1, D]
    graph_embedding = jnp.sum(h, axis=0, keepdims=True)
    return graph_embedding

if __name__ == "__main__":
    import jax
    _d = setup_inputs()
    print(jax.jit(kernel)(*tuple(_d.values())))

</pallas_src>

<mosaic_0001>
#map = affine_map<(d0, d1) -> (0, 0, 0)>
#map1 = affine_map<(d0, d1) -> (0)>
module attributes {stable_mosaic.version = 14 : i64} {
  func.func @_degrees(%arg0: i32, %arg1: i32, %arg2: memref<16x250x80xi32, #tpu.memory_space<hbm>>, %arg3: memref<16x250x80xi32, #tpu.memory_space<hbm>>, %arg4: memref<640xf32, #tpu.memory_space<hbm>>, %arg5: memref<40960xf32, #tpu.memory_space<hbm>>, %arg6: memref<250x80xi32, #tpu.memory_space<vmem>>, %arg7: memref<250x80xi32, #tpu.memory_space<vmem>>, %arg8: memref<80xf32, #tpu.memory_space<vmem>>, %arg9: memref<10240xf32, #tpu.memory_space<vmem_shared>>, %arg10: memref<10240xf32, #tpu.memory_space<vmem_shared>>, %arg11: memref<!tpu.dma_semaphore, #tpu.memory_space<semaphore_mem>>, %arg12: memref<!tpu.dma_semaphore, #tpu.memory_space<semaphore_mem>>) attributes {dimension_semantics = [#tpu.dimension_semantics<core_parallel>, #tpu.dimension_semantics<subcore_parallel>], iteration_bounds = array<i64: 2, 16>, scalar_prefetch = 0 : i64, scratch_operands = 7 : i64, tpu.core_type = #tpu.core_type<sc_vector_subcore>, window_params = [{transform_indices = #map}, {transform_indices = #map}, {transform_indices = #map1}, {transform_indices = #map1}]} {
    %broadcast_in_dim3A = arith.constant 1.000000e+00 : f32
    %broadcast_in_dim3A_0 = vector.broadcast %broadcast_in_dim3A : f32 to vector<16xf32>
    %swap3A = arith.constant 0 : index
    %swap3A_1 = tpu.vector_load %arg8[%swap3A] {strides = array<i32>} : memref<80xf32, #tpu.memory_space<vmem>>, vector<16xf32>,
    %swap3A_2 = vector.shape_cast %swap3A_1 : vector<16xf32> to vector<16xf32>
    %swap3A_3 = vector.shape_cast %broadcast_in_dim3A_0 : vector<16xf32> to vector<16xf32>
    tpu.vector_store %arg8[%swap3A], %swap3A_3 {strides = array<i32>} : memref<80xf32, #tpu.memory_space<vmem>>, vector<16xf32>,
    %broadcast_in_dim3A_4 = arith.constant 1.000000e+00 : f32
    %broadcast_in_dim3A_5 = vector.broadcast %broadcast_in_dim3A_4 : f32 to vector<16xf32>
    %swap3A_6 = arith.constant 16 : index
    %swap3A_7 = tpu.vector_load %arg8[%swap3A_6] {strides = array<i32>} : memref<80xf32, #tpu.memory_space<vmem>>, vector<16xf32>,
    %swap3A_8 = vector.shape_cast %swap3A_7 : vector<16xf32> to vector<16xf32>
    %swap3A_9 = vector.shape_cast %broadcast_in_dim3A_5 : vector<16xf32> to vector<16xf32>
    tpu.vector_store %arg8[%swap3A_6], %swap3A_9 {strides = array<i32>} : memref<80xf32, #tpu.memory_space<vmem>>, vector<16xf32>,
    %broadcast_in_dim3A_10 = arith.constant 1.000000e+00 : f32
    %broadcast_in_dim3A_11 = vector.broadcast %broadcast_in_dim3A_10 : f32 to vector<16xf32>
    %swap3A_12 = arith.constant 32 : index
    %swap3A_13 = tpu.vector_load %arg8[%swap3A_12] {strides = array<i32>} : memref<80xf32, #tpu.memory_space<vmem>>, vector<16xf32>,
    %swap3A_14 = vector.shape_cast %swap3A_13 : vector<16xf32> to vector<16xf32>
    %swap3A_15 = vector.shape_cast %broadcast_in_dim3A_11 : vector<16xf32> to vector<16xf32>
    tpu.vector_store %arg8[%swap3A_12], %swap3A_15 {strides = array<i32>} : memref<80xf32, #tpu.memory_space<vmem>>, vector<16xf32>,
    %broadcast_in_dim3A_16 = arith.constant 1.000000e+00 : f32
    %broadcast_in_dim3A_17 = vector.broadcast %broadcast_in_dim3A_16 : f32 to vector<16xf32>
    %swap3A_18 = arith.constant 48 : index
    %swap3A_19 = tpu.vector_load %arg8[%swap3A_18] {strides = array<i32>} : memref<80xf32, #tpu.memory_space<vmem>>, vector<16xf32>,
    %swap3A_20 = vector.shape_cast %swap3A_19 : vector<16xf32> to vector<16xf32>
    %swap3A_21 = vector.shape_cast %broadcast_in_dim3A_17 : vector<16xf32> to vector<16xf32>
    tpu.vector_store %arg8[%swap3A_18], %swap3A_21 {strides = array<i32>} : memref<80xf32, #tpu.memory_space<vmem>>, vector<16xf32>,
    %broadcast_in_dim3A_22 = arith.constant 1.000000e+00 : f32
    %broadcast_in_dim3A_23 = vector.broadcast %broadcast_in_dim3A_22 : f32 to vector<16xf32>
    %swap3A_24 = arith.constant 64 : index
    %swap3A_25 = tpu.vector_load %arg8[%swap3A_24] {strides = array<i32>} : memref<80xf32, #tpu.memory_space<vmem>>, vector<16xf32>,
    %swap3A_26 = vector.shape_cast %swap3A_25 : vector<16xf32> to vector<16xf32>
    %swap3A_27 = vector.shape_cast %broadcast_in_dim3A_23 : vector<16xf32> to vector<16xf32>
    tpu.vector_store %arg8[%swap3A_24], %swap3A_27 {strides = array<i32>} : memref<80xf32, #tpu.memory_space<vmem>>, vector<16xf32>,
    "tpu.region"() ({
      %run_scoped3A = tpu.sem_alloc : memref<!tpu.dma_semaphore, #tpu.memory_space<semaphore_mem>>
      %dma_start3A = arith.constant 0 : i32
      %dma_start3A_169 = arith.constant 0 : i32
      %dma_start3A_170 = tpu.memref_slice %arg2[%arg1, %dma_start3A, %dma_start3A_169] : memref<16x250x80xi32, #tpu.memory_space<hbm>> -> memref<1x250x80xi32, #tpu.memory_space<hbm>>
      %dma_start3A_171 = tpu.memref_squeeze %dma_start3A_170 : memref<1x250x80xi32, #tpu.memory_space<hbm>> -> memref<250x80xi32, #tpu.memory_space<hbm>>
      %dma_start3A_172 = arith.constant 0 : i32
      %dma_start3A_173 = arith.constant 0 : i32
      %dma_start3A_174 = tpu.memref_slice %arg2[%arg1, %dma_start3A_172, %dma_start3A_173] : memref<16x250x80xi32, #tpu.memory_space<hbm>> -> memref<1x250x80xi32, #tpu.memory_space<hbm>>
      %dma_start3A_175 = tpu.memref_squeeze %dma_start3A_174 : memref<1x250x80xi32, #tpu.memory_space<hbm>> -> memref<250x80xi32, #tpu.memory_space<hbm>>
      tpu.enqueue_dma source(%dma_start3A_175 : memref<250x80xi32, #tpu.memory_space<hbm>>) target(%arg6 : memref<250x80xi32, #tpu.memory_space<vmem>>) target_semaphore(%run_scoped3A : memref<!tpu.dma_semaphore, #tpu.memory_space<semaphore_mem>>)
      %dma_wait3A_176 = arith.constant 0 : i32
      %dma_wait3A_177 = arith.constant 0 : i32
      %dma_wait3A_178 = tpu.memref_slice %arg2[%arg1, %dma_wait3A_176, %dma_wait3A_177] : memref<16x250x80xi32, #tpu.memory_space<hbm>> -> memref<1x250x80xi32, #tpu.memory_space<hbm>>
      %dma_wait3A_179 = tpu.memref_squeeze %dma_wait3A_178 : memref<1x250x80xi32, #tpu.memory_space<hbm>> -> memref<250x80xi32, #tpu.memory_space<hbm>>
      %dma_wait3A_180 = arith.constant 0 : i32
      %dma_wait3A_181 = arith.constant 0 : i32
      %dma_wait3A_182 = tpu.memref_slice %arg2[%arg1, %dma_wait3A_180, %dma_wait3A_181] : memref<16x250x80xi32, #tpu.memory_space<hbm>> -> memref<1x250x80xi32, #tpu.memory_space<hbm>>
      %dma_wait3A_183 = tpu.memref_squeeze %dma_wait3A_182 : memref<1x250x80xi32, #tpu.memory_space<hbm>> -> memref<250x80xi32, #tpu.memory_space<hbm>>
      tpu.wait_dma2 semaphore(%run_scoped3A : memref<!tpu.dma_semaphore, #tpu.memory_space<semaphore_mem>>) src(%dma_wait3A_183 : memref<250x80xi32, #tpu.memory_space<hbm>>) dst(%arg6 : memref<250x80xi32, #tpu.memory_space<vmem>>)
      tpu.yield
    }) : () -> ()
    "tpu.region"() ({
      %run_scoped3A = tpu.sem_alloc : memref<!tpu.dma_semaphore, #tpu.memory_space<semaphore_mem>>
      %dma_start3A = arith.constant 0 : i32
      %dma_start3A_169 = arith.constant 0 : i32
      %dma_start3A_170 = tpu.memref_slice %arg3[%arg1, %dma_start3A, %dma_start3A_169] : memref<16x250x80xi32, #tpu.memory_space<hbm>> -> memref<1x250x80xi32, #tpu.memory_space<hbm>>
      %dma_start3A_171 = tpu.memref_squeeze %dma_start3A_170 : memref<1x250x80xi32, #tpu.memory_space<hbm>> -> memref<250x80xi32, #tpu.memory_space<hbm>>
      %dma_start3A_172 = arith.constant 0 : i32
      %dma_start3A_173 = arith.constant 0 : i32
      %dma_start3A_174 = tpu.memref_slice %arg3[%arg1, %dma_start3A_172, %dma_start3A_173] : memref<16x250x80xi32, #tpu.memory_space<hbm>> -> memref<1x250x80xi32, #tpu.memory_space<hbm>>
      %dma_start3A_175 = tpu.memref_squeeze %dma_start3A_174 : memref<1x250x80xi32, #tpu.memory_space<hbm>> -> memref<250x80xi32, #tpu.memory_space<hbm>>
      tpu.enqueue_dma source(%dma_start3A_175 : memref<250x80xi32, #tpu.memory_space<hbm>>) target(%arg7 : memref<250x80xi32, #tpu.memory_space<vmem>>) target_semaphore(%run_scoped3A : memref<!tpu.dma_semaphore, #tpu.memory_space<semaphore_mem>>)
      %dma_wait3A_176 = arith.constant 0 : i32
      %dma_wait3A_177 = arith.constant 0 : i32
      %dma_wait3A_178 = tpu.memref_slice %arg3[%arg1, %dma_wait3A_176, %dma_wait3A_177] : memref<16x250x80xi32, #tpu.memory_space<hbm>> -> memref<1x250x80xi32, #tpu.memory_space<hbm>>
      %dma_wait3A_179 = tpu.memref_squeeze %dma_wait3A_178 : memref<1x250x80xi32, #tpu.memory_space<hbm>> -> memref<250x80xi32, #tpu.memory_space<hbm>>
      %dma_wait3A_180 = arith.constant 0 : i32
      %dma_wait3A_181 = arith.constant 0 : i32
      %dma_wait3A_182 = tpu.memref_slice %arg3[%arg1, %dma_wait3A_180, %dma_wait3A_181] : memref<16x250x80xi32, #tpu.memory_space<hbm>> -> memref<1x250x80xi32, #tpu.memory_space<hbm>>
      %dma_wait3A_183 = tpu.memref_squeeze %dma_wait3A_182 : memref<1x250x80xi32, #tpu.memory_space<hbm>> -> memref<250x80xi32, #tpu.memory_space<hbm>>
      tpu.wait_dma2 semaphore(%run_scoped3A : memref<!tpu.dma_semaphore, #tpu.memory_space<semaphore_mem>>) src(%dma_wait3A_183 : memref<250x80xi32, #tpu.memory_space<hbm>>) dst(%arg7 : memref<250x80xi32, #tpu.memory_space<vmem>>)
      tpu.yield
    }) : () -> ()
    %mul3A = arith.constant 640 : i32
    %mul3A_28 = arith.muli %arg1, %mul3A : i32
    "tpu.region"() ({
      %run_scoped3A = tpu.sem_alloc : memref<!tpu.dma_semaphore, #tpu.memory_space<semaphore_mem>>
      %dma_start3A = tpu.memref_slice %arg9[%mul3A_28] : memref<10240xf32, #tpu.memory_space<vmem_shared>> -> memref<640xf32, #tpu.memory_space<vmem_shared>>
      tpu.enqueue_dma source(%arg4 : memref<640xf32, #tpu.memory_space<hbm>>) target(%dma_start3A : memref<640xf32, #tpu.memory_space<vmem_shared>>) target_semaphore(%run_scoped3A : memref<!tpu.dma_semaphore, #tpu.memory_space<semaphore_mem>>)
      %dma_wait3A_169 = tpu.memref_slice %arg9[%mul3A_28] : memref<10240xf32, #tpu.memory_space<vmem_shared>> -> memref<640xf32, #tpu.memory_space<vmem_shared>>
      tpu.wait_dma2 semaphore(%run_scoped3A : memref<!tpu.dma_semaphore, #tpu.memory_space<semaphore_mem>>) src(%arg4 : memref<640xf32, #tpu.memory_space<hbm>>) dst(%dma_wait3A_169 : memref<640xf32, #tpu.memory_space<vmem_shared>>)
      tpu.yield
    }) : () -> ()
    %mul3A_29 = arith.constant 640 : i32
    %mul3A_30 = arith.muli %arg1, %mul3A_29 : i32
    "tpu.region"() ({
      %run_scoped3A = tpu.sem_alloc : memref<!tpu.dma_semaphore, #tpu.memory_space<semaphore_mem>>
      %dma_start3A = tpu.memref_slice %arg10[%mul3A_30] : memref<10240xf32, #tpu.memory_space<vmem_shared>> -> memref<640xf32, #tpu.memory_space<vmem_shared>>
      tpu.enqueue_dma source(%arg4 : memref<640xf32, #tpu.memory_space<hbm>>) target(%dma_start3A : memref<640xf32, #tpu.memory_space<vmem_shared>>) target_semaphore(%run_scoped3A : memref<!tpu.dma_semaphore, #tpu.memory_space<semaphore_mem>>)
      %dma_wait3A_169 = tpu.memref_slice %arg10[%mul3A_30] : memref<10240xf32, #tpu.memory_space<vmem_shared>> -> memref<640xf32, #tpu.memory_space<vmem_shared>>
      tpu.wait_dma2 semaphore(%run_scoped3A : memref<!tpu.dma_semaphore, #tpu.memory_space<semaphore_mem>>) src(%arg4 : memref<640xf32, #tpu.memory_space<hbm>>) dst(%dma_wait3A_169 : memref<640xf32, #tpu.memory_space<vmem_shared>>)
      tpu.yield
    }) : () -> ()
    %barrier3A = arith.constant 0 : index
    tpu.barrier barrier_id(%barrier3A)
    %scan3A = arith.constant 0 : i32
    %scan3A_31 = arith.constant 0 : i32
    %scan3A_32 = arith.constant 125 : i32
    %scan3A_33 = arith.addi %scan3A_31, %scan3A_32 : i32
    %scan3A_34 = arith.constant 1 : i32
    scf.for %scan3A_169 = %scan3A_31 to %scan3A_33 step %scan3A_34  : i32 {
      %mul3A_170 = arith.constant 125 : i32
      %mul3A_171 = arith.muli %arg0, %mul3A_170 : i32
      %add3A_172 = arith.addi %mul3A_171, %scan3A_169 : i32
      %dma_start3A = arith.constant 0 : i32
      %dma_start3A_173 = tpu.memref_slice %arg6[%add3A_172, %dma_start3A] : memref<250x80xi32, #tpu.memory_space<vmem>> -> memref<1x80xi32, #tpu.memory_space<vmem>>
      %dma_start3A_174 = tpu.memref_squeeze %dma_start3A_173 : memref<1x80xi32, #tpu.memory_space<vmem>> -> memref<80xi32, #tpu.memory_space<vmem>>
      %dma_start3A_175 = arith.constant 0 : i32
      %dma_start3A_176 = tpu.memref_slice %arg9[%dma_start3A_175] : memref<10240xf32, #tpu.memory_space<vmem_shared>> -> memref<10240xf32, #tpu.memory_space<vmem_shared>>
      tpu.enqueue_indirect_dma source(%arg8 : memref<80xf32, #tpu.memory_space<vmem>>) target(%dma_start3A_176 : memref<10240xf32, #tpu.memory_space<vmem_shared>>) offsets(%dma_start3A_174 : memref<80xi32, #tpu.memory_space<vmem>>) semaphore(%arg11 : memref<!tpu.dma_semaphore, #tpu.memory_space<semaphore_mem>>) {add = true}
      %dma_start3A_177 = arith.constant 0 : i32
      %dma_start3A_178 = tpu.memref_slice %arg7[%add3A_172, %dma_start3A_177] : memref<250x80xi32, #tpu.memory_space<vmem>> -> memref<1x80xi32, #tpu.memory_space<vmem>>
      %dma_start3A_179 = tpu.memref_squeeze %dma_start3A_178 : memref<1x80xi32, #tpu.memory_space<vmem>> -> memref<80xi32, #tpu.memory_space<vmem>>
      %dma_start3A_180 = arith.constant 0 : i32
      %dma_start3A_181 = tpu.memref_slice %arg10[%dma_start3A_180] : memref<10240xf32, #tpu.memory_space<vmem_shared>> -> memref<10240xf32, #tpu.memory_space<vmem_shared>>
      tpu.enqueue_indirect_dma source(%arg8 : memref<80xf32, #tpu.memory_space<vmem>>) target(%dma_start3A_181 : memref<10240xf32, #tpu.memory_space<vmem_shared>>) offsets(%dma_start3A_179 : memref<80xi32, #tpu.memory_space<vmem>>) semaphore(%arg12 : memref<!tpu.dma_semaphore, #tpu.memory_space<semaphore_mem>>) {add = true}
      %ge3A = arith.constant 8 : i32
      %ge3A_182 = arith.cmpi sge, %scan3A_169, %ge3A : i32
      %convert_element_type3A = arith.extui %ge3A_182 : i1 to i32
      %cond3A = arith.constant 0 : i32
      %cond3A_183 = arith.cmpi ne, %convert_element_type3A, %cond3A : i32
      scf.if %cond3A_183 {
        %sub3A = arith.constant 8 : i32
        %sub3A_184 = arith.subi %add3A_172, %sub3A : i32
        %dma_wait3A_185 = arith.constant 0 : i32
        %dma_wait3A_186 = tpu.memref_slice %arg6[%sub3A_184, %dma_wait3A_185] : memref<250x80xi32, #tpu.memory_space<vmem>> -> memref<1x80xi32, #tpu.memory_space<vmem>>
        %dma_wait3A_187 = tpu.memref_squeeze %dma_wait3A_186 : memref<1x80xi32, #tpu.memory_space<vmem>> -> memref<80xi32, #tpu.memory_space<vmem>>
        %dma_wait3A_188 = arith.constant 0 : i32
        %dma_wait3A_189 = tpu.memref_slice %arg9[%dma_wait3A_188] : memref<10240xf32, #tpu.memory_space<vmem_shared>> -> memref<10240xf32, #tpu.memory_space<vmem_shared>>
        tpu.wait_indirect_dma semaphore(%arg11 : memref<!tpu.dma_semaphore, #tpu.memory_space<semaphore_mem>>) src(%arg8 : memref<80xf32, #tpu.memory_space<vmem>>) dst(%dma_wait3A_189 : memref<10240xf32, #tpu.memory_space<vmem_shared>>)
        %dma_wait3A_190 = arith.constant 0 : i32
        %dma_wait3A_191 = tpu.memref_slice %arg7[%sub3A_184, %dma_wait3A_190] : memref<250x80xi32, #tpu.memory_space<vmem>> -> memref<1x80xi32, #tpu.memory_space<vmem>>
        %dma_wait3A_192 = tpu.memref_squeeze %dma_wait3A_191 : memref<1x80xi32, #tpu.memory_space<vmem>> -> memref<80xi32, #tpu.memory_space<vmem>>
        %dma_wait3A_193 = arith.constant 0 : i32
        %dma_wait3A_194 = tpu.memref_slice %arg10[%dma_wait3A_193] : memref<10240xf32, #tpu.memory_space<vmem_shared>> -> memref<10240xf32, #tpu.memory_space<vmem_shared>>
        tpu.wait_indirect_dma semaphore(%arg12 : memref<!tpu.dma_semaphore, #tpu.memory_space<semaphore_mem>>) src(%arg8 : memref<80xf32, #tpu.memory_space<vmem>>) dst(%dma_wait3A_194 : memref<10240xf32, #tpu.memory_space<vmem_shared>>)
      } else {
      }
    }
    %scan3A_35 = arith.constant 125 : i32
    %mul3A_36 = arith.constant 125 : i32
    %mul3A_37 = arith.muli %arg0, %mul3A_36 : i32
    %add3A = arith.constant 117 : i32
    %add3A_38 = arith.addi %mul3A_37, %add3A : i32
    %dma_wait3A = arith.constant 0 : i32
    %dma_wait3A_39 = tpu.memref_slice %arg6[%add3A_38, %dma_wait3A] : memref<250x80xi32, #tpu.memory_space<vmem>> -> memref<1x80xi32, #tpu.memory_space<vmem>>
    %dma_wait3A_40 = tpu.memref_squeeze %dma_wait3A_39 : memref<1x80xi32, #tpu.memory_space<vmem>> -> memref<80xi32, #tpu.memory_space<vmem>>
    %dma_wait3A_41 = arith.constant 0 : i32
    %dma_wait3A_42 = tpu.memref_slice %arg9[%dma_wait3A_41] : memref<10240xf32, #tpu.memory_space<vmem_shared>> -> memref<10240xf32, #tpu.memory_space<vmem_shared>>
    tpu.wait_indirect_dma semaphore(%arg11 : memref<!tpu.dma_semaphore, #tpu.memory_space<semaphore_mem>>) src(%arg8 : memref<80xf32, #tpu.memory_space<vmem>>) dst(%dma_wait3A_42 : memref<10240xf32, #tpu.memory_space<vmem_shared>>)
    %dma_wait3A_43 = arith.constant 0 : i32
    %dma_wait3A_44 = tpu.memref_slice %arg7[%add3A_38, %dma_wait3A_43] : memref<250x80xi32, #tpu.memory_space<vmem>> -> memref<1x80xi32, #tpu.memory_space<vmem>>
    %dma_wait3A_45 = tpu.memref_squeeze %dma_wait3A_44 : memref<1x80xi32, #tpu.memory_space<vmem>> -> memref<80xi32, #tpu.memory_space<vmem>>
    %dma_wait3A_46 = arith.constant 0 : i32
    %dma_wait3A_47 = tpu.memref_slice %arg10[%dma_wait3A_46] : memref<10240xf32, #tpu.memory_space<vmem_shared>> -> memref<10240xf32, #tpu.memory_space<vmem_shared>>
    tpu.wait_indirect_dma semaphore(%arg12 : memref<!tpu.dma_semaphore, #tpu.memory_space<semaphore_mem>>) src(%arg8 : memref<80xf32, #tpu.memory_space<vmem>>) dst(%dma_wait3A_47 : memref<10240xf32, #tpu.memory_space<vmem_shared>>)
    %mul3A_48 = arith.constant 125 : i32
    %mul3A_49 = arith.muli %arg0, %mul3A_48 : i32
    %add3A_50 = arith.constant 118 : i32
    %add3A_51 = arith.addi %mul3A_49, %add3A_50 : i32
    %dma_wait3A_52 = arith.constant 0 : i32
    %dma_wait3A_53 = tpu.memref_slice %arg6[%add3A_51, %dma_wait3A_52] : memref<250x80xi32, #tpu.memory_space<vmem>> -> memref<1x80xi32, #tpu.memory_space<vmem>>
    %dma_wait3A_54 = tpu.memref_squeeze %dma_wait3A_53 : memref<1x80xi32, #tpu.memory_space<vmem>> -> memref<80xi32, #tpu.memory_space<vmem>>
    %dma_wait3A_55 = arith.constant 0 : i32
    %dma_wait3A_56 = tpu.memref_slice %arg9[%dma_wait3A_55] : memref<10240xf32, #tpu.memory_space<vmem_shared>> -> memref<10240xf32, #tpu.memory_space<vmem_shared>>
    tpu.wait_indirect_dma semaphore(%arg11 : memref<!tpu.dma_semaphore, #tpu.memory_space<semaphore_mem>>) src(%arg8 : memref<80xf32, #tpu.memory_space<vmem>>) dst(%dma_wait3A_56 : memref<10240xf32, #tpu.memory_space<vmem_shared>>)
    %dma_wait3A_57 = arith.constant 0 : i32
    %dma_wait3A_58 = tpu.memref_slice %arg7[%add3A_51, %dma_wait3A_57] : memref<250x80xi32, #tpu.memory_space<vmem>> -> memref<1x80xi32, #tpu.memory_space<vmem>>
    %dma_wait3A_59 = tpu.memref_squeeze %dma_wait3A_58 : memref<1x80xi32, #tpu.memory_space<vmem>> -> memref<80xi32, #tpu.memory_space<vmem>>
    %dma_wait3A_60 = arith.constant 0 : i32
    %dma_wait3A_61 = tpu.memref_slice %arg10[%dma_wait3A_60] : memref<10240xf32, #tpu.memory_space<vmem_shared>> -> memref<10240xf32, #tpu.memory_space<vmem_shared>>
    tpu.wait_indirect_dma semaphore(%arg12 : memref<!tpu.dma_semaphore, #tpu.memory_space<semaphore_mem>>) src(%arg8 : memref<80xf32, #tpu.memory_space<vmem>>) dst(%dma_wait3A_61 : memref<10240xf32, #tpu.memory_space<vmem_shared>>)
    %mul3A_62 = arith.constant 125 : i32
    %mul3A_63 = arith.muli %arg0, %mul3A_62 : i32
    %add3A_64 = arith.constant 119 : i32
    %add3A_65 = arith.addi %mul3A_63, %add3A_64 : i32
    %dma_wait3A_66 = arith.constant 0 : i32
    %dma_wait3A_67 = tpu.memref_slice %arg6[%add3A_65, %dma_wait3A_66] : memref<250x80xi32, #tpu.memory_space<vmem>> -> memref<1x80xi32, #tpu.memory_space<vmem>>
    %dma_wait3A_68 = tpu.memref_squeeze %dma_wait3A_67 : memref<1x80xi32, #tpu.memory_space<vmem>> -> memref<80xi32, #tpu.memory_space<vmem>>
    %dma_wait3A_69 = arith.constant 0 : i32
    %dma_wait3A_70 = tpu.memref_slice %arg9[%dma_wait3A_69] : memref<10240xf32, #tpu.memory_space<vmem_shared>> -> memref<10240xf32, #tpu.memory_space<vmem_shared>>
    tpu.wait_indirect_dma semaphore(%arg11 : memref<!tpu.dma_semaphore, #tpu.memory_space<semaphore_mem>>) src(%arg8 : memref<80xf32, #tpu.memory_space<vmem>>) dst(%dma_wait3A_70 : memref<10240xf32, #tpu.memory_space<vmem_shared>>)
    %dma_wait3A_71 = arith.constant 0 : i32
    %dma_wait3A_72 = tpu.memref_slice %arg7[%add3A_65, %dma_wait3A_71] : memref<250x80xi32, #tpu.memory_space<vmem>> -> memref<1x80xi32, #tpu.memory_space<vmem>>
    %dma_wait3A_73 = tpu.memref_squeeze %dma_wait3A_72 : memref<1x80xi32, #tpu.memory_space<vmem>> -> memref<80xi32, #tpu.memory_space<vmem>>
    %dma_wait3A_74 = arith.constant 0 : i32
    %dma_wait3A_75 = tpu.memref_slice %arg10[%dma_wait3A_74] : memref<10240xf32, #tpu.memory_space<vmem_shared>> -> memref<10240xf32, #tpu.memory_space<vmem_shared>>
    tpu.wait_indirect_dma semaphore(%arg12 : memref<!tpu.dma_semaphore, #tpu.memory_space<semaphore_mem>>) src(%arg8 : memref<80xf32, #tpu.memory_space<vmem>>) dst(%dma_wait3A_75 : memref<10240xf32, #tpu.memory_space<vmem_shared>>)
    %mul3A_76 = arith.constant 125 : i32
    %mul3A_77 = arith.muli %arg0, %mul3A_76 : i32
    %add3A_78 = arith.constant 120 : i32
    %add3A_79 = arith.addi %mul3A_77, %add3A_78 : i32
    %dma_wait3A_80 = arith.constant 0 : i32
    %dma_wait3A_81 = tpu.memref_slice %arg6[%add3A_79, %dma_wait3A_80] : memref<250x80xi32, #tpu.memory_space<vmem>> -> memref<1x80xi32, #tpu.memory_space<vmem>>
    %dma_wait3A_82 = tpu.memref_squeeze %dma_wait3A_81 : memref<1x80xi32, #tpu.memory_space<vmem>> -> memref<80xi32, #tpu.memory_space<vmem>>
    %dma_wait3A_83 = arith.constant 0 : i32
    %dma_wait3A_84 = tpu.memref_slice %arg9[%dma_wait3A_83] : memref<10240xf32, #tpu.memory_space<vmem_shared>> -> memref<10240xf32, #tpu.memory_space<vmem_shared>>
    tpu.wait_indirect_dma semaphore(%arg11 : memref<!tpu.dma_semaphore, #tpu.memory_space<semaphore_mem>>) src(%arg8 : memref<80xf32, #tpu.memory_space<vmem>>) dst(%dma_wait3A_84 : memref<10240xf32, #tpu.memory_space<vmem_shared>>)
    %dma_wait3A_85 = arith.constant 0 : i32
    %dma_wait3A_86 = tpu.memref_slice %arg7[%add3A_79, %dma_wait3A_85] : memref<250x80xi32, #tpu.memory_space<vmem>> -> memref<1x80xi32, #tpu.memory_space<vmem>>
    %dma_wait3A_87 = tpu.memref_squeeze %dma_wait3A_86 : memref<1x80xi32, #tpu.memory_space<vmem>> -> memref<80xi32, #tpu.memory_space<vmem>>
    %dma_wait3A_88 = arith.constant 0 : i32
    %dma_wait3A_89 = tpu.memref_slice %arg10[%dma_wait3A_88] : memref<10240xf32, #tpu.memory_space<vmem_shared>> -> memref<10240xf32, #tpu.memory_space<vmem_shared>>
    tpu.wait_indirect_dma semaphore(%arg12 : memref<!tpu.dma_semaphore, #tpu.memory_space<semaphore_mem>>) src(%arg8 : memref<80xf32, #tpu.memory_space<vmem>>) dst(%dma_wait3A_89 : memref<10240xf32, #tpu.memory_space<vmem_shared>>)
    %mul3A_90 = arith.constant 125 : i32
    %mul3A_91 = arith.muli %arg0, %mul3A_90 : i32
    %add3A_92 = arith.constant 121 : i32
    %add3A_93 = arith.addi %mul3A_91, %add3A_92 : i32
    %dma_wait3A_94 = arith.constant 0 : i32
    %dma_wait3A_95 = tpu.memref_slice %arg6[%add3A_93, %dma_wait3A_94] : memref<250x80xi32, #tpu.memory_space<vmem>> -> memref<1x80xi32, #tpu.memory_space<vmem>>
    %dma_wait3A_96 = tpu.memref_squeeze %dma_wait3A_95 : memref<1x80xi32, #tpu.memory_space<vmem>> -> memref<80xi32, #tpu.memory_space<vmem>>
    %dma_wait3A_97 = arith.constant 0 : i32
    %dma_wait3A_98 = tpu.memref_slice %arg9[%dma_wait3A_97] : memref<10240xf32, #tpu.memory_space<vmem_shared>> -> memref<10240xf32, #tpu.memory_space<vmem_shared>>
    tpu.wait_indirect_dma semaphore(%arg11 : memref<!tpu.dma_semaphore, #tpu.memory_space<semaphore_mem>>) src(%arg8 : memref<80xf32, #tpu.memory_space<vmem>>) dst(%dma_wait3A_98 : memref<10240xf32, #tpu.memory_space<vmem_shared>>)
    %dma_wait3A_99 = arith.constant 0 : i32
    %dma_wait3A_100 = tpu.memref_slice %arg7[%add3A_93, %dma_wait3A_99] : memref<250x80xi32, #tpu.memory_space<vmem>> -> memref<1x80xi32, #tpu.memory_space<vmem>>
    %dma_wait3A_101 = tpu.memref_squeeze %dma_wait3A_100 : memref<1x80xi32, #tpu.memory_space<vmem>> -> memref<80xi32, #tpu.memory_space<vmem>>
    %dma_wait3A_102 = arith.constant 0 : i32
    %dma_wait3A_103 = tpu.memref_slice %arg10[%dma_wait3A_102] : memref<10240xf32, #tpu.memory_space<vmem_shared>> -> memref<10240xf32, #tpu.memory_space<vmem_shared>>
    tpu.wait_indirect_dma semaphore(%arg12 : memref<!tpu.dma_semaphore, #tpu.memory_space<semaphore_mem>>) src(%arg8 : memref<80xf32, #tpu.memory_space<vmem>>) dst(%dma_wait3A_103 : memref<10240xf32, #tpu.memory_space<vmem_shared>>)
    %mul3A_104 = arith.constant 125 : i32
    %mul3A_105 = arith.muli %arg0, %mul3A_104 : i32
    %add3A_106 = arith.constant 122 : i32
    %add3A_107 = arith.addi %mul3A_105, %add3A_106 : i32
    %dma_wait3A_108 = arith.constant 0 : i32
    %dma_wait3A_109 = tpu.memref_slice %arg6[%add3A_107, %dma_wait3A_108] : memref<250x80xi32, #tpu.memory_space<vmem>> -> memref<1x80xi32, #tpu.memory_space<vmem>>
    %dma_wait3A_110 = tpu.memref_squeeze %dma_wait3A_109 : memref<1x80xi32, #tpu.memory_space<vmem>> -> memref<80xi32, #tpu.memory_space<vmem>>
    %dma_wait3A_111 = arith.constant 0 : i32
    %dma_wait3A_112 = tpu.memref_slice %arg9[%dma_wait3A_111] : memref<10240xf32, #tpu.memory_space<vmem_shared>> -> memref<10240xf32, #tpu.memory_space<vmem_shared>>
    tpu.wait_indirect_dma semaphore(%arg11 : memref<!tpu.dma_semaphore, #tpu.memory_space<semaphore_mem>>) src(%arg8 : memref<80xf32, #tpu.memory_space<vmem>>) dst(%dma_wait3A_112 : memref<10240xf32, #tpu.memory_space<vmem_shared>>)
    %dma_wait3A_113 = arith.constant 0 : i32
    %dma_wait3A_114 = tpu.memref_slice %arg7[%add3A_107, %dma_wait3A_113] : memref<250x80xi32, #tpu.memory_space<vmem>> -> memref<1x80xi32, #tpu.memory_space<vmem>>
    %dma_wait3A_115 = tpu.memref_squeeze %dma_wait3A_114 : memref<1x80xi32, #tpu.memory_space<vmem>> -> memref<80xi32, #tpu.memory_space<vmem>>
    %dma_wait3A_116 = arith.constant 0 : i32
    %dma_wait3A_117 = tpu.memref_slice %arg10[%dma_wait3A_116] : memref<10240xf32, #tpu.memory_space<vmem_shared>> -> memref<10240xf32, #tpu.memory_space<vmem_shared>>
    tpu.wait_indirect_dma semaphore(%arg12 : memref<!tpu.dma_semaphore, #tpu.memory_space<semaphore_mem>>) src(%arg8 : memref<80xf32, #tpu.memory_space<vmem>>) dst(%dma_wait3A_117 : memref<10240xf32, #tpu.memory_space<vmem_shared>>)
    %mul3A_118 = arith.constant 125 : i32
    %mul3A_119 = arith.muli %arg0, %mul3A_118 : i32
    %add3A_120 = arith.constant 123 : i32
    %add3A_121 = arith.addi %mul3A_119, %add3A_120 : i32
    %dma_wait3A_122 = arith.constant 0 : i32
    %dma_wait3A_123 = tpu.memref_slice %arg6[%add3A_121, %dma_wait3A_122] : memref<250x80xi32, #tpu.memory_space<vmem>> -> memref<1x80xi32, #tpu.memory_space<vmem>>
    %dma_wait3A_124 = tpu.memref_squeeze %dma_wait3A_123 : memref<1x80xi32, #tpu.memory_space<vmem>> -> memref<80xi32, #tpu.memory_space<vmem>>
    %dma_wait3A_125 = arith.constant 0 : i32
    %dma_wait3A_126 = tpu.memref_slice %arg9[%dma_wait3A_125] : memref<10240xf32, #tpu.memory_space<vmem_shared>> -> memref<10240xf32, #tpu.memory_space<vmem_shared>>
    tpu.wait_indirect_dma semaphore(%arg11 : memref<!tpu.dma_semaphore, #tpu.memory_space<semaphore_mem>>) src(%arg8 : memref<80xf32, #tpu.memory_space<vmem>>) dst(%dma_wait3A_126 : memref<10240xf32, #tpu.memory_space<vmem_shared>>)
    %dma_wait3A_127 = arith.constant 0 : i32
    %dma_wait3A_128 = tpu.memref_slice %arg7[%add3A_121, %dma_wait3A_127] : memref<250x80xi32, #tpu.memory_space<vmem>> -> memref<1x80xi32, #tpu.memory_space<vmem>>
    %dma_wait3A_129 = tpu.memref_squeeze %dma_wait3A_128 : memref<1x80xi32, #tpu.memory_space<vmem>> -> memref<80xi32, #tpu.memory_space<vmem>>
    %dma_wait3A_130 = arith.constant 0 : i32
    %dma_wait3A_131 = tpu.memref_slice %arg10[%dma_wait3A_130] : memref<10240xf32, #tpu.memory_space<vmem_shared>> -> memref<10240xf32, #tpu.memory_space<vmem_shared>>
    tpu.wait_indirect_dma semaphore(%arg12 : memref<!tpu.dma_semaphore, #tpu.memory_space<semaphore_mem>>) src(%arg8 : memref<80xf32, #tpu.memory_space<vmem>>) dst(%dma_wait3A_131 : memref<10240xf32, #tpu.memory_space<vmem_shared>>)
    %mul3A_132 = arith.constant 125 : i32
    %mul3A_133 = arith.muli %arg0, %mul3A_132 : i32
    %add3A_134 = arith.constant 124 : i32
    %add3A_135 = arith.addi %mul3A_133, %add3A_134 : i32
    %dma_wait3A_136 = arith.constant 0 : i32
    %dma_wait3A_137 = tpu.memref_slice %arg6[%add3A_135, %dma_wait3A_136] : memref<250x80xi32, #tpu.memory_space<vmem>> -> memref<1x80xi32, #tpu.memory_space<vmem>>
    %dma_wait3A_138 = tpu.memref_squeeze %dma_wait3A_137 : memref<1x80xi32, #tpu.memory_space<vmem>> -> memref<80xi32, #tpu.memory_space<vmem>>
    %dma_wait3A_139 = arith.constant 0 : i32
    %dma_wait3A_140 = tpu.memref_slice %arg9[%dma_wait3A_139] : memref<10240xf32, #tpu.memory_space<vmem_shared>> -> memref<10240xf32, #tpu.memory_space<vmem_shared>>
    tpu.wait_indirect_dma semaphore(%arg11 : memref<!tpu.dma_semaphore, #tpu.memory_space<semaphore_mem>>) src(%arg8 : memref<80xf32, #tpu.memory_space<vmem>>) dst(%dma_wait3A_140 : memref<10240xf32, #tpu.memory_space<vmem_shared>>)
    %dma_wait3A_141 = arith.constant 0 : i32
    %dma_wait3A_142 = tpu.memref_slice %arg7[%add3A_135, %dma_wait3A_141] : memref<250x80xi32, #tpu.memory_space<vmem>> -> memref<1x80xi32, #tpu.memory_space<vmem>>
    %dma_wait3A_143 = tpu.memref_squeeze %dma_wait3A_142 : memref<1x80xi32, #tpu.memory_space<vmem>> -> memref<80xi32, #tpu.memory_space<vmem>>
    %dma_wait3A_144 = arith.constant 0 : i32
    %dma_wait3A_145 = tpu.memref_slice %arg10[%dma_wait3A_144] : memref<10240xf32, #tpu.memory_space<vmem_shared>> -> memref<10240xf32, #tpu.memory_space<vmem_shared>>
    tpu.wait_indirect_dma semaphore(%arg12 : memref<!tpu.dma_semaphore, #tpu.memory_space<semaphore_mem>>) src(%arg8 : memref<80xf32, #tpu.memory_space<vmem>>) dst(%dma_wait3A_145 : memref<10240xf32, #tpu.memory_space<vmem_shared>>)
    %barrier3A_146 = arith.constant 0 : index
    tpu.barrier barrier_id(%barrier3A_146)
    %mul3A_147 = arith.constant 640 : i32
    %mul3A_148 = arith.muli %arg1, %mul3A_147 : i32
    %mul3A_149 = arith.constant 2 : i32
    %mul3A_150 = arith.muli %arg0, %mul3A_149 : i32
    %add3A_151 = arith.constant 0 : i32
    %add3A_152 = arith.addi %mul3A_150, %add3A_151 : i32
    %mul3A_153 = arith.constant 10240 : i32
    %mul3A_154 = arith.muli %add3A_152, %mul3A_153 : i32
    %mul3A_155 = arith.constant 640 : i32
    %mul3A_156 = arith.muli %arg1, %mul3A_155 : i32
    %add3A_157 = arith.addi %mul3A_154, %mul3A_156 : i32
    "tpu.region"() ({
      %run_scoped3A = tpu.sem_alloc : memref<!tpu.dma_semaphore, #tpu.memory_space<semaphore_mem>>
      %dma_start3A = tpu.memref_slice %arg5[%add3A_157] : memref<40960xf32, #tpu.memory_space<hbm>> -> memref<640xf32, #tpu.memory_space<hbm>>
      %dma_start3A_169 = tpu.memref_slice %arg9[%mul3A_148] : memref<10240xf32, #tpu.memory_space<vmem_shared>> -> memref<640xf32, #tpu.memory_space<vmem_shared>>
      tpu.enqueue_dma source(%dma_start3A_169 : memref<640xf32, #tpu.memory_space<vmem_shared>>) target(%dma_start3A : memref<640xf32, #tpu.memory_space<hbm>>) target_semaphore(%run_scoped3A : memref<!tpu.dma_semaphore, #tpu.memory_space<semaphore_mem>>)
      %dma_wait3A_170 = tpu.memref_slice %arg5[%add3A_157] : memref<40960xf32, #tpu.memory_space<hbm>> -> memref<640xf32, #tpu.memory_space<hbm>>
      %dma_wait3A_171 = tpu.memref_slice %arg9[%mul3A_148] : memref<10240xf32, #tpu.memory_space<vmem_shared>> -> memref<640xf32, #tpu.memory_space<vmem_shared>>
      tpu.wait_dma2 semaphore(%run_scoped3A : memref<!tpu.dma_semaphore, #tpu.memory_space<semaphore_mem>>) src(%dma_wait3A_171 : memref<640xf32, #tpu.memory_space<vmem_shared>>) dst(%dma_wait3A_170 : memref<640xf32, #tpu.memory_space<hbm>>)
      tpu.yield
    }) : () -> ()
    %mul3A_158 = arith.constant 640 : i32
    %mul3A_159 = arith.muli %arg1, %mul3A_158 : i32
    %mul3A_160 = arith.constant 2 : i32
    %mul3A_161 = arith.muli %arg0, %mul3A_160 : i32
    %add3A_162 = arith.constant 1 : i32
    %add3A_163 = arith.addi %mul3A_161, %add3A_162 : i32
    %mul3A_164 = arith.constant 10240 : i32
    %mul3A_165 = arith.muli %add3A_163, %mul3A_164 : i32
    %mul3A_166 = arith.constant 640 : i32
    %mul3A_167 = arith.muli %arg1, %mul3A_166 : i32
    %add3A_168 = arith.addi %mul3A_165, %mul3A_167 : i32
    "tpu.region"() ({
      %run_scoped3A = tpu.sem_alloc : memref<!tpu.dma_semaphore, #tpu.memory_space<semaphore_mem>>
      %dma_start3A = tpu.memref_slice %arg5[%add3A_168] : memref<40960xf32, #tpu.memory_space<hbm>> -> memref<640xf32, #tpu.memory_space<hbm>>
      %dma_start3A_169 = tpu.memref_slice %arg10[%mul3A_159] : memref<10240xf32, #tpu.memory_space<vmem_shared>> -> memref<640xf32, #tpu.memory_space<vmem_shared>>
      tpu.enqueue_dma source(%dma_start3A_169 : memref<640xf32, #tpu.memory_space<vmem_shared>>) target(%dma_start3A : memref<640xf32, #tpu.memory_space<hbm>>) target_semaphore(%run_scoped3A : memref<!tpu.dma_semaphore, #tpu.memory_space<semaphore_mem>>)
      %dma_wait3A_170 = tpu.memref_slice %arg5[%add3A_168] : memref<40960xf32, #tpu.memory_space<hbm>> -> memref<640xf32, #tpu.memory_space<hbm>>
      %dma_wait3A_171 = tpu.memref_slice %arg10[%mul3A_159] : memref<10240xf32, #tpu.memory_space<vmem_shared>> -> memref<640xf32, #tpu.memory_space<vmem_shared>>
      tpu.wait_dma2 semaphore(%run_scoped3A : memref<!tpu.dma_semaphore, #tpu.memory_space<semaphore_mem>>) src(%dma_wait3A_171 : memref<640xf32, #tpu.memory_space<vmem_shared>>) dst(%dma_wait3A_170 : memref<640xf32, #tpu.memory_space<hbm>>)
      tpu.yield
    }) : () -> ()
    return
  }
}

#map = affine_map<(d0, d1) -> (0, 0, 0)>
#map1 = affine_map<(d0, d1) -> (0, 0)>
module attributes {stable_mosaic.version = 14 : i64} {
  func.func @_spmm(%arg0: i32, %arg1: i32, %arg2: memref<2x10000x64xf32, #tpu.memory_space<hbm>>, %arg3: memref<16x250x80xi32, #tpu.memory_space<hbm>>, %arg4: memref<16x250x80xi32, #tpu.memory_space<hbm>>, %arg5: memref<625x64xf32, #tpu.memory_space<hbm>>, %arg6: memref<2x10000x64xf32, #tpu.memory_space<hbm>>, %arg7: memref<250x80xi32, #tpu.memory_space<vmem>>, %arg8: memref<250x80xi32, #tpu.memory_space<vmem>>, %arg9: memref<80x64xf32, #tpu.memory_space<vmem>>, %arg10: memref<80x64xf32, #tpu.memory_space<vmem>>, %arg11: memref<80x64xf32, #tpu.memory_space<vmem>>, %arg12: memref<80x64xf32, #tpu.memory_space<vmem>>, %arg13: memref<80x64xf32, #tpu.memory_space<vmem>>, %arg14: memref<80x64xf32, #tpu.memory_space<vmem>>, %arg15: memref<80x64xf32, #tpu.memory_space<vmem>>, %arg16: memref<80x64xf32, #tpu.memory_space<vmem>>, %arg17: memref<10000x64xf32, #tpu.memory_space<vmem_shared>>, %arg18: memref<!tpu.dma_semaphore, #tpu.memory_space<semaphore_mem>>, %arg19: memref<!tpu.dma_semaphore, #tpu.memory_space<semaphore_mem>>, %arg20: memref<!tpu.dma_semaphore, #tpu.memory_space<semaphore_mem>>, %arg21: memref<!tpu.dma_semaphore, #tpu.memory_space<semaphore_mem>>, %arg22: memref<!tpu.dma_semaphore, #tpu.memory_space<semaphore_mem>>, %arg23: memref<!tpu.dma_semaphore, #tpu.memory_space<semaphore_mem>>, %arg24: memref<!tpu.dma_semaphore, #tpu.memory_space<semaphore_mem>>, %arg25: memref<!tpu.dma_semaphore, #tpu.memory_space<semaphore_mem>>) attributes {dimension_semantics = [#tpu.dimension_semantics<core_parallel>, #tpu.dimension_semantics<subcore_parallel>], iteration_bounds = array<i64: 2, 16>, scalar_prefetch = 0 : i64, scratch_operands = 19 : i64, tpu.core_type = #tpu.core_type<sc_vector_subcore>, window_params = [{transform_indices = #map}, {transform_indices = #map}, {transform_indices = #map}, {transform_indices = #map1}, {transform_indices = #map}]} {
    "tpu.region"() ({
      %run_scoped3A = tpu.sem_alloc : memref<!tpu.dma_semaphore, #tpu.memory_space<semaphore_mem>>
      %dma_start3A_131 = arith.constant 0 : i32
      %dma_start3A_132 = arith.constant 0 : i32
      %dma_start3A_133 = tpu.memref_slice %arg3[%arg1, %dma_start3A_131, %dma_start3A_132] : memref<16x250x80xi32, #tpu.memory_space<hbm>> -> memref<1x250x80xi32, #tpu.memory_space<hbm>>
      %dma_start3A_134 = tpu.memref_squeeze %dma_start3A_133 : memref<1x250x80xi32, #tpu.memory_space<hbm>> -> memref<250x80xi32, #tpu.memory_space<hbm>>
      %dma_start3A_135 = arith.constant 0 : i32
      %dma_start3A_136 = arith.constant 0 : i32
      %dma_start3A_137 = tpu.memref_slice %arg3[%arg1, %dma_start3A_135, %dma_start3A_136] : memref<16x250x80xi32, #tpu.memory_space<hbm>> -> memref<1x250x80xi32, #tpu.memory_space<hbm>>
      %dma_start3A_138 = tpu.memref_squeeze %dma_start3A_137 : memref<1x250x80xi32, #tpu.memory_space<hbm>> -> memref<250x80xi32, #tpu.memory_space<hbm>>
      tpu.enqueue_dma source(%dma_start3A_138 : memref<250x80xi32, #tpu.memory_space<hbm>>) target(%arg7 : memref<250x80xi32, #tpu.memory_space<vmem>>) target_semaphore(%run_scoped3A : memref<!tpu.dma_semaphore, #tpu.memory_space<semaphore_mem>>)
      %dma_wait3A_139 = arith.constant 0 : i32
      %dma_wait3A_140 = arith.constant 0 : i32
      %dma_wait3A_141 = tpu.memref_slice %arg3[%arg1, %dma_wait3A_139, %dma_wait3A_140] : memref<16x250x80xi32, #tpu.memory_space<hbm>> -> memref<1x250x80xi32, #tpu.memory_space<hbm>>
      %dma_wait3A_142 = tpu.memref_squeeze %dma_wait3A_141 : memref<1x250x80xi32, #tpu.memory_space<hbm>> -> memref<250x80xi32, #tpu.memory_space<hbm>>
      %dma_wait3A_143 = arith.constant 0 : i32
      %dma_wait3A_144 = arith.constant 0 : i32
      %dma_wait3A_145 = tpu.memref_slice %arg3[%arg1, %dma_wait3A_143, %dma_wait3A_144] : memref<16x250x80xi32, #tpu.memory_space<hbm>> -> memref<1x250x80xi32, #tpu.memory_space<hbm>>
      %dma_wait3A_146 = tpu.memref_squeeze %dma_wait3A_145 : memref<1x250x80xi32, #tpu.memory_space<hbm>> -> memref<250x80xi32, #tpu.memory_space<hbm>>
      tpu.wait_dma2 semaphore(%run_scoped3A : memref<!tpu.dma_semaphore, #tpu.memory_space<semaphore_mem>>) src(%dma_wait3A_146 : memref<250x80xi32, #tpu.memory_space<hbm>>) dst(%arg7 : memref<250x80xi32, #tpu.memory_space<vmem>>)
      tpu.yield
    }) : () -> ()
    "tpu.region"() ({
      %run_scoped3A = tpu.sem_alloc : memref<!tpu.dma_semaphore, #tpu.memory_space<semaphore_mem>>
      %dma_start3A_131 = arith.constant 0 : i32
      %dma_start3A_132 = arith.constant 0 : i32
      %dma_start3A_133 = tpu.memref_slice %arg4[%arg1, %dma_start3A_131, %dma_start3A_132] : memref<16x250x80xi32, #tpu.memory_space<hbm>> -> memref<1x250x80xi32, #tpu.memory_space<hbm>>
      %dma_start3A_134 = tpu.memref_squeeze %dma_start3A_133 : memref<1x250x80xi32, #tpu.memory_space<hbm>> -> memref<250x80xi32, #tpu.memory_space<hbm>>
      %dma_start3A_135 = arith.constant 0 : i32
      %dma_start3A_136 = arith.constant 0 : i32
      %dma_start3A_137 = tpu.memref_slice %arg4[%arg1, %dma_start3A_135, %dma_start3A_136] : memref<16x250x80xi32, #tpu.memory_space<hbm>> -> memref<1x250x80xi32, #tpu.memory_space<hbm>>
      %dma_start3A_138 = tpu.memref_squeeze %dma_start3A_137 : memref<1x250x80xi32, #tpu.memory_space<hbm>> -> memref<250x80xi32, #tpu.memory_space<hbm>>
      tpu.enqueue_dma source(%dma_start3A_138 : memref<250x80xi32, #tpu.memory_space<hbm>>) target(%arg8 : memref<250x80xi32, #tpu.memory_space<vmem>>) target_semaphore(%run_scoped3A : memref<!tpu.dma_semaphore, #tpu.memory_space<semaphore_mem>>)
      %dma_wait3A_139 = arith.constant 0 : i32
      %dma_wait3A_140 = arith.constant 0 : i32
      %dma_wait3A_141 = tpu.memref_slice %arg4[%arg1, %dma_wait3A_139, %dma_wait3A_140] : memref<16x250x80xi32, #tpu.memory_space<hbm>> -> memref<1x250x80xi32, #tpu.memory_space<hbm>>
      %dma_wait3A_142 = tpu.memref_squeeze %dma_wait3A_141 : memref<1x250x80xi32, #tpu.memory_space<hbm>> -> memref<250x80xi32, #tpu.memory_space<hbm>>
      %dma_wait3A_143 = arith.constant 0 : i32
      %dma_wait3A_144 = arith.constant 0 : i32
      %dma_wait3A_145 = tpu.memref_slice %arg4[%arg1, %dma_wait3A_143, %dma_wait3A_144] : memref<16x250x80xi32, #tpu.memory_space<hbm>> -> memref<1x250x80xi32, #tpu.memory_space<hbm>>
      %dma_wait3A_146 = tpu.memref_squeeze %dma_wait3A_145 : memref<1x250x80xi32, #tpu.memory_space<hbm>> -> memref<250x80xi32, #tpu.memory_space<hbm>>
      tpu.wait_dma2 semaphore(%run_scoped3A : memref<!tpu.dma_semaphore, #tpu.memory_space<semaphore_mem>>) src(%dma_wait3A_146 : memref<250x80xi32, #tpu.memory_space<hbm>>) dst(%arg8 : memref<250x80xi32, #tpu.memory_space<vmem>>)
      tpu.yield
    }) : () -> ()
    %dma_start3A = arith.constant 0 : i32
    %dma_start3A_0 = arith.constant 0 : i32
    %dma_start3A_1 = tpu.memref_slice %arg7[%dma_start3A, %dma_start3A_0] : memref<250x80xi32, #tpu.memory_space<vmem>> -> memref<1x80xi32, #tpu.memory_space<vmem>>
    %dma_start3A_2 = tpu.memref_squeeze %dma_start3A_1 : memref<1x80xi32, #tpu.memory_space<vmem>> -> memref<80xi32, #tpu.memory_space<vmem>>
    %dma_start3A_3 = arith.constant 0 : i32
    %dma_start3A_4 = arith.constant 0 : i32
    %dma_start3A_5 = tpu.memref_slice %arg2[%arg0, %dma_start3A_3, %dma_start3A_4] : memref<2x10000x64xf32, #tpu.memory_space<hbm>> -> memref<1x10000x64xf32, #tpu.memory_space<hbm>>
    %dma_start3A_6 = tpu.memref_squeeze %dma_start3A_5 : memref<1x10000x64xf32, #tpu.memory_space<hbm>> -> memref<10000x64xf32, #tpu.memory_space<hbm>>
    %dma_start3A_7 = arith.constant 0 : i32
    %dma_start3A_8 = arith.constant 0 : i32
    %dma_start3A_9 = tpu.memref_slice %dma_start3A_6[%dma_start3A_7, %dma_start3A_8] : memref<10000x64xf32, #tpu.memory_space<hbm>> -> memref<10000x64xf32, #tpu.memory_space<hbm>>
    tpu.enqueue_indirect_dma source(%dma_start3A_9 : memref<10000x64xf32, #tpu.memory_space<hbm>>) target(%arg9 : memref<80x64xf32, #tpu.memory_space<vmem>>) offsets(%dma_start3A_2 : memref<80xi32, #tpu.memory_space<vmem>>) semaphore(%arg18 : memref<!tpu.dma_semaphore, #tpu.memory_space<semaphore_mem>>)
    %dma_start3A_10 = arith.constant 1 : i32
    %dma_start3A_11 = arith.constant 0 : i32
    %dma_start3A_12 = tpu.memref_slice %arg7[%dma_start3A_10, %dma_start3A_11] : memref<250x80xi32, #tpu.memory_space<vmem>> -> memref<1x80xi32, #tpu.memory_space<vmem>>
    %dma_start3A_13 = tpu.memref_squeeze %dma_start3A_12 : memref<1x80xi32, #tpu.memory_space<vmem>> -> memref<80xi32, #tpu.memory_space<vmem>>
    %dma_start3A_14 = arith.constant 0 : i32
    %dma_start3A_15 = arith.constant 0 : i32
    %dma_start3A_16 = tpu.memref_slice %arg2[%arg0, %dma_start3A_14, %dma_start3A_15] : memref<2x10000x64xf32, #tpu.memory_space<hbm>> -> memref<1x10000x64xf32, #tpu.memory_space<hbm>>
    %dma_start3A_17 = tpu.memref_squeeze %dma_start3A_16 : memref<1x10000x64xf32, #tpu.memory_space<hbm>> -> memref<10000x64xf32, #tpu.memory_space<hbm>>
    %dma_start3A_18 = arith.constant 0 : i32
    %dma_start3A_19 = arith.constant 0 : i32
    %dma_start3A_20 = tpu.memref_slice %dma_start3A_17[%dma_start3A_18, %dma_start3A_19] : memref<10000x64xf32, #tpu.memory_space<hbm>> -> memref<10000x64xf32, #tpu.memory_space<hbm>>
    tpu.enqueue_indirect_dma source(%dma_start3A_20 : memref<10000x64xf32, #tpu.memory_space<hbm>>) target(%arg10 : memref<80x64xf32, #tpu.memory_space<vmem>>) offsets(%dma_start3A_13 : memref<80xi32, #tpu.memory_space<vmem>>) semaphore(%arg19 : memref<!tpu.dma_semaphore, #tpu.memory_space<semaphore_mem>>)
    %dma_start3A_21 = arith.constant 2 : i32
    %dma_start3A_22 = arith.constant 0 : i32
    %dma_start3A_23 = tpu.memref_slice %arg7[%dma_start3A_21, %dma_start3A_22] : memref<250x80xi32, #tpu.memory_space<vmem>> -> memref<1x80xi32, #tpu.memory_space<vmem>>
    %dma_start3A_24 = tpu.memref_squeeze %dma_start3A_23 : memref<1x80xi32, #tpu.memory_space<vmem>> -> memref<80xi32, #tpu.memory_space<vmem>>
    %dma_start3A_25 = arith.constant 0 : i32
    %dma_start3A_26 = arith.constant 0 : i32
    %dma_start3A_27 = tpu.memref_slice %arg2[%arg0, %dma_start3A_25, %dma_start3A_26] : memref<2x10000x64xf32, #tpu.memory_space<hbm>> -> memref<1x10000x64xf32, #tpu.memory_space<hbm>>
    %dma_start3A_28 = tpu.memref_squeeze %dma_start3A_27 : memref<1x10000x64xf32, #tpu.memory_space<hbm>> -> memref<10000x64xf32, #tpu.memory_space<hbm>>
    %dma_start3A_29 = arith.constant 0 : i32
    %dma_start3A_30 = arith.constant 0 : i32
    %dma_start3A_31 = tpu.memref_slice %dma_start3A_28[%dma_start3A_29, %dma_start3A_30] : memref<10000x64xf32, #tpu.memory_space<hbm>> -> memref<10000x64xf32, #tpu.memory_space<hbm>>
    tpu.enqueue_indirect_dma source(%dma_start3A_31 : memref<10000x64xf32, #tpu.memory_space<hbm>>) target(%arg11 : memref<80x64xf32, #tpu.memory_space<vmem>>) offsets(%dma_start3A_24 : memref<80xi32, #tpu.memory_space<vmem>>) semaphore(%arg20 : memref<!tpu.dma_semaphore, #tpu.memory_space<semaphore_mem>>)
    %dma_start3A_32 = arith.constant 3 : i32
    %dma_start3A_33 = arith.constant 0 : i32
    %dma_start3A_34 = tpu.memref_slice %arg7[%dma_start3A_32, %dma_start3A_33] : memref<250x80xi32, #tpu.memory_space<vmem>> -> memref<1x80xi32, #tpu.memory_space<vmem>>
    %dma_start3A_35 = tpu.memref_squeeze %dma_start3A_34 : memref<1x80xi32, #tpu.memory_space<vmem>> -> memref<80xi32, #tpu.memory_space<vmem>>
    %dma_start3A_36 = arith.constant 0 : i32
    %dma_start3A_37 = arith.constant 0 : i32
    %dma_start3A_38 = tpu.memref_slice %arg2[%arg0, %dma_start3A_36, %dma_start3A_37] : memref<2x10000x64xf32, #tpu.memory_space<hbm>> -> memref<1x10000x64xf32, #tpu.memory_space<hbm>>
    %dma_start3A_39 = tpu.memref_squeeze %dma_start3A_38 : memref<1x10000x64xf32, #tpu.memory_space<hbm>> -> memref<10000x64xf32, #tpu.memory_space<hbm>>
    %dma_start3A_40 = arith.constant 0 : i32
    %dma_start3A_41 = arith.constant 0 : i32
    %dma_start3A_42 = tpu.memref_slice %dma_start3A_39[%dma_start3A_40, %dma_start3A_41] : memref<10000x64xf32, #tpu.memory_space<hbm>> -> memref<10000x64xf32, #tpu.memory_space<hbm>>
    tpu.enqueue_indirect_dma source(%dma_start3A_42 : memref<10000x64xf32, #tpu.memory_space<hbm>>) target(%arg12 : memref<80x64xf32, #tpu.memory_space<vmem>>) offsets(%dma_start3A_35 : memref<80xi32, #tpu.memory_space<vmem>>) semaphore(%arg21 : memref<!tpu.dma_semaphore, #tpu.memory_space<semaphore_mem>>)
    %mul3A = arith.constant 625 : i32
    %mul3A_43 = arith.muli %arg1, %mul3A : i32
    "tpu.region"() ({
      %run_scoped3A = tpu.sem_alloc : memref<!tpu.dma_semaphore, #tpu.memory_space<semaphore_mem>>
      %dma_start3A_131 = arith.constant 0 : i32
      %dma_start3A_132 = tpu.memref_slice %arg17[%mul3A_43, %dma_start3A_131] : memref<10000x64xf32, #tpu.memory_space<vmem_shared>> -> memref<625x64xf32, #tpu.memory_space<vmem_shared>>
      tpu.enqueue_dma source(%arg5 : memref<625x64xf32, #tpu.memory_space<hbm>>) target(%dma_start3A_132 : memref<625x64xf32, #tpu.memory_space<vmem_shared>>) target_semaphore(%run_scoped3A : memref<!tpu.dma_semaphore, #tpu.memory_space<semaphore_mem>>)
      %dma_wait3A_133 = arith.constant 0 : i32
      %dma_wait3A_134 = tpu.memref_slice %arg17[%mul3A_43, %dma_wait3A_133] : memref<10000x64xf32, #tpu.memory_space<vmem_shared>> -> memref<625x64xf32, #tpu.memory_space<vmem_shared>>
      tpu.wait_dma2 semaphore(%run_scoped3A : memref<!tpu.dma_semaphore, #tpu.memory_space<semaphore_mem>>) src(%arg5 : memref<625x64xf32, #tpu.memory_space<hbm>>) dst(%dma_wait3A_134 : memref<625x64xf32, #tpu.memory_space<vmem_shared>>)
      tpu.yield
    }) : () -> ()
    %barrier3A = arith.constant 0 : index
    tpu.barrier barrier_id(%barrier3A)
    %scan3A = arith.constant 0 : i32
    %scan3A_44 = arith.constant 0 : i32
    %scan3A_45 = arith.constant 31 : i32
    %scan3A_46 = arith.addi %scan3A_44, %scan3A_45 : i32
    %scan3A_47 = arith.constant 1 : i32
    scf.for %scan3A_131 = %scan3A_44 to %scan3A_46 step %scan3A_47  : i32 {
      %mul3A_132 = arith.constant 8 : i32
      %mul3A_133 = arith.muli %mul3A_132, %scan3A_131 : i32
      %add3A = arith.constant 0 : i32
      %add3A_134 = arith.addi %mul3A_133, %add3A : i32
      %dma_wait3A_135 = arith.constant 0 : i32
      %dma_wait3A_136 = tpu.memref_slice %arg7[%add3A_134, %dma_wait3A_135] : memref<250x80xi32, #tpu.memory_space<vmem>> -> memref<1x80xi32, #tpu.memory_space<vmem>>
      %dma_wait3A_137 = tpu.memref_squeeze %dma_wait3A_136 : memref<1x80xi32, #tpu.memory_space<vmem>> -> memref<80xi32, #tpu.memory_space<vmem>>
      %dma_wait3A_138 = arith.constant 0 : i32
      %dma_wait3A_139 = arith.constant 0 : i32
      %dma_wait3A_140 = tpu.memref_slice %arg2[%arg0, %dma_wait3A_138, %dma_wait3A_139] : memref<2x10000x64xf32, #tpu.memory_space<hbm>> -> memref<1x10000x64xf32, #tpu.memory_space<hbm>>
      %dma_wait3A_141 = tpu.memref_squeeze %dma_wait3A_140 : memref<1x10000x64xf32, #tpu.memory_space<hbm>> -> memref<10000x64xf32, #tpu.memory_space<hbm>>
      %dma_wait3A_142 = arith.constant 0 : i32
      %dma_wait3A_143 = arith.constant 0 : i32
      %dma_wait3A_144 = tpu.memref_slice %dma_wait3A_141[%dma_wait3A_142, %dma_wait3A_143] : memref<10000x64xf32, #tpu.memory_space<hbm>> -> memref<10000x64xf32, #tpu.memory_space<hbm>>
      tpu.wait_indirect_dma semaphore(%arg18 : memref<!tpu.dma_semaphore, #tpu.memory_space<semaphore_mem>>) src(%dma_wait3A_144 : memref<10000x64xf32, #tpu.memory_space<hbm>>) dst(%arg9 : memref<80x64xf32, #tpu.memory_space<vmem>>)
      %dma_start3A_145 = arith.constant 0 : i32
      %dma_start3A_146 = tpu.memref_slice %arg8[%add3A_134, %dma_start3A_145] : memref<250x80xi32, #tpu.memory_space<vmem>> -> memref<1x80xi32, #tpu.memory_space<vmem>>
      %dma_start3A_147 = tpu.memref_squeeze %dma_start3A_146 : memref<1x80xi32, #tpu.memory_space<vmem>> -> memref<80xi32, #tpu.memory_space<vmem>>
      %dma_start3A_148 = arith.constant 0 : i32
      %dma_start3A_149 = arith.constant 0 : i32
      %dma_start3A_150 = tpu.memref_slice %arg17[%dma_start3A_148, %dma_start3A_149] : memref<10000x64xf32, #tpu.memory_space<vmem_shared>> -> memref<10000x64xf32, #tpu.memory_space<vmem_shared>>
      tpu.enqueue_indirect_dma source(%arg9 : memref<80x64xf32, #tpu.memory_space<vmem>>) target(%dma_start3A_150 : memref<10000x64xf32, #tpu.memory_space<vmem_shared>>) offsets(%dma_start3A_147 : memref<80xi32, #tpu.memory_space<vmem>>) semaphore(%arg18 : memref<!tpu.dma_semaphore, #tpu.memory_space<semaphore_mem>>) {add = true}
      %sub3A = arith.constant 4 : i32
      %sub3A_151 = arith.subi %add3A_134, %sub3A : i32
      %ge3A = arith.constant 0 : i32
      %ge3A_152 = arith.cmpi sge, %sub3A_151, %ge3A : i32
      %convert_element_type3A = arith.extui %ge3A_152 : i1 to i32
      %cond3A = arith.constant 0 : i32
      %cond3A_153 = arith.cmpi ne, %convert_element_type3A, %cond3A : i32
      scf.if %cond3A_153 {
        %dma_wait3A_384 = arith.constant 0 : i32
        %dma_wait3A_385 = tpu.memref_slice %arg8[%sub3A_151, %dma_wait3A_384] : memref<250x80xi32, #tpu.memory_space<vmem>> -> memref<1x80xi32, #tpu.memory_space<vmem>>
        %dma_wait3A_386 = tpu.memref_squeeze %dma_wait3A_385 : memref<1x80xi32, #tpu.memory_space<vmem>> -> memref<80xi32, #tpu.memory_space<vmem>>
        %dma_wait3A_387 = arith.constant 0 : i32
        %dma_wait3A_388 = arith.constant 0 : i32
        %dma_wait3A_389 = tpu.memref_slice %arg17[%dma_wait3A_387, %dma_wait3A_388] : memref<10000x64xf32, #tpu.memory_space<vmem_shared>> -> memref<10000x64xf32, #tpu.memory_space<vmem_shared>>
        tpu.wait_indirect_dma semaphore(%arg22 : memref<!tpu.dma_semaphore, #tpu.memory_space<semaphore_mem>>) src(%arg13 : memref<80x64xf32, #tpu.memory_space<vmem>>) dst(%dma_wait3A_389 : memref<10000x64xf32, #tpu.memory_space<vmem_shared>>)
      } else {
      }
      %add3A_154 = arith.constant 4 : i32
      %add3A_155 = arith.addi %add3A_134, %add3A_154 : i32
      %lt3A = arith.constant 250 : i32
      %lt3A_156 = arith.cmpi slt, %add3A_155, %lt3A : i32
      %convert_element_type3A_157 = arith.extui %lt3A_156 : i1 to i32
      %cond3A_158 = arith.constant 0 : i32
      %cond3A_159 = arith.cmpi ne, %convert_element_type3A_157, %cond3A_158 : i32
      scf.if %cond3A_159 {
        %add3A_384 = arith.constant 4 : i32
        %add3A_385 = arith.addi %add3A_134, %add3A_384 : i32
        %dma_start3A_386 = arith.constant 0 : i32
        %dma_start3A_387 = tpu.memref_slice %arg7[%add3A_385, %dma_start3A_386] : memref<250x80xi32, #tpu.memory_space<vmem>> -> memref<1x80xi32, #tpu.memory_space<vmem>>
        %dma_start3A_388 = tpu.memref_squeeze %dma_start3A_387 : memref<1x80xi32, #tpu.memory_space<vmem>> -> memref<80xi32, #tpu.memory_space<vmem>>
        %dma_start3A_389 = arith.constant 0 : i32
        %dma_start3A_390 = arith.constant 0 : i32
        %dma_start3A_391 = tpu.memref_slice %arg2[%arg0, %dma_start3A_389, %dma_start3A_390] : memref<2x10000x64xf32, #tpu.memory_space<hbm>> -> memref<1x10000x64xf32, #tpu.memory_space<hbm>>
        %dma_start3A_392 = tpu.memref_squeeze %dma_start3A_391 : memref<1x10000x64xf32, #tpu.memory_space<hbm>> -> memref<10000x64xf32, #tpu.memory_space<hbm>>
        %dma_start3A_393 = arith.constant 0 : i32
        %dma_start3A_394 = arith.constant 0 : i32
        %dma_start3A_395 = tpu.memref_slice %dma_start3A_392[%dma_start3A_393, %dma_start3A_394] : memref<10000x64xf32, #tpu.memory_space<hbm>> -> memref<10000x64xf32, #tpu.memory_space<hbm>>
        tpu.enqueue_indirect_dma source(%dma_start3A_395 : memref<10000x64xf32, #tpu.memory_space<hbm>>) target(%arg13 : memref<80x64xf32, #tpu.memory_space<vmem>>) offsets(%dma_start3A_388 : memref<80xi32, #tpu.memory_space<vmem>>) semaphore(%arg22 : memref<!tpu.dma_semaphore, #tpu.memory_space<semaphore_mem>>)
      } else {
      }
      %add3A_160 = arith.constant 1 : i32
      %add3A_161 = arith.addi %mul3A_133, %add3A_160 : i32
      %dma_wait3A_162 = arith.constant 0 : i32
      %dma_wait3A_163 = tpu.memref_slice %arg7[%add3A_161, %dma_wait3A_162] : memref<250x80xi32, #tpu.memory_space<vmem>> -> memref<1x80xi32, #tpu.memory_space<vmem>>
      %dma_wait3A_164 = tpu.memref_squeeze %dma_wait3A_163 : memref<1x80xi32, #tpu.memory_space<vmem>> -> memref<80xi32, #tpu.memory_space<vmem>>
      %dma_wait3A_165 = arith.constant 0 : i32
      %dma_wait3A_166 = arith.constant 0 : i32
      %dma_wait3A_167 = tpu.memref_slice %arg2[%arg0, %dma_wait3A_165, %dma_wait3A_166] : memref<2x10000x64xf32, #tpu.memory_space<hbm>> -> memref<1x10000x64xf32, #tpu.memory_space<hbm>>
      %dma_wait3A_168 = tpu.memref_squeeze %dma_wait3A_167 : memref<1x10000x64xf32, #tpu.memory_space<hbm>> -> memref<10000x64xf32, #tpu.memory_space<hbm>>
      %dma_wait3A_169 = arith.constant 0 : i32
      %dma_wait3A_170 = arith.constant 0 : i32
      %dma_wait3A_171 = tpu.memref_slice %dma_wait3A_168[%dma_wait3A_169, %dma_wait3A_170] : memref<10000x64xf32, #tpu.memory_space<hbm>> -> memref<10000x64xf32, #tpu.memory_space<hbm>>
      tpu.wait_indirect_dma semaphore(%arg19 : memref<!tpu.dma_semaphore, #tpu.memory_space<semaphore_mem>>) src(%dma_wait3A_171 : memref<10000x64xf32, #tpu.memory_space<hbm>>) dst(%arg10 : memref<80x64xf32, #tpu.memory_space<vmem>>)
      %dma_start3A_172 = arith.constant 0 : i32
      %dma_start3A_173 = tpu.memref_slice %arg8[%add3A_161, %dma_start3A_172] : memref<250x80xi32, #tpu.memory_space<vmem>> -> memref<1x80xi32, #tpu.memory_space<vmem>>
      %dma_start3A_174 = tpu.memref_squeeze %dma_start3A_173 : memref<1x80xi32, #tpu.memory_space<vmem>> -> memref<80xi32, #tpu.memory_space<vmem>>
      %dma_start3A_175 = arith.constant 0 : i32
      %dma_start3A_176 = arith.constant 0 : i32
      %dma_start3A_177 = tpu.memref_slice %arg17[%dma_start3A_175, %dma_start3A_176] : memref<10000x64xf32, #tpu.memory_space<vmem_shared>> -> memref<10000x64xf32, #tpu.memory_space<vmem_shared>>
      tpu.enqueue_indirect_dma source(%arg10 : memref<80x64xf32, #tpu.memory_space<vmem>>) target(%dma_start3A_177 : memref<10000x64xf32, #tpu.memory_space<vmem_shared>>) offsets(%dma_start3A_174 : memref<80xi32, #tpu.memory_space<vmem>>) semaphore(%arg19 : memref<!tpu.dma_semaphore, #tpu.memory_space<semaphore_mem>>) {add = true}
      %sub3A_178 = arith.constant 4 : i32
      %sub3A_179 = arith.subi %add3A_161, %sub3A_178 : i32
      %ge3A_180 = arith.constant 0 : i32
      %ge3A_181 = arith.cmpi sge, %sub3A_179, %ge3A_180 : i32
      %convert_element_type3A_182 = arith.extui %ge3A_181 : i1 to i32
      %cond3A_183 = arith.constant 0 : i32
      %cond3A_184 = arith.cmpi ne, %convert_element_type3A_182, %cond3A_183 : i32
      scf.if %cond3A_184 {
        %dma_wait3A_384 = arith.constant 0 : i32
        %dma_wait3A_385 = tpu.memref_slice %arg8[%sub3A_179, %dma_wait3A_384] : memref<250x80xi32, #tpu.memory_space<vmem>> -> memref<1x80xi32, #tpu.memory_space<vmem>>
        %dma_wait3A_386 = tpu.memref_squeeze %dma_wait3A_385 : memref<1x80xi32, #tpu.memory_space<vmem>> -> memref<80xi32, #tpu.memory_space<vmem>>
        %dma_wait3A_387 = arith.constant 0 : i32
        %dma_wait3A_388 = arith.constant 0 : i32
        %dma_wait3A_389 = tpu.memref_slice %arg17[%dma_wait3A_387, %dma_wait3A_388] : memref<10000x64xf32, #tpu.memory_space<vmem_shared>> -> memref<10000x64xf32, #tpu.memory_space<vmem_shared>>
        tpu.wait_indirect_dma semaphore(%arg23 : memref<!tpu.dma_semaphore, #tpu.memory_space<semaphore_mem>>) src(%arg14 : memref<80x64xf32, #tpu.memory_space<vmem>>) dst(%dma_wait3A_389 : memref<10000x64xf32, #tpu.memory_space<vmem_shared>>)
      } else {
      }
      %add3A_185 = arith.constant 4 : i32
      %add3A_186 = arith.addi %add3A_161, %add3A_185 : i32
      %lt3A_187 = arith.constant 250 : i32
      %lt3A_188 = arith.cmpi slt, %add3A_186, %lt3A_187 : i32
      %convert_element_type3A_189 = arith.extui %lt3A_188 : i1 to i32
      %cond3A_190 = arith.constant 0 : i32
      %cond3A_191 = arith.cmpi ne, %convert_element_type3A_189, %cond3A_190 : i32
      scf.if %cond3A_191 {
        %add3A_384 = arith.constant 4 : i32
        %add3A_385 = arith.addi %add3A_161, %add3A_384 : i32
        %dma_start3A_386 = arith.constant 0 : i32
        %dma_start3A_387 = tpu.memref_slice %arg7[%add3A_385, %dma_start3A_386] : memref<250x80xi32, #tpu.memory_space<vmem>> -> memref<1x80xi32, #tpu.memory_space<vmem>>
        %dma_start3A_388 = tpu.memref_squeeze %dma_start3A_387 : memref<1x80xi32, #tpu.memory_space<vmem>> -> memref<80xi32, #tpu.memory_space<vmem>>
        %dma_start3A_389 = arith.constant 0 : i32
        %dma_start3A_390 = arith.constant 0 : i32
        %dma_start3A_391 = tpu.memref_slice %arg2[%arg0, %dma_start3A_389, %dma_start3A_390] : memref<2x10000x64xf32, #tpu.memory_space<hbm>> -> memref<1x10000x64xf32, #tpu.memory_space<hbm>>
        %dma_start3A_392 = tpu.memref_squeeze %dma_start3A_391 : memref<1x10000x64xf32, #tpu.memory_space<hbm>> -> memref<10000x64xf32, #tpu.memory_space<hbm>>
        %dma_start3A_393 = arith.constant 0 : i32
        %dma_start3A_394 = arith.constant 0 : i32
        %dma_start3A_395 = tpu.memref_slice %dma_start3A_392[%dma_start3A_393, %dma_start3A_394] : memref<10000x64xf32, #tpu.memory_space<hbm>> -> memref<10000x64xf32, #tpu.memory_space<hbm>>
        tpu.enqueue_indirect_dma source(%dma_start3A_395 : memref<10000x64xf32, #tpu.memory_space<hbm>>) target(%arg14 : memref<80x64xf32, #tpu.memory_space<vmem>>) offsets(%dma_start3A_388 : memref<80xi32, #tpu.memory_space<vmem>>) semaphore(%arg23 : memref<!tpu.dma_semaphore, #tpu.memory_space<semaphore_mem>>)
      } else {
      }
      %add3A_192 = arith.constant 2 : i32
      %add3A_193 = arith.addi %mul3A_133, %add3A_192 : i32
      %dma_wait3A_194 = arith.constant 0 : i32
      %dma_wait3A_195 = tpu.memref_slice %arg7[%add3A_193, %dma_wait3A_194] : memref<250x80xi32, #tpu.memory_space<vmem>> -> memref<1x80xi32, #tpu.memory_space<vmem>>
      %dma_wait3A_196 = tpu.memref_squeeze %dma_wait3A_195 : memref<1x80xi32, #tpu.memory_space<vmem>> -> memref<80xi32, #tpu.memory_space<vmem>>
      %dma_wait3A_197 = arith.constant 0 : i32
      %dma_wait3A_198 = arith.constant 0 : i32
      %dma_wait3A_199 = tpu.memref_slice %arg2[%arg0, %dma_wait3A_197, %dma_wait3A_198] : memref<2x10000x64xf32, #tpu.memory_space<hbm>> -> memref<1x10000x64xf32, #tpu.memory_space<hbm>>
      %dma_wait3A_200 = tpu.memref_squeeze %dma_wait3A_199 : memref<1x10000x64xf32, #tpu.memory_space<hbm>> -> memref<10000x64xf32, #tpu.memory_space<hbm>>
      %dma_wait3A_201 = arith.constant 0 : i32
      %dma_wait3A_202 = arith.constant 0 : i32
      %dma_wait3A_203 = tpu.memref_slice %dma_wait3A_200[%dma_wait3A_201, %dma_wait3A_202] : memref<10000x64xf32, #tpu.memory_space<hbm>> -> memref<10000x64xf32, #tpu.memory_space<hbm>>
      tpu.wait_indirect_dma semaphore(%arg20 : memref<!tpu.dma_semaphore, #tpu.memory_space<semaphore_mem>>) src(%dma_wait3A_203 : memref<10000x64xf32, #tpu.memory_space<hbm>>) dst(%arg11 : memref<80x64xf32, #tpu.memory_space<vmem>>)
      %dma_start3A_204 = arith.constant 0 : i32
      %dma_start3A_205 = tpu.memref_slice %arg8[%add3A_193, %dma_start3A_204] : memref<250x80xi32, #tpu.memory_space<vmem>> -> memref<1x80xi32, #tpu.memory_space<vmem>>
      %dma_start3A_206 = tpu.memref_squeeze %dma_start3A_205 : memref<1x80xi32, #tpu.memory_space<vmem>> -> memref<80xi32, #tpu.memory_space<vmem>>
      %dma_start3A_207 = arith.constant 0 : i32
      %dma_start3A_208 = arith.constant 0 : i32
      %dma_start3A_209 = tpu.memref_slice %arg17[%dma_start3A_207, %dma_start3A_208] : memref<10000x64xf32, #tpu.memory_space<vmem_shared>> -> memref<10000x64xf32, #tpu.memory_space<vmem_shared>>
      tpu.enqueue_indirect_dma source(%arg11 : memref<80x64xf32, #tpu.memory_space<vmem>>) target(%dma_start3A_209 : memref<10000x64xf32, #tpu.memory_space<vmem_shared>>) offsets(%dma_start3A_206 : memref<80xi32, #tpu.memory_space<vmem>>) semaphore(%arg20 : memref<!tpu.dma_semaphore, #tpu.memory_space<semaphore_mem>>) {add = true}
      %sub3A_210 = arith.constant 4 : i32
      %sub3A_211 = arith.subi %add3A_193, %sub3A_210 : i32
      %ge3A_212 = arith.constant 0 : i32
      %ge3A_213 = arith.cmpi sge, %sub3A_211, %ge3A_212 : i32
      %convert_element_type3A_214 = arith.extui %ge3A_213 : i1 to i32
      %cond3A_215 = arith.constant 0 : i32
      %cond3A_216 = arith.cmpi ne, %convert_element_type3A_214, %cond3A_215 : i32
      scf.if %cond3A_216 {
        %dma_wait3A_384 = arith.constant 0 : i32
        %dma_wait3A_385 = tpu.memref_slice %arg8[%sub3A_211, %dma_wait3A_384] : memref<250x80xi32, #tpu.memory_space<vmem>> -> memref<1x80xi32, #tpu.memory_space<vmem>>
        %dma_wait3A_386 = tpu.memref_squeeze %dma_wait3A_385 : memref<1x80xi32, #tpu.memory_space<vmem>> -> memref<80xi32, #tpu.memory_space<vmem>>
        %dma_wait3A_387 = arith.constant 0 : i32
        %dma_wait3A_388 = arith.constant 0 : i32
        %dma_wait3A_389 = tpu.memref_slice %arg17[%dma_wait3A_387, %dma_wait3A_388] : memref<10000x64xf32, #tpu.memory_space<vmem_shared>> -> memref<10000x64xf32, #tpu.memory_space<vmem_shared>>
        tpu.wait_indirect_dma semaphore(%arg24 : memref<!tpu.dma_semaphore, #tpu.memory_space<semaphore_mem>>) src(%arg15 : memref<80x64xf32, #tpu.memory_space<vmem>>) dst(%dma_wait3A_389 : memref<10000x64xf32, #tpu.memory_space<vmem_shared>>)
      } else {
      }
      %add3A_217 = arith.constant 4 : i32
      %add3A_218 = arith.addi %add3A_193, %add3A_217 : i32
      %lt3A_219 = arith.constant 250 : i32
      %lt3A_220 = arith.cmpi slt, %add3A_218, %lt3A_219 : i32
      %convert_element_type3A_221 = arith.extui %lt3A_220 : i1 to i32
      %cond3A_222 = arith.constant 0 : i32
      %cond3A_223 = arith.cmpi ne, %convert_element_type3A_221, %cond3A_222 : i32
      scf.if %cond3A_223 {
        %add3A_384 = arith.constant 4 : i32
        %add3A_385 = arith.addi %add3A_193, %add3A_384 : i32
        %dma_start3A_386 = arith.constant 0 : i32
        %dma_start3A_387 = tpu.memref_slice %arg7[%add3A_385, %dma_start3A_386] : memref<250x80xi32, #tpu.memory_space<vmem>> -> memref<1x80xi32, #tpu.memory_space<vmem>>
        %dma_start3A_388 = tpu.memref_squeeze %dma_start3A_387 : memref<1x80xi32, #tpu.memory_space<vmem>> -> memref<80xi32, #tpu.memory_space<vmem>>
        %dma_start3A_389 = arith.constant 0 : i32
        %dma_start3A_390 = arith.constant 0 : i32
        %dma_start3A_391 = tpu.memref_slice %arg2[%arg0, %dma_start3A_389, %dma_start3A_390] : memref<2x10000x64xf32, #tpu.memory_space<hbm>> -> memref<1x10000x64xf32, #tpu.memory_space<hbm>>
        %dma_start3A_392 = tpu.memref_squeeze %dma_start3A_391 : memref<1x10000x64xf32, #tpu.memory_space<hbm>> -> memref<10000x64xf32, #tpu.memory_space<hbm>>
        %dma_start3A_393 = arith.constant 0 : i32
        %dma_start3A_394 = arith.constant 0 : i32
        %dma_start3A_395 = tpu.memref_slice %dma_start3A_392[%dma_start3A_393, %dma_start3A_394] : memref<10000x64xf32, #tpu.memory_space<hbm>> -> memref<10000x64xf32, #tpu.memory_space<hbm>>
        tpu.enqueue_indirect_dma source(%dma_start3A_395 : memref<10000x64xf32, #tpu.memory_space<hbm>>) target(%arg15 : memref<80x64xf32, #tpu.memory_space<vmem>>) offsets(%dma_start3A_388 : memref<80xi32, #tpu.memory_space<vmem>>) semaphore(%arg24 : memref<!tpu.dma_semaphore, #tpu.memory_space<semaphore_mem>>)
      } else {
      }
      %add3A_224 = arith.constant 3 : i32
      %add3A_225 = arith.addi %mul3A_133, %add3A_224 : i32
      %dma_wait3A_226 = arith.constant 0 : i32
      %dma_wait3A_227 = tpu.memref_slice %arg7[%add3A_225, %dma_wait3A_226] : memref<250x80xi32, #tpu.memory_space<vmem>> -> memref<1x80xi32, #tpu.memory_space<vmem>>
      %dma_wait3A_228 = tpu.memref_squeeze %dma_wait3A_227 : memref<1x80xi32, #tpu.memory_space<vmem>> -> memref<80xi32, #tpu.memory_space<vmem>>
      %dma_wait3A_229 = arith.constant 0 : i32
      %dma_wait3A_230 = arith.constant 0 : i32
      %dma_wait3A_231 = tpu.memref_slice %arg2[%arg0, %dma_wait3A_229, %dma_wait3A_230] : memref<2x10000x64xf32, #tpu.memory_space<hbm>> -> memref<1x10000x64xf32, #tpu.memory_space<hbm>>
      %dma_wait3A_232 = tpu.memref_squeeze %dma_wait3A_231 : memref<1x10000x64xf32, #tpu.memory_space<hbm>> -> memref<10000x64xf32, #tpu.memory_space<hbm>>
      %dma_wait3A_233 = arith.constant 0 : i32
      %dma_wait3A_234 = arith.constant 0 : i32
      %dma_wait3A_235 = tpu.memref_slice %dma_wait3A_232[%dma_wait3A_233, %dma_wait3A_234] : memref<10000x64xf32, #tpu.memory_space<hbm>> -> memref<10000x64xf32, #tpu.memory_space<hbm>>
      tpu.wait_indirect_dma semaphore(%arg21 : memref<!tpu.dma_semaphore, #tpu.memory_space<semaphore_mem>>) src(%dma_wait3A_235 : memref<10000x64xf32, #tpu.memory_space<hbm>>) dst(%arg12 : memref<80x64xf32, #tpu.memory_space<vmem>>)
      %dma_start3A_236 = arith.constant 0 : i32
      %dma_start3A_237 = tpu.memref_slice %arg8[%add3A_225, %dma_start3A_236] : memref<250x80xi32, #tpu.memory_space<vmem>> -> memref<1x80xi32, #tpu.memory_space<vmem>>
      %dma_start3A_238 = tpu.memref_squeeze %dma_start3A_237 : memref<1x80xi32, #tpu.memory_space<vmem>> -> memref<80xi32, #tpu.memory_space<vmem>>
      %dma_start3A_239 = arith.constant 0 : i32
      %dma_start3A_240 = arith.constant 0 : i32
      %dma_start3A_241 = tpu.memref_slice %arg17[%dma_start3A_239, %dma_start3A_240] : memref<10000x64xf32, #tpu.memory_space<vmem_shared>> -> memref<10000x64xf32, #tpu.memory_space<vmem_shared>>
      tpu.enqueue_indirect_dma source(%arg12 : memref<80x64xf32, #tpu.memory_space<vmem>>) target(%dma_start3A_241 : memref<10000x64xf32, #tpu.memory_space<vmem_shared>>) offsets(%dma_start3A_238 : memref<80xi32, #tpu.memory_space<vmem>>) semaphore(%arg21 : memref<!tpu.dma_semaphore, #tpu.memory_space<semaphore_mem>>) {add = true}
      %sub3A_242 = arith.constant 4 : i32
      %sub3A_243 = arith.subi %add3A_225, %sub3A_242 : i32
      %ge3A_244 = arith.constant 0 : i32
      %ge3A_245 = arith.cmpi sge, %sub3A_243, %ge3A_244 : i32
      %convert_element_type3A_246 = arith.extui %ge3A_245 : i1 to i32
      %cond3A_247 = arith.constant 0 : i32
      %cond3A_248 = arith.cmpi ne, %convert_element_type3A_246, %cond3A_247 : i32
      scf.if %cond3A_248 {
        %dma_wait3A_384 = arith.constant 0 : i32
        %dma_wait3A_385 = tpu.memref_slice %arg8[%sub3A_243, %dma_wait3A_384] : memref<250x80xi32, #tpu.memory_space<vmem>> -> memref<1x80xi32, #tpu.memory_space<vmem>>
        %dma_wait3A_386 = tpu.memref_squeeze %dma_wait3A_385 : memref<1x80xi32, #tpu.memory_space<vmem>> -> memref<80xi32, #tpu.memory_space<vmem>>
        %dma_wait3A_387 = arith.constant 0 : i32
        %dma_wait3A_388 = arith.constant 0 : i32
        %dma_wait3A_389 = tpu.memref_slice %arg17[%dma_wait3A_387, %dma_wait3A_388] : memref<10000x64xf32, #tpu.memory_space<vmem_shared>> -> memref<10000x64xf32, #tpu.memory_space<vmem_shared>>
        tpu.wait_indirect_dma semaphore(%arg25 : memref<!tpu.dma_semaphore, #tpu.memory_space<semaphore_mem>>) src(%arg16 : memref<80x64xf32, #tpu.memory_space<vmem>>) dst(%dma_wait3A_389 : memref<10000x64xf32, #tpu.memory_space<vmem_shared>>)
      } else {
      }
      %add3A_249 = arith.constant 4 : i32
      %add3A_250 = arith.addi %add3A_225, %add3A_249 : i32
      %lt3A_251 = arith.constant 250 : i32
      %lt3A_252 = arith.cmpi slt, %add3A_250, %lt3A_251 : i32
      %convert_element_type3A_253 = arith.extui %lt3A_252 : i1 to i32
      %cond3A_254 = arith.constant 0 : i32
      %cond3A_255 = arith.cmpi ne, %convert_element_type3A_253, %cond3A_254 : i32
      scf.if %cond3A_255 {
        %add3A_384 = arith.constant 4 : i32
        %add3A_385 = arith.addi %add3A_225, %add3A_384 : i32
        %dma_start3A_386 = arith.constant 0 : i32
        %dma_start3A_387 = tpu.memref_slice %arg7[%add3A_385, %dma_start3A_386] : memref<250x80xi32, #tpu.memory_space<vmem>> -> memref<1x80xi32, #tpu.memory_space<vmem>>
        %dma_start3A_388 = tpu.memref_squeeze %dma_start3A_387 : memref<1x80xi32, #tpu.memory_space<vmem>> -> memref<80xi32, #tpu.memory_space<vmem>>
        %dma_start3A_389 = arith.constant 0 : i32
        %dma_start3A_390 = arith.constant 0 : i32
        %dma_start3A_391 = tpu.memref_slice %arg2[%arg0, %dma_start3A_389, %dma_start3A_390] : memref<2x10000x64xf32, #tpu.memory_space<hbm>> -> memref<1x10000x64xf32, #tpu.memory_space<hbm>>
        %dma_start3A_392 = tpu.memref_squeeze %dma_start3A_391 : memref<1x10000x64xf32, #tpu.memory_space<hbm>> -> memref<10000x64xf32, #tpu.memory_space<hbm>>
        %dma_start3A_393 = arith.constant 0 : i32
        %dma_start3A_394 = arith.constant 0 : i32
        %dma_start3A_395 = tpu.memref_slice %dma_start3A_392[%dma_start3A_393, %dma_start3A_394] : memref<10000x64xf32, #tpu.memory_space<hbm>> -> memref<10000x64xf32, #tpu.memory_space<hbm>>
        tpu.enqueue_indirect_dma source(%dma_start3A_395 : memref<10000x64xf32, #tpu.memory_space<hbm>>) target(%arg16 : memref<80x64xf32, #tpu.memory_space<vmem>>) offsets(%dma_start3A_388 : memref<80xi32, #tpu.memory_space<vmem>>) semaphore(%arg25 : memref<!tpu.dma_semaphore, #tpu.memory_space<semaphore_mem>>)
      } else {
      }
      %add3A_256 = arith.constant 4 : i32
      %add3A_257 = arith.addi %mul3A_133, %add3A_256 : i32
      %dma_wait3A_258 = arith.constant 0 : i32
      %dma_wait3A_259 = tpu.memref_slice %arg7[%add3A_257, %dma_wait3A_258] : memref<250x80xi32, #tpu.memory_space<vmem>> -> memref<1x80xi32, #tpu.memory_space<vmem>>
      %dma_wait3A_260 = tpu.memref_squeeze %dma_wait3A_259 : memref<1x80xi32, #tpu.memory_space<vmem>> -> memref<80xi32, #tpu.memory_space<vmem>>
      %dma_wait3A_261 = arith.constant 0 : i32
      %dma_wait3A_262 = arith.constant 0 : i32
      %dma_wait3A_263 = tpu.memref_slice %arg2[%arg0, %dma_wait3A_261, %dma_wait3A_262] : memref<2x10000x64xf32, #tpu.memory_space<hbm>> -> memref<1x10000x64xf32, #tpu.memory_space<hbm>>
      %dma_wait3A_264 = tpu.memref_squeeze %dma_wait3A_263 : memref<1x10000x64xf32, #tpu.memory_space<hbm>> -> memref<10000x64xf32, #tpu.memory_space<hbm>>
      %dma_wait3A_265 = arith.constant 0 : i32
      %dma_wait3A_266 = arith.constant 0 : i32
      %dma_wait3A_267 = tpu.memref_slice %dma_wait3A_264[%dma_wait3A_265, %dma_wait3A_266] : memref<10000x64xf32, #tpu.memory_space<hbm>> -> memref<10000x64xf32, #tpu.memory_space<hbm>>
      tpu.wait_indirect_dma semaphore(%arg22 : memref<!tpu.dma_semaphore, #tpu.memory_space<semaphore_mem>>) src(%dma_wait3A_267 : memref<10000x64xf32, #tpu.memory_space<hbm>>) dst(%arg13 : memref<80x64xf32, #tpu.memory_space<vmem>>)
      %dma_start3A_268 = arith.constant 0 : i32
      %dma_start3A_269 = tpu.memref_slice %arg8[%add3A_257, %dma_start3A_268] : memref<250x80xi32, #tpu.memory_space<vmem>> -> memref<1x80xi32, #tpu.memory_space<vmem>>
      %dma_start3A_270 = tpu.memref_squeeze %dma_start3A_269 : memref<1x80xi32, #tpu.memory_space<vmem>> -> memref<80xi32, #tpu.memory_space<vmem>>
      %dma_start3A_271 = arith.constant 0 : i32
      %dma_start3A_272 = arith.constant 0 : i32
      %dma_start3A_273 = tpu.memref_slice %arg17[%dma_start3A_271, %dma_start3A_272] : memref<10000x64xf32, #tpu.memory_space<vmem_shared>> -> memref<10000x64xf32, #tpu.memory_space<vmem_shared>>
      tpu.enqueue_indirect_dma source(%arg13 : memref<80x64xf32, #tpu.memory_space<vmem>>) target(%dma_start3A_273 : memref<10000x64xf32, #tpu.memory_space<vmem_shared>>) offsets(%dma_start3A_270 : memref<80xi32, #tpu.memory_space<vmem>>) semaphore(%arg22 : memref<!tpu.dma_semaphore, #tpu.memory_space<semaphore_mem>>) {add = true}
      %sub3A_274 = arith.constant 4 : i32
      %sub3A_275 = arith.subi %add3A_257, %sub3A_274 : i32
      %ge3A_276 = arith.constant 0 : i32
      %ge3A_277 = arith.cmpi sge, %sub3A_275, %ge3A_276 : i32
      %convert_element_type3A_278 = arith.extui %ge3A_277 : i1 to i32
      %cond3A_279 = arith.constant 0 : i32
      %cond3A_280 = arith.cmpi ne, %convert_element_type3A_278, %cond3A_279 : i32
      scf.if %cond3A_280 {
        %dma_wait3A_384 = arith.constant 0 : i32
        %dma_wait3A_385 = tpu.memref_slice %arg8[%sub3A_275, %dma_wait3A_384] : memref<250x80xi32, #tpu.memory_space<vmem>> -> memref<1x80xi32, #tpu.memory_space<vmem>>
        %dma_wait3A_386 = tpu.memref_squeeze %dma_wait3A_385 : memref<1x80xi32, #tpu.memory_space<vmem>> -> memref<80xi32, #tpu.memory_space<vmem>>
        %dma_wait3A_387 = arith.constant 0 : i32
        %dma_wait3A_388 = arith.constant 0 : i32
        %dma_wait3A_389 = tpu.memref_slice %arg17[%dma_wait3A_387, %dma_wait3A_388] : memref<10000x64xf32, #tpu.memory_space<vmem_shared>> -> memref<10000x64xf32, #tpu.memory_space<vmem_shared>>
        tpu.wait_indirect_dma semaphore(%arg18 : memref<!tpu.dma_semaphore, #tpu.memory_space<semaphore_mem>>) src(%arg9 : memref<80x64xf32, #tpu.memory_space<vmem>>) dst(%dma_wait3A_389 : memref<10000x64xf32, #tpu.memory_space<vmem_shared>>)
      } else {
      }
      %add3A_281 = arith.constant 4 : i32
      %add3A_282 = arith.addi %add3A_257, %add3A_281 : i32
      %lt3A_283 = arith.constant 250 : i32
      %lt3A_284 = arith.cmpi slt, %add3A_282, %lt3A_283 : i32
      %convert_element_type3A_285 = arith.extui %lt3A_284 : i1 to i32
      %cond3A_286 = arith.constant 0 : i32
      %cond3A_287 = arith.cmpi ne, %convert_element_type3A_285, %cond3A_286 : i32
      scf.if %cond3A_287 {
        %add3A_384 = arith.constant 4 : i32
        %add3A_385 = arith.addi %add3A_257, %add3A_384 : i32
        %dma_start3A_386 = arith.constant 0 : i32
        %dma_start3A_387 = tpu.memref_slice %arg7[%add3A_385, %dma_start3A_386] : memref<250x80xi32, #tpu.memory_space<vmem>> -> memref<1x80xi32, #tpu.memory_space<vmem>>
        %dma_start3A_388 = tpu.memref_squeeze %dma_start3A_387 : memref<1x80xi32, #tpu.memory_space<vmem>> -> memref<80xi32, #tpu.memory_space<vmem>>
        %dma_start3A_389 = arith.constant 0 : i32
        %dma_start3A_390 = arith.constant 0 : i32
        %dma_start3A_391 = tpu.memref_slice %arg2[%arg0, %dma_start3A_389, %dma_start3A_390] : memref<2x10000x64xf32, #tpu.memory_space<hbm>> -> memref<1x10000x64xf32, #tpu.memory_space<hbm>>
        %dma_start3A_392 = tpu.memref_squeeze %dma_start3A_391 : memref<1x10000x64xf32, #tpu.memory_space<hbm>> -> memref<10000x64xf32, #tpu.memory_space<hbm>>
        %dma_start3A_393 = arith.constant 0 : i32
        %dma_start3A_394 = arith.constant 0 : i32
        %dma_start3A_395 = tpu.memref_slice %dma_start3A_392[%dma_start3A_393, %dma_start3A_394] : memref<10000x64xf32, #tpu.memory_space<hbm>> -> memref<10000x64xf32, #tpu.memory_space<hbm>>
        tpu.enqueue_indirect_dma source(%dma_start3A_395 : memref<10000x64xf32, #tpu.memory_space<hbm>>) target(%arg9 : memref<80x64xf32, #tpu.memory_space<vmem>>) offsets(%dma_start3A_388 : memref<80xi32, #tpu.memory_space<vmem>>) semaphore(%arg18 : memref<!tpu.dma_semaphore, #tpu.memory_space<semaphore_mem>>)
      } else {
      }
      %add3A_288 = arith.constant 5 : i32
      %add3A_289 = arith.addi %mul3A_133, %add3A_288 : i32
      %dma_wait3A_290 = arith.constant 0 : i32
      %dma_wait3A_291 = tpu.memref_slice %arg7[%add3A_289, %dma_wait3A_290] : memref<250x80xi32, #tpu.memory_space<vmem>> -> memref<1x80xi32, #tpu.memory_space<vmem>>
      %dma_wait3A_292 = tpu.memref_squeeze %dma_wait3A_291 : memref<1x80xi32, #tpu.memory_space<vmem>> -> memref<80xi32, #tpu.memory_space<vmem>>
      %dma_wait3A_293 = arith.constant 0 : i32
      %dma_wait3A_294 = arith.constant 0 : i32
      %dma_wait3A_295 = tpu.memref_slice %arg2[%arg0, %dma_wait3A_293, %dma_wait3A_294] : memref<2x10000x64xf32, #tpu.memory_space<hbm>> -> memref<1x10000x64xf32, #tpu.memory_space<hbm>>
      %dma_wait3A_296 = tpu.memref_squeeze %dma_wait3A_295 : memref<1x10000x64xf32, #tpu.memory_space<hbm>> -> memref<10000x64xf32, #tpu.memory_space<hbm>>
      %dma_wait3A_297 = arith.constant 0 : i32
      %dma_wait3A_298 = arith.constant 0 : i32
      %dma_wait3A_299 = tpu.memref_slice %dma_wait3A_296[%dma_wait3A_297, %dma_wait3A_298] : memref<10000x64xf32, #tpu.memory_space<hbm>> -> memref<10000x64xf32, #tpu.memory_space<hbm>>
      tpu.wait_indirect_dma semaphore(%arg23 : memref<!tpu.dma_semaphore, #tpu.memory_space<semaphore_mem>>) src(%dma_wait3A_299 : memref<10000x64xf32, #tpu.memory_space<hbm>>) dst(%arg14 : memref<80x64xf32, #tpu.memory_space<vmem>>)
      %dma_start3A_300 = arith.constant 0 : i32
      %dma_start3A_301 = tpu.memref_slice %arg8[%add3A_289, %dma_start3A_300] : memref<250x80xi32, #tpu.memory_space<vmem>> -> memref<1x80xi32, #tpu.memory_space<vmem>>
      %dma_start3A_302 = tpu.memref_squeeze %dma_start3A_301 : memref<1x80xi32, #tpu.memory_space<vmem>> -> memref<80xi32, #tpu.memory_space<vmem>>
      %dma_start3A_303 = arith.constant 0 : i32
      %dma_start3A_304 = arith.constant 0 : i32
      %dma_start3A_305 = tpu.memref_slice %arg17[%dma_start3A_303, %dma_start3A_304] : memref<10000x64xf32, #tpu.memory_space<vmem_shared>> -> memref<10000x64xf32, #tpu.memory_space<vmem_shared>>
      tpu.enqueue_indirect_dma source(%arg14 : memref<80x64xf32, #tpu.memory_space<vmem>>) target(%dma_start3A_305 : memref<10000x64xf32, #tpu.memory_space<vmem_shared>>) offsets(%dma_start3A_302 : memref<80xi32, #tpu.memory_space<vmem>>) semaphore(%arg23 : memref<!tpu.dma_semaphore, #tpu.memory_space<semaphore_mem>>) {add = true}
      %sub3A_306 = arith.constant 4 : i32
      %sub3A_307 = arith.subi %add3A_289, %sub3A_306 : i32
      %ge3A_308 = arith.constant 0 : i32
      %ge3A_309 = arith.cmpi sge, %sub3A_307, %ge3A_308 : i32
      %convert_element_type3A_310 = arith.extui %ge3A_309 : i1 to i32
      %cond3A_311 = arith.constant 0 : i32
      %cond3A_312 = arith.cmpi ne, %convert_element_type3A_310, %cond3A_311 : i32
      scf.if %cond3A_312 {
        %dma_wait3A_384 = arith.constant 0 : i32
        %dma_wait3A_385 = tpu.memref_slice %arg8[%sub3A_307, %dma_wait3A_384] : memref<250x80xi32, #tpu.memory_space<vmem>> -> memref<1x80xi32, #tpu.memory_space<vmem>>
        %dma_wait3A_386 = tpu.memref_squeeze %dma_wait3A_385 : memref<1x80xi32, #tpu.memory_space<vmem>> -> memref<80xi32, #tpu.memory_space<vmem>>
        %dma_wait3A_387 = arith.constant 0 : i32
        %dma_wait3A_388 = arith.constant 0 : i32
        %dma_wait3A_389 = tpu.memref_slice %arg17[%dma_wait3A_387, %dma_wait3A_388] : memref<10000x64xf32, #tpu.memory_space<vmem_shared>> -> memref<10000x64xf32, #tpu.memory_space<vmem_shared>>
        tpu.wait_indirect_dma semaphore(%arg19 : memref<!tpu.dma_semaphore, #tpu.memory_space<semaphore_mem>>) src(%arg10 : memref<80x64xf32, #tpu.memory_space<vmem>>) dst(%dma_wait3A_389 : memref<10000x64xf32, #tpu.memory_space<vmem_shared>>)
      } else {
      }
      %add3A_313 = arith.constant 4 : i32
      %add3A_314 = arith.addi %add3A_289, %add3A_313 : i32
      %lt3A_315 = arith.constant 250 : i32
      %lt3A_316 = arith.cmpi slt, %add3A_314, %lt3A_315 : i32
      %convert_element_type3A_317 = arith.extui %lt3A_316 : i1 to i32
      %cond3A_318 = arith.constant 0 : i32
      %cond3A_319 = arith.cmpi ne, %convert_element_type3A_317, %cond3A_318 : i32
      scf.if %cond3A_319 {
        %add3A_384 = arith.constant 4 : i32
        %add3A_385 = arith.addi %add3A_289, %add3A_384 : i32
        %dma_start3A_386 = arith.constant 0 : i32
        %dma_start3A_387 = tpu.memref_slice %arg7[%add3A_385, %dma_start3A_386] : memref<250x80xi32, #tpu.memory_space<vmem>> -> memref<1x80xi32, #tpu.memory_space<vmem>>
        %dma_start3A_388 = tpu.memref_squeeze %dma_start3A_387 : memref<1x80xi32, #tpu.memory_space<vmem>> -> memref<80xi32, #tpu.memory_space<vmem>>
        %dma_start3A_389 = arith.constant 0 : i32
        %dma_start3A_390 = arith.constant 0 : i32
        %dma_start3A_391 = tpu.memref_slice %arg2[%arg0, %dma_start3A_389, %dma_start3A_390] : memref<2x10000x64xf32, #tpu.memory_space<hbm>> -> memref<1x10000x64xf32, #tpu.memory_space<hbm>>
        %dma_start3A_392 = tpu.memref_squeeze %dma_start3A_391 : memref<1x10000x64xf32, #tpu.memory_space<hbm>> -> memref<10000x64xf32, #tpu.memory_space<hbm>>
        %dma_start3A_393 = arith.constant 0 : i32
        %dma_start3A_394 = arith.constant 0 : i32
        %dma_start3A_395 = tpu.memref_slice %dma_start3A_392[%dma_start3A_393, %dma_start3A_394] : memref<10000x64xf32, #tpu.memory_space<hbm>> -> memref<10000x64xf32, #tpu.memory_space<hbm>>
        tpu.enqueue_indirect_dma source(%dma_start3A_395 : memref<10000x64xf32, #tpu.memory_space<hbm>>) target(%arg10 : memref<80x64xf32, #tpu.memory_space<vmem>>) offsets(%dma_start3A_388 : memref<80xi32, #tpu.memory_space<vmem>>) semaphore(%arg19 : memref<!tpu.dma_semaphore, #tpu.memory_space<semaphore_mem>>)
      } else {
      }
      %add3A_320 = arith.constant 6 : i32
      %add3A_321 = arith.addi %mul3A_133, %add3A_320 : i32
      %dma_wait3A_322 = arith.constant 0 : i32
      %dma_wait3A_323 = tpu.memref_slice %arg7[%add3A_321, %dma_wait3A_322] : memref<250x80xi32, #tpu.memory_space<vmem>> -> memref<1x80xi32, #tpu.memory_space<vmem>>
      %dma_wait3A_324 = tpu.memref_squeeze %dma_wait3A_323 : memref<1x80xi32, #tpu.memory_space<vmem>> -> memref<80xi32, #tpu.memory_space<vmem>>
      %dma_wait3A_325 = arith.constant 0 : i32
      %dma_wait3A_326 = arith.constant 0 : i32
      %dma_wait3A_327 = tpu.memref_slice %arg2[%arg0, %dma_wait3A_325, %dma_wait3A_326] : memref<2x10000x64xf32, #tpu.memory_space<hbm>> -> memref<1x10000x64xf32, #tpu.memory_space<hbm>>
      %dma_wait3A_328 = tpu.memref_squeeze %dma_wait3A_327 : memref<1x10000x64xf32, #tpu.memory_space<hbm>> -> memref<10000x64xf32, #tpu.memory_space<hbm>>
      %dma_wait3A_329 = arith.constant 0 : i32
      %dma_wait3A_330 = arith.constant 0 : i32
      %dma_wait3A_331 = tpu.memref_slice %dma_wait3A_328[%dma_wait3A_329, %dma_wait3A_330] : memref<10000x64xf32, #tpu.memory_space<hbm>> -> memref<10000x64xf32, #tpu.memory_space<hbm>>
      tpu.wait_indirect_dma semaphore(%arg24 : memref<!tpu.dma_semaphore, #tpu.memory_space<semaphore_mem>>) src(%dma_wait3A_331 : memref<10000x64xf32, #tpu.memory_space<hbm>>) dst(%arg15 : memref<80x64xf32, #tpu.memory_space<vmem>>)
      %dma_start3A_332 = arith.constant 0 : i32
      %dma_start3A_333 = tpu.memref_slice %arg8[%add3A_321, %dma_start3A_332] : memref<250x80xi32, #tpu.memory_space<vmem>> -> memref<1x80xi32, #tpu.memory_space<vmem>>
      %dma_start3A_334 = tpu.memref_squeeze %dma_start3A_333 : memref<1x80xi32, #tpu.memory_space<vmem>> -> memref<80xi32, #tpu.memory_space<vmem>>
      %dma_start3A_335 = arith.constant 0 : i32
      %dma_start3A_336 = arith.constant 0 : i32
      %dma_start3A_337 = tpu.memref_slice %arg17[%dma_start3A_335, %dma_start3A_336] : memref<10000x64xf32, #tpu.memory_space<vmem_shared>> -> memref<10000x64xf32, #tpu.memory_space<vmem_shared>>
      tpu.enqueue_indirect_dma source(%arg15 : memref<80x64xf32, #tpu.memory_space<vmem>>) target(%dma_start3A_337 : memref<10000x64xf32, #tpu.memory_space<vmem_shared>>) offsets(%dma_start3A_334 : memref<80xi32, #tpu.memory_space<vmem>>) semaphore(%arg24 : memref<!tpu.dma_semaphore, #tpu.memory_space<semaphore_mem>>) {add = true}
      %sub3A_338 = arith.constant 4 : i32
      %sub3A_339 = arith.subi %add3A_321, %sub3A_338 : i32
      %ge3A_340 = arith.constant 0 : i32
      %ge3A_341 = arith.cmpi sge, %sub3A_339, %ge3A_340 : i32
      %convert_element_type3A_342 = arith.extui %ge3A_341 : i1 to i32
      %cond3A_343 = arith.constant 0 : i32
      %cond3A_344 = arith.cmpi ne, %convert_element_type3A_342, %cond3A_343 : i32
      scf.if %cond3A_344 {
        %dma_wait3A_384 = arith.constant 0 : i32
        %dma_wait3A_385 = tpu.memref_slice %arg8[%sub3A_339, %dma_wait3A_384] : memref<250x80xi32, #tpu.memory_space<vmem>> -> memref<1x80xi32, #tpu.memory_space<vmem>>
        %dma_wait3A_386 = tpu.memref_squeeze %dma_wait3A_385 : memref<1x80xi32, #tpu.memory_space<vmem>> -> memref<80xi32, #tpu.memory_space<vmem>>
        %dma_wait3A_387 = arith.constant 0 : i32
        %dma_wait3A_388 = arith.constant 0 : i32
        %dma_wait3A_389 = tpu.memref_slice %arg17[%dma_wait3A_387, %dma_wait3A_388] : memref<10000x64xf32, #tpu.memory_space<vmem_shared>> -> memref<10000x64xf32, #tpu.memory_space<vmem_shared>>
        tpu.wait_indirect_dma semaphore(%arg20 : memref<!tpu.dma_semaphore, #tpu.memory_space<semaphore_mem>>) src(%arg11 : memref<80x64xf32, #tpu.memory_space<vmem>>) dst(%dma_wait3A_389 : memref<10000x64xf32, #tpu.memory_space<vmem_shared>>)
      } else {
      }
      %add3A_345 = arith.constant 4 : i32
      %add3A_346 = arith.addi %add3A_321, %add3A_345 : i32
      %lt3A_347 = arith.constant 250 : i32
      %lt3A_348 = arith.cmpi slt, %add3A_346, %lt3A_347 : i32
      %convert_element_type3A_349 = arith.extui %lt3A_348 : i1 to i32
      %cond3A_350 = arith.constant 0 : i32
      %cond3A_351 = arith.cmpi ne, %convert_element_type3A_349, %cond3A_350 : i32
      scf.if %cond3A_351 {
        %add3A_384 = arith.constant 4 : i32
        %add3A_385 = arith.addi %add3A_321, %add3A_384 : i32
        %dma_start3A_386 = arith.constant 0 : i32
        %dma_start3A_387 = tpu.memref_slice %arg7[%add3A_385, %dma_start3A_386] : memref<250x80xi32, #tpu.memory_space<vmem>> -> memref<1x80xi32, #tpu.memory_space<vmem>>
        %dma_start3A_388 = tpu.memref_squeeze %dma_start3A_387 : memref<1x80xi32, #tpu.memory_space<vmem>> -> memref<80xi32, #tpu.memory_space<vmem>>
        %dma_start3A_389 = arith.constant 0 : i32
        %dma_start3A_390 = arith.constant 0 : i32
        %dma_start3A_391 = tpu.memref_slice %arg2[%arg0, %dma_start3A_389, %dma_start3A_390] : memref<2x10000x64xf32, #tpu.memory_space<hbm>> -> memref<1x10000x64xf32, #tpu.memory_space<hbm>>
        %dma_start3A_392 = tpu.memref_squeeze %dma_start3A_391 : memref<1x10000x64xf32, #tpu.memory_space<hbm>> -> memref<10000x64xf32, #tpu.memory_space<hbm>>
        %dma_start3A_393 = arith.constant 0 : i32
        %dma_start3A_394 = arith.constant 0 : i32
        %dma_start3A_395 = tpu.memref_slice %dma_start3A_392[%dma_start3A_393, %dma_start3A_394] : memref<10000x64xf32, #tpu.memory_space<hbm>> -> memref<10000x64xf32, #tpu.memory_space<hbm>>
        tpu.enqueue_indirect_dma source(%dma_start3A_395 : memref<10000x64xf32, #tpu.memory_space<hbm>>) target(%arg11 : memref<80x64xf32, #tpu.memory_space<vmem>>) offsets(%dma_start3A_388 : memref<80xi32, #tpu.memory_space<vmem>>) semaphore(%arg20 : memref<!tpu.dma_semaphore, #tpu.memory_space<semaphore_mem>>)
      } else {
      }
      %add3A_352 = arith.constant 7 : i32
      %add3A_353 = arith.addi %mul3A_133, %add3A_352 : i32
      %dma_wait3A_354 = arith.constant 0 : i32
      %dma_wait3A_355 = tpu.memref_slice %arg7[%add3A_353, %dma_wait3A_354] : memref<250x80xi32, #tpu.memory_space<vmem>> -> memref<1x80xi32, #tpu.memory_space<vmem>>
      %dma_wait3A_356 = tpu.memref_squeeze %dma_wait3A_355 : memref<1x80xi32, #tpu.memory_space<vmem>> -> memref<80xi32, #tpu.memory_space<vmem>>
      %dma_wait3A_357 = arith.constant 0 : i32
      %dma_wait3A_358 = arith.constant 0 : i32
      %dma_wait3A_359 = tpu.memref_slice %arg2[%arg0, %dma_wait3A_357, %dma_wait3A_358] : memref<2x10000x64xf32, #tpu.memory_space<hbm>> -> memref<1x10000x64xf32, #tpu.memory_space<hbm>>
      %dma_wait3A_360 = tpu.memref_squeeze %dma_wait3A_359 : memref<1x10000x64xf32, #tpu.memory_space<hbm>> -> memref<10000x64xf32, #tpu.memory_space<hbm>>
      %dma_wait3A_361 = arith.constant 0 : i32
      %dma_wait3A_362 = arith.constant 0 : i32
      %dma_wait3A_363 = tpu.memref_slice %dma_wait3A_360[%dma_wait3A_361, %dma_wait3A_362] : memref<10000x64xf32, #tpu.memory_space<hbm>> -> memref<10000x64xf32, #tpu.memory_space<hbm>>
      tpu.wait_indirect_dma semaphore(%arg25 : memref<!tpu.dma_semaphore, #tpu.memory_space<semaphore_mem>>) src(%dma_wait3A_363 : memref<10000x64xf32, #tpu.memory_space<hbm>>) dst(%arg16 : memref<80x64xf32, #tpu.memory_space<vmem>>)
      %dma_start3A_364 = arith.constant 0 : i32
      %dma_start3A_365 = tpu.memref_slice %arg8[%add3A_353, %dma_start3A_364] : memref<250x80xi32, #tpu.memory_space<vmem>> -> memref<1x80xi32, #tpu.memory_space<vmem>>
      %dma_start3A_366 = tpu.memref_squeeze %dma_start3A_365 : memref<1x80xi32, #tpu.memory_space<vmem>> -> memref<80xi32, #tpu.memory_space<vmem>>
      %dma_start3A_367 = arith.constant 0 : i32
      %dma_start3A_368 = arith.constant 0 : i32
      %dma_start3A_369 = tpu.memref_slice %arg17[%dma_start3A_367, %dma_start3A_368] : memref<10000x64xf32, #tpu.memory_space<vmem_shared>> -> memref<10000x64xf32, #tpu.memory_space<vmem_shared>>
      tpu.enqueue_indirect_dma source(%arg16 : memref<80x64xf32, #tpu.memory_space<vmem>>) target(%dma_start3A_369 : memref<10000x64xf32, #tpu.memory_space<vmem_shared>>) offsets(%dma_start3A_366 : memref<80xi32, #tpu.memory_space<vmem>>) semaphore(%arg25 : memref<!tpu.dma_semaphore, #tpu.memory_space<semaphore_mem>>) {add = true}
      %sub3A_370 = arith.constant 4 : i32
      %sub3A_371 = arith.subi %add3A_353, %sub3A_370 : i32
      %ge3A_372 = arith.constant 0 : i32
      %ge3A_373 = arith.cmpi sge, %sub3A_371, %ge3A_372 : i32
      %convert_element_type3A_374 = arith.extui %ge3A_373 : i1 to i32
      %cond3A_375 = arith.constant 0 : i32
      %cond3A_376 = arith.cmpi ne, %convert_element_type3A_374, %cond3A_375 : i32
      scf.if %cond3A_376 {
        %dma_wait3A_384 = arith.constant 0 : i32
        %dma_wait3A_385 = tpu.memref_slice %arg8[%sub3A_371, %dma_wait3A_384] : memref<250x80xi32, #tpu.memory_space<vmem>> -> memref<1x80xi32, #tpu.memory_space<vmem>>
        %dma_wait3A_386 = tpu.memref_squeeze %dma_wait3A_385 : memref<1x80xi32, #tpu.memory_space<vmem>> -> memref<80xi32, #tpu.memory_space<vmem>>
        %dma_wait3A_387 = arith.constant 0 : i32
        %dma_wait3A_388 = arith.constant 0 : i32
        %dma_wait3A_389 = tpu.memref_slice %arg17[%dma_wait3A_387, %dma_wait3A_388] : memref<10000x64xf32, #tpu.memory_space<vmem_shared>> -> memref<10000x64xf32, #tpu.memory_space<vmem_shared>>
        tpu.wait_indirect_dma semaphore(%arg21 : memref<!tpu.dma_semaphore, #tpu.memory_space<semaphore_mem>>) src(%arg12 : memref<80x64xf32, #tpu.memory_space<vmem>>) dst(%dma_wait3A_389 : memref<10000x64xf32, #tpu.memory_space<vmem_shared>>)
      } else {
      }
      %add3A_377 = arith.constant 4 : i32
      %add3A_378 = arith.addi %add3A_353, %add3A_377 : i32
      %lt3A_379 = arith.constant 250 : i32
      %lt3A_380 = arith.cmpi slt, %add3A_378, %lt3A_379 : i32
      %convert_element_type3A_381 = arith.extui %lt3A_380 : i1 to i32
      %cond3A_382 = arith.constant 0 : i32
      %cond3A_383 = arith.cmpi ne, %convert_element_type3A_381, %cond3A_382 : i32
      scf.if %cond3A_383 {
        %add3A_384 = arith.constant 4 : i32
        %add3A_385 = arith.addi %add3A_353, %add3A_384 : i32
        %dma_start3A_386 = arith.constant 0 : i32
        %dma_start3A_387 = tpu.memref_slice %arg7[%add3A_385, %dma_start3A_386] : memref<250x80xi32, #tpu.memory_space<vmem>> -> memref<1x80xi32, #tpu.memory_space<vmem>>
        %dma_start3A_388 = tpu.memref_squeeze %dma_start3A_387 : memref<1x80xi32, #tpu.memory_space<vmem>> -> memref<80xi32, #tpu.memory_space<vmem>>
        %dma_start3A_389 = arith.constant 0 : i32
        %dma_start3A_390 = arith.constant 0 : i32
        %dma_start3A_391 = tpu.memref_slice %arg2[%arg0, %dma_start3A_389, %dma_start3A_390] : memref<2x10000x64xf32, #tpu.memory_space<hbm>> -> memref<1x10000x64xf32, #tpu.memory_space<hbm>>
        %dma_start3A_392 = tpu.memref_squeeze %dma_start3A_391 : memref<1x10000x64xf32, #tpu.memory_space<hbm>> -> memref<10000x64xf32, #tpu.memory_space<hbm>>
        %dma_start3A_393 = arith.constant 0 : i32
        %dma_start3A_394 = arith.constant 0 : i32
        %dma_start3A_395 = tpu.memref_slice %dma_start3A_392[%dma_start3A_393, %dma_start3A_394] : memref<10000x64xf32, #tpu.memory_space<hbm>> -> memref<10000x64xf32, #tpu.memory_space<hbm>>
        tpu.enqueue_indirect_dma source(%dma_start3A_395 : memref<10000x64xf32, #tpu.memory_space<hbm>>) target(%arg12 : memref<80x64xf32, #tpu.memory_space<vmem>>) offsets(%dma_start3A_388 : memref<80xi32, #tpu.memory_space<vmem>>) semaphore(%arg21 : memref<!tpu.dma_semaphore, #tpu.memory_space<semaphore_mem>>)
      } else {
      }
    }
    %scan3A_48 = arith.constant 31 : i32
    %dma_wait3A = arith.constant 248 : i32
    %dma_wait3A_49 = arith.constant 0 : i32
    %dma_wait3A_50 = tpu.memref_slice %arg7[%dma_wait3A, %dma_wait3A_49] : memref<250x80xi32, #tpu.memory_space<vmem>> -> memref<1x80xi32, #tpu.memory_space<vmem>>
    %dma_wait3A_51 = tpu.memref_squeeze %dma_wait3A_50 : memref<1x80xi32, #tpu.memory_space<vmem>> -> memref<80xi32, #tpu.memory_space<vmem>>
    %dma_wait3A_52 = arith.constant 0 : i32
    %dma_wait3A_53 = arith.constant 0 : i32
    %dma_wait3A_54 = tpu.memref_slice %arg2[%arg0, %dma_wait3A_52, %dma_wait3A_53] : memref<2x10000x64xf32, #tpu.memory_space<hbm>> -> memref<1x10000x64xf32, #tpu.memory_space<hbm>>
    %dma_wait3A_55 = tpu.memref_squeeze %dma_wait3A_54 : memref<1x10000x64xf32, #tpu.memory_space<hbm>> -> memref<10000x64xf32, #tpu.memory_space<hbm>>
    %dma_wait3A_56 = arith.constant 0 : i32
    %dma_wait3A_57 = arith.constant 0 : i32
    %dma_wait3A_58 = tpu.memref_slice %dma_wait3A_55[%dma_wait3A_56, %dma_wait3A_57] : memref<10000x64xf32, #tpu.memory_space<hbm>> -> memref<10000x64xf32, #tpu.memory_space<hbm>>
    tpu.wait_indirect_dma semaphore(%arg18 : memref<!tpu.dma_semaphore, #tpu.memory_space<semaphore_mem>>) src(%dma_wait3A_58 : memref<10000x64xf32, #tpu.memory_space<hbm>>) dst(%arg9 : memref<80x64xf32, #tpu.memory_space<vmem>>)
    %dma_start3A_59 = arith.constant 248 : i32
    %dma_start3A_60 = arith.constant 0 : i32
    %dma_start3A_61 = tpu.memref_slice %arg8[%dma_start3A_59, %dma_start3A_60] : memref<250x80xi32, #tpu.memory_space<vmem>> -> memref<1x80xi32, #tpu.memory_space<vmem>>
    %dma_start3A_62 = tpu.memref_squeeze %dma_start3A_61 : memref<1x80xi32, #tpu.memory_space<vmem>> -> memref<80xi32, #tpu.memory_space<vmem>>
    %dma_start3A_63 = arith.constant 0 : i32
    %dma_start3A_64 = arith.constant 0 : i32
    %dma_start3A_65 = tpu.memref_slice %arg17[%dma_start3A_63, %dma_start3A_64] : memref<10000x64xf32, #tpu.memory_space<vmem_shared>> -> memref<10000x64xf32, #tpu.memory_space<vmem_shared>>
    tpu.enqueue_indirect_dma source(%arg9 : memref<80x64xf32, #tpu.memory_space<vmem>>) target(%dma_start3A_65 : memref<10000x64xf32, #tpu.memory_space<vmem_shared>>) offsets(%dma_start3A_62 : memref<80xi32, #tpu.memory_space<vmem>>) semaphore(%arg18 : memref<!tpu.dma_semaphore, #tpu.memory_space<semaphore_mem>>) {add = true}
    %dma_wait3A_66 = arith.constant 249 : i32
    %dma_wait3A_67 = arith.constant 0 : i32
    %dma_wait3A_68 = tpu.memref_slice %arg7[%dma_wait3A_66, %dma_wait3A_67] : memref<250x80xi32, #tpu.memory_space<vmem>> -> memref<1x80xi32, #tpu.memory_space<vmem>>
    %dma_wait3A_69 = tpu.memref_squeeze %dma_wait3A_68 : memref<1x80xi32, #tpu.memory_space<vmem>> -> memref<80xi32, #tpu.memory_space<vmem>>
    %dma_wait3A_70 = arith.constant 0 : i32
    %dma_wait3A_71 = arith.constant 0 : i32
    %dma_wait3A_72 = tpu.memref_slice %arg2[%arg0, %dma_wait3A_70, %dma_wait3A_71] : memref<2x10000x64xf32, #tpu.memory_space<hbm>> -> memref<1x10000x64xf32, #tpu.memory_space<hbm>>
    %dma_wait3A_73 = tpu.memref_squeeze %dma_wait3A_72 : memref<1x10000x64xf32, #tpu.memory_space<hbm>> -> memref<10000x64xf32, #tpu.memory_space<hbm>>
    %dma_wait3A_74 = arith.constant 0 : i32
    %dma_wait3A_75 = arith.constant 0 : i32
    %dma_wait3A_76 = tpu.memref_slice %dma_wait3A_73[%dma_wait3A_74, %dma_wait3A_75] : memref<10000x64xf32, #tpu.memory_space<hbm>> -> memref<10000x64xf32, #tpu.memory_space<hbm>>
    tpu.wait_indirect_dma semaphore(%arg19 : memref<!tpu.dma_semaphore, #tpu.memory_space<semaphore_mem>>) src(%dma_wait3A_76 : memref<10000x64xf32, #tpu.memory_space<hbm>>) dst(%arg10 : memref<80x64xf32, #tpu.memory_space<vmem>>)
    %dma_start3A_77 = arith.constant 249 : i32
    %dma_start3A_78 = arith.constant 0 : i32
    %dma_start3A_79 = tpu.memref_slice %arg8[%dma_start3A_77, %dma_start3A_78] : memref<250x80xi32, #tpu.memory_space<vmem>> -> memref<1x80xi32, #tpu.memory_space<vmem>>
    %dma_start3A_80 = tpu.memref_squeeze %dma_start3A_79 : memref<1x80xi32, #tpu.memory_space<vmem>> -> memref<80xi32, #tpu.memory_space<vmem>>
    %dma_start3A_81 = arith.constant 0 : i32
    %dma_start3A_82 = arith.constant 0 : i32
    %dma_start3A_83 = tpu.memref_slice %arg17[%dma_start3A_81, %dma_start3A_82] : memref<10000x64xf32, #tpu.memory_space<vmem_shared>> -> memref<10000x64xf32, #tpu.memory_space<vmem_shared>>
    tpu.enqueue_indirect_dma source(%arg10 : memref<80x64xf32, #tpu.memory_space<vmem>>) target(%dma_start3A_83 : memref<10000x64xf32, #tpu.memory_space<vmem_shared>>) offsets(%dma_start3A_80 : memref<80xi32, #tpu.memory_space<vmem>>) semaphore(%arg19 : memref<!tpu.dma_semaphore, #tpu.memory_space<semaphore_mem>>) {add = true}
    %dma_wait3A_84 = arith.constant 244 : i32
    %dma_wait3A_85 = arith.constant 0 : i32
    %dma_wait3A_86 = tpu.memref_slice %arg8[%dma_wait3A_84, %dma_wait3A_85] : memref<250x80xi32, #tpu.memory_space<vmem>> -> memref<1x80xi32, #tpu.memory_space<vmem>>
    %dma_wait3A_87 = tpu.memref_squeeze %dma_wait3A_86 : memref<1x80xi32, #tpu.memory_space<vmem>> -> memref<80xi32, #tpu.memory_space<vmem>>
    %dma_wait3A_88 = arith.constant 0 : i32
    %dma_wait3A_89 = arith.constant 0 : i32
    %dma_wait3A_90 = tpu.memref_slice %arg17[%dma_wait3A_88, %dma_wait3A_89] : memref<10000x64xf32, #tpu.memory_space<vmem_shared>> -> memref<10000x64xf32, #tpu.memory_space<vmem_shared>>
    tpu.wait_indirect_dma semaphore(%arg22 : memref<!tpu.dma_semaphore, #tpu.memory_space<semaphore_mem>>) src(%arg13 : memref<80x64xf32, #tpu.memory_space<vmem>>) dst(%dma_wait3A_90 : memref<10000x64xf32, #tpu.memory_space<vmem_shared>>)
    %dma_wait3A_91 = arith.constant 245 : i32
    %dma_wait3A_92 = arith.constant 0 : i32
    %dma_wait3A_93 = tpu.memref_slice %arg8[%dma_wait3A_91, %dma_wait3A_92] : memref<250x80xi32, #tpu.memory_space<vmem>> -> memref<1x80xi32, #tpu.memory_space<vmem>>
    %dma_wait3A_94 = tpu.memref_squeeze %dma_wait3A_93 : memref<1x80xi32, #tpu.memory_space<vmem>> -> memref<80xi32, #tpu.memory_space<vmem>>
    %dma_wait3A_95 = arith.constant 0 : i32
    %dma_wait3A_96 = arith.constant 0 : i32
    %dma_wait3A_97 = tpu.memref_slice %arg17[%dma_wait3A_95, %dma_wait3A_96] : memref<10000x64xf32, #tpu.memory_space<vmem_shared>> -> memref<10000x64xf32, #tpu.memory_space<vmem_shared>>
    tpu.wait_indirect_dma semaphore(%arg23 : memref<!tpu.dma_semaphore, #tpu.memory_space<semaphore_mem>>) src(%arg14 : memref<80x64xf32, #tpu.memory_space<vmem>>) dst(%dma_wait3A_97 : memref<10000x64xf32, #tpu.memory_space<vmem_shared>>)
    %dma_wait3A_98 = arith.constant 246 : i32
    %dma_wait3A_99 = arith.constant 0 : i32
    %dma_wait3A_100 = tpu.memref_slice %arg8[%dma_wait3A_98, %dma_wait3A_99] : memref<250x80xi32, #tpu.memory_space<vmem>> -> memref<1x80xi32, #tpu.memory_space<vmem>>
    %dma_wait3A_101 = tpu.memref_squeeze %dma_wait3A_100 : memref<1x80xi32, #tpu.memory_space<vmem>> -> memref<80xi32, #tpu.memory_space<vmem>>
    %dma_wait3A_102 = arith.constant 0 : i32
    %dma_wait3A_103 = arith.constant 0 : i32
    %dma_wait3A_104 = tpu.memref_slice %arg17[%dma_wait3A_102, %dma_wait3A_103] : memref<10000x64xf32, #tpu.memory_space<vmem_shared>> -> memref<10000x64xf32, #tpu.memory_space<vmem_shared>>
    tpu.wait_indirect_dma semaphore(%arg24 : memref<!tpu.dma_semaphore, #tpu.memory_space<semaphore_mem>>) src(%arg15 : memref<80x64xf32, #tpu.memory_space<vmem>>) dst(%dma_wait3A_104 : memref<10000x64xf32, #tpu.memory_space<vmem_shared>>)
    %dma_wait3A_105 = arith.constant 247 : i32
    %dma_wait3A_106 = arith.constant 0 : i32
    %dma_wait3A_107 = tpu.memref_slice %arg8[%dma_wait3A_105, %dma_wait3A_106] : memref<250x80xi32, #tpu.memory_space<vmem>> -> memref<1x80xi32, #tpu.memory_space<vmem>>
    %dma_wait3A_108 = tpu.memref_squeeze %dma_wait3A_107 : memref<1x80xi32, #tpu.memory_space<vmem>> -> memref<80xi32, #tpu.memory_space<vmem>>
    %dma_wait3A_109 = arith.constant 0 : i32
    %dma_wait3A_110 = arith.constant 0 : i32
    %dma_wait3A_111 = tpu.memref_slice %arg17[%dma_wait3A_109, %dma_wait3A_110] : memref<10000x64xf32, #tpu.memory_space<vmem_shared>> -> memref<10000x64xf32, #tpu.memory_space<vmem_shared>>
    tpu.wait_indirect_dma semaphore(%arg25 : memref<!tpu.dma_semaphore, #tpu.memory_space<semaphore_mem>>) src(%arg16 : memref<80x64xf32, #tpu.memory_space<vmem>>) dst(%dma_wait3A_111 : memref<10000x64xf32, #tpu.memory_space<vmem_shared>>)
    %dma_wait3A_112 = arith.constant 248 : i32
    %dma_wait3A_113 = arith.constant 0 : i32
    %dma_wait3A_114 = tpu.memref_slice %arg8[%dma_wait3A_112, %dma_wait3A_113] : memref<250x80xi32, #tpu.memory_space<vmem>> -> memref<1x80xi32, #tpu.memory_space<vmem>>
    %dma_wait3A_115 = tpu.memref_squeeze %dma_wait3A_114 : memref<1x80xi32, #tpu.memory_space<vmem>> -> memref<80xi32, #tpu.memory_space<vmem>>
    %dma_wait3A_116 = arith.constant 0 : i32
    %dma_wait3A_117 = arith.constant 0 : i32
    %dma_wait3A_118 = tpu.memref_slice %arg17[%dma_wait3A_116, %dma_wait3A_117] : memref<10000x64xf32, #tpu.memory_space<vmem_shared>> -> memref<10000x64xf32, #tpu.memory_space<vmem_shared>>
    tpu.wait_indirect_dma semaphore(%arg18 : memref<!tpu.dma_semaphore, #tpu.memory_space<semaphore_mem>>) src(%arg9 : memref<80x64xf32, #tpu.memory_space<vmem>>) dst(%dma_wait3A_118 : memref<10000x64xf32, #tpu.memory_space<vmem_shared>>)
    %dma_wait3A_119 = arith.constant 249 : i32
    %dma_wait3A_120 = arith.constant 0 : i32
    %dma_wait3A_121 = tpu.memref_slice %arg8[%dma_wait3A_119, %dma_wait3A_120] : memref<250x80xi32, #tpu.memory_space<vmem>> -> memref<1x80xi32, #tpu.memory_space<vmem>>
    %dma_wait3A_122 = tpu.memref_squeeze %dma_wait3A_121 : memref<1x80xi32, #tpu.memory_space<vmem>> -> memref<80xi32, #tpu.memory_space<vmem>>
    %dma_wait3A_123 = arith.constant 0 : i32
    %dma_wait3A_124 = arith.constant 0 : i32
    %dma_wait3A_125 = tpu.memref_slice %arg17[%dma_wait3A_123, %dma_wait3A_124] : memref<10000x64xf32, #tpu.memory_space<vmem_shared>> -> memref<10000x64xf32, #tpu.memory_space<vmem_shared>>
    tpu.wait_indirect_dma semaphore(%arg19 : memref<!tpu.dma_semaphore, #tpu.memory_space<semaphore_mem>>) src(%arg10 : memref<80x64xf32, #tpu.memory_space<vmem>>) dst(%dma_wait3A_125 : memref<10000x64xf32, #tpu.memory_space<vmem_shared>>)
    %barrier3A_126 = arith.constant 0 : index
    tpu.barrier barrier_id(%barrier3A_126)
    %mul3A_127 = arith.constant 625 : i32
    %mul3A_128 = arith.muli %arg1, %mul3A_127 : i32
    %mul3A_129 = arith.constant 625 : i32
    %mul3A_130 = arith.muli %arg1, %mul3A_129 : i32
    "tpu.region"() ({
      %run_scoped3A = tpu.sem_alloc : memref<!tpu.dma_semaphore, #tpu.memory_space<semaphore_mem>>
      %dma_start3A_131 = arith.constant 0 : i32
      %dma_start3A_132 = tpu.memref_slice %arg6[%arg0, %mul3A_130, %dma_start3A_131] : memref<2x10000x64xf32, #tpu.memory_space<hbm>> -> memref<1x625x64xf32, #tpu.memory_space<hbm>>
      %dma_start3A_133 = tpu.memref_squeeze %dma_start3A_132 : memref<1x625x64xf32, #tpu.memory_space<hbm>> -> memref<625x64xf32, #tpu.memory_space<hbm>>
      %dma_start3A_134 = arith.constant 0 : i32
      %dma_start3A_135 = tpu.memref_slice %arg17[%mul3A_128, %dma_start3A_134] : memref<10000x64xf32, #tpu.memory_space<vmem_shared>> -> memref<625x64xf32, #tpu.memory_space<vmem_shared>>
      tpu.enqueue_dma source(%dma_start3A_135 : memref<625x64xf32, #tpu.memory_space<vmem_shared>>) target(%dma_start3A_133 : memref<625x64xf32, #tpu.memory_space<hbm>>) target_semaphore(%run_scoped3A : memref<!tpu.dma_semaphore, #tpu.memory_space<semaphore_mem>>)
      %dma_wait3A_136 = arith.constant 0 : i32
      %dma_wait3A_137 = tpu.memref_slice %arg6[%arg0, %mul3A_130, %dma_wait3A_136] : memref<2x10000x64xf32, #tpu.memory_space<hbm>> -> memref<1x625x64xf32, #tpu.memory_space<hbm>>
      %dma_wait3A_138 = tpu.memref_squeeze %dma_wait3A_137 : memref<1x625x64xf32, #tpu.memory_space<hbm>> -> memref<625x64xf32, #tpu.memory_space<hbm>>
      %dma_wait3A_139 = arith.constant 0 : i32
      %dma_wait3A_140 = tpu.memref_slice %arg17[%mul3A_128, %dma_wait3A_139] : memref<10000x64xf32, #tpu.memory_space<vmem_shared>> -> memref<625x64xf32, #tpu.memory_space<vmem_shared>>
      tpu.wait_dma2 semaphore(%run_scoped3A : memref<!tpu.dma_semaphore, #tpu.memory_space<semaphore_mem>>) src(%dma_wait3A_140 : memref<625x64xf32, #tpu.memory_space<vmem_shared>>) dst(%dma_wait3A_138 : memref<625x64xf32, #tpu.memory_space<hbm>>)
      tpu.yield
    }) : () -> ()
    return
  }
}

#map = affine_map<(d0, d1) -> (0, 0, 0)>
#map1 = affine_map<(d0, d1) -> (0, 0)>
module attributes {stable_mosaic.version = 14 : i64} {
  func.func @_spmm(%arg0: i32, %arg1: i32, %arg2: memref<2x10000x64xf32, #tpu.memory_space<hbm>>, %arg3: memref<16x250x80xi32, #tpu.memory_space<hbm>>, %arg4: memref<16x250x80xi32, #tpu.memory_space<hbm>>, %arg5: memref<625x64xf32, #tpu.memory_space<hbm>>, %arg6: memref<2x10000x64xf32, #tpu.memory_space<hbm>>, %arg7: memref<250x80xi32, #tpu.memory_space<vmem>>, %arg8: memref<250x80xi32, #tpu.memory_space<vmem>>, %arg9: memref<80x64xf32, #tpu.memory_space<vmem>>, %arg10: memref<80x64xf32, #tpu.memory_space<vmem>>, %arg11: memref<80x64xf32, #tpu.memory_space<vmem>>, %arg12: memref<80x64xf32, #tpu.memory_space<vmem>>, %arg13: memref<80x64xf32, #tpu.memory_space<vmem>>, %arg14: memref<80x64xf32, #tpu.memory_space<vmem>>, %arg15: memref<80x64xf32, #tpu.memory_space<vmem>>, %arg16: memref<80x64xf32, #tpu.memory_space<vmem>>, %arg17: memref<10000x64xf32, #tpu.memory_space<vmem_shared>>, %arg18: memref<!tpu.dma_semaphore, #tpu.memory_space<semaphore_mem>>, %arg19: memref<!tpu.dma_semaphore, #tpu.memory_space<semaphore_mem>>, %arg20: memref<!tpu.dma_semaphore, #tpu.memory_space<semaphore_mem>>, %arg21: memref<!tpu.dma_semaphore, #tpu.memory_space<semaphore_mem>>, %arg22: memref<!tpu.dma_semaphore, #tpu.memory_space<semaphore_mem>>, %arg23: memref<!tpu.dma_semaphore, #tpu.memory_space<semaphore_mem>>, %arg24: memref<!tpu.dma_semaphore, #tpu.memory_space<semaphore_mem>>, %arg25: memref<!tpu.dma_semaphore, #tpu.memory_space<semaphore_mem>>) attributes {dimension_semantics = [#tpu.dimension_semantics<core_parallel>, #tpu.dimension_semantics<subcore_parallel>], iteration_bounds = array<i64: 2, 16>, scalar_prefetch = 0 : i64, scratch_operands = 19 : i64, tpu.core_type = #tpu.core_type<sc_vector_subcore>, window_params = [{transform_indices = #map}, {transform_indices = #map}, {transform_indices = #map}, {transform_indices = #map1}, {transform_indices = #map}]} {
    "tpu.region"() ({
      %run_scoped3A = tpu.sem_alloc : memref<!tpu.dma_semaphore, #tpu.memory_space<semaphore_mem>>
      %dma_start3A_131 = arith.constant 0 : i32
      %dma_start3A_132 = arith.constant 0 : i32
      %dma_start3A_133 = tpu.memref_slice %arg3[%arg1, %dma_start3A_131, %dma_start3A_132] : memref<16x250x80xi32, #tpu.memory_space<hbm>> -> memref<1x250x80xi32, #tpu.memory_space<hbm>>
      %dma_start3A_134 = tpu.memref_squeeze %dma_start3A_133 : memref<1x250x80xi32, #tpu.memory_space<hbm>> -> memref<250x80xi32, #tpu.memory_space<hbm>>
      %dma_start3A_135 = arith.constant 0 : i32
      %dma_start3A_136 = arith.constant 0 : i32
      %dma_start3A_137 = tpu.memref_slice %arg3[%arg1, %dma_start3A_135, %dma_start3A_136] : memref<16x250x80xi32, #tpu.memory_space<hbm>> -> memref<1x250x80xi32, #tpu.memory_space<hbm>>
      %dma_start3A_138 = tpu.memref_squeeze %dma_start3A_137 : memref<1x250x80xi32, #tpu.memory_space<hbm>> -> memref<250x80xi32, #tpu.memory_space<hbm>>
      tpu.enqueue_dma source(%dma_start3A_138 : memref<250x80xi32, #tpu.memory_space<hbm>>) target(%arg7 : memref<250x80xi32, #tpu.memory_space<vmem>>) target_semaphore(%run_scoped3A : memref<!tpu.dma_semaphore, #tpu.memory_space<semaphore_mem>>)
      %dma_wait3A_139 = arith.constant 0 : i32
      %dma_wait3A_140 = arith.constant 0 : i32
      %dma_wait3A_141 = tpu.memref_slice %arg3[%arg1, %dma_wait3A_139, %dma_wait3A_140] : memref<16x250x80xi32, #tpu.memory_space<hbm>> -> memref<1x250x80xi32, #tpu.memory_space<hbm>>
      %dma_wait3A_142 = tpu.memref_squeeze %dma_wait3A_141 : memref<1x250x80xi32, #tpu.memory_space<hbm>> -> memref<250x80xi32, #tpu.memory_space<hbm>>
      %dma_wait3A_143 = arith.constant 0 : i32
      %dma_wait3A_144 = arith.constant 0 : i32
      %dma_wait3A_145 = tpu.memref_slice %arg3[%arg1, %dma_wait3A_143, %dma_wait3A_144] : memref<16x250x80xi32, #tpu.memory_space<hbm>> -> memref<1x250x80xi32, #tpu.memory_space<hbm>>
      %dma_wait3A_146 = tpu.memref_squeeze %dma_wait3A_145 : memref<1x250x80xi32, #tpu.memory_space<hbm>> -> memref<250x80xi32, #tpu.memory_space<hbm>>
      tpu.wait_dma2 semaphore(%run_scoped3A : memref<!tpu.dma_semaphore, #tpu.memory_space<semaphore_mem>>) src(%dma_wait3A_146 : memref<250x80xi32, #tpu.memory_space<hbm>>) dst(%arg7 : memref<250x80xi32, #tpu.memory_space<vmem>>)
      tpu.yield
    }) : () -> ()
    "tpu.region"() ({
      %run_scoped3A = tpu.sem_alloc : memref<!tpu.dma_semaphore, #tpu.memory_space<semaphore_mem>>
      %dma_start3A_131 = arith.constant 0 : i32
      %dma_start3A_132 = arith.constant 0 : i32
      %dma_start3A_133 = tpu.memref_slice %arg4[%arg1, %dma_start3A_131, %dma_start3A_132] : memref<16x250x80xi32, #tpu.memory_space<hbm>> -> memref<1x250x80xi32, #tpu.memory_space<hbm>>
      %dma_start3A_134 = tpu.memref_squeeze %dma_start3A_133 : memref<1x250x80xi32, #tpu.memory_space<hbm>> -> memref<250x80xi32, #tpu.memory_space<hbm>>
      %dma_start3A_135 = arith.constant 0 : i32
      %dma_start3A_136 = arith.constant 0 : i32
      %dma_start3A_137 = tpu.memref_slice %arg4[%arg1, %dma_start3A_135, %dma_start3A_136] : memref<16x250x80xi32, #tpu.memory_space<hbm>> -> memref<1x250x80xi32, #tpu.memory_space<hbm>>
      %dma_start3A_138 = tpu.memref_squeeze %dma_start3A_137 : memref<1x250x80xi32, #tpu.memory_space<hbm>> -> memref<250x80xi32, #tpu.memory_space<hbm>>
      tpu.enqueue_dma source(%dma_start3A_138 : memref<250x80xi32, #tpu.memory_space<hbm>>) target(%arg8 : memref<250x80xi32, #tpu.memory_space<vmem>>) target_semaphore(%run_scoped3A : memref<!tpu.dma_semaphore, #tpu.memory_space<semaphore_mem>>)
      %dma_wait3A_139 = arith.constant 0 : i32
      %dma_wait3A_140 = arith.constant 0 : i32
      %dma_wait3A_141 = tpu.memref_slice %arg4[%arg1, %dma_wait3A_139, %dma_wait3A_140] : memref<16x250x80xi32, #tpu.memory_space<hbm>> -> memref<1x250x80xi32, #tpu.memory_space<hbm>>
      %dma_wait3A_142 = tpu.memref_squeeze %dma_wait3A_141 : memref<1x250x80xi32, #tpu.memory_space<hbm>> -> memref<250x80xi32, #tpu.memory_space<hbm>>
      %dma_wait3A_143 = arith.constant 0 : i32
      %dma_wait3A_144 = arith.constant 0 : i32
      %dma_wait3A_145 = tpu.memref_slice %arg4[%arg1, %dma_wait3A_143, %dma_wait3A_144] : memref<16x250x80xi32, #tpu.memory_space<hbm>> -> memref<1x250x80xi32, #tpu.memory_space<hbm>>
      %dma_wait3A_146 = tpu.memref_squeeze %dma_wait3A_145 : memref<1x250x80xi32, #tpu.memory_space<hbm>> -> memref<250x80xi32, #tpu.memory_space<hbm>>
      tpu.wait_dma2 semaphore(%run_scoped3A : memref<!tpu.dma_semaphore, #tpu.memory_space<semaphore_mem>>) src(%dma_wait3A_146 : memref<250x80xi32, #tpu.memory_space<hbm>>) dst(%arg8 : memref<250x80xi32, #tpu.memory_space<vmem>>)
      tpu.yield
    }) : () -> ()
    %dma_start3A = arith.constant 0 : i32
    %dma_start3A_0 = arith.constant 0 : i32
    %dma_start3A_1 = tpu.memref_slice %arg7[%dma_start3A, %dma_start3A_0] : memref<250x80xi32, #tpu.memory_space<vmem>> -> memref<1x80xi32, #tpu.memory_space<vmem>>
    %dma_start3A_2 = tpu.memref_squeeze %dma_start3A_1 : memref<1x80xi32, #tpu.memory_space<vmem>> -> memref<80xi32, #tpu.memory_space<vmem>>
    %dma_start3A_3 = arith.constant 0 : i32
    %dma_start3A_4 = arith.constant 0 : i32
    %dma_start3A_5 = tpu.memref_slice %arg2[%arg0, %dma_start3A_3, %dma_start3A_4] : memref<2x10000x64xf32, #tpu.memory_space<hbm>> -> memref<1x10000x64xf32, #tpu.memory_space<hbm>>
    %dma_start3A_6 = tpu.memref_squeeze %dma_start3A_5 : memref<1x10000x64xf32, #tpu.memory_space<hbm>> -> memref<10000x64xf32, #tpu.memory_space<hbm>>
    %dma_start3A_7 = arith.constant 0 : i32
    %dma_start3A_8 = arith.constant 0 : i32
    %dma_start3A_9 = tpu.memref_slice %dma_start3A_6[%dma_start3A_7, %dma_start3A_8] : memref<10000x64xf32, #tpu.memory_space<hbm>> -> memref<10000x64xf32, #tpu.memory_space<hbm>>
    tpu.enqueue_indirect_dma source(%dma_start3A_9 : memref<10000x64xf32, #tpu.memory_space<hbm>>) target(%arg9 : memref<80x64xf32, #tpu.memory_space<vmem>>) offsets(%dma_start3A_2 : memref<80xi32, #tpu.memory_space<vmem>>) semaphore(%arg18 : memref<!tpu.dma_semaphore, #tpu.memory_space<semaphore_mem>>)
    %dma_start3A_10 = arith.constant 1 : i32
    %dma_start3A_11 = arith.constant 0 : i32
    %dma_start3A_12 = tpu.memref_slice %arg7[%dma_start3A_10, %dma_start3A_11] : memref<250x80xi32, #tpu.memory_space<vmem>> -> memref<1x80xi32, #tpu.memory_space<vmem>>
    %dma_start3A_13 = tpu.memref_squeeze %dma_start3A_12 : memref<1x80xi32, #tpu.memory_space<vmem>> -> memref<80xi32, #tpu.memory_space<vmem>>
    %dma_start3A_14 = arith.constant 0 : i32
    %dma_start3A_15 = arith.constant 0 : i32
    %dma_start3A_16 = tpu.memref_slice %arg2[%arg0, %dma_start3A_14, %dma_start3A_15] : memref<2x10000x64xf32, #tpu.memory_space<hbm>> -> memref<1x10000x64xf32, #tpu.memory_space<hbm>>
    %dma_start3A_17 = tpu.memref_squeeze %dma_start3A_16 : memref<1x10000x64xf32, #tpu.memory_space<hbm>> -> memref<10000x64xf32, #tpu.memory_space<hbm>>
    %dma_start3A_18 = arith.constant 0 : i32
    %dma_start3A_19 = arith.constant 0 : i32
    %dma_start3A_20 = tpu.memref_slice %dma_start3A_17[%dma_start3A_18, %dma_start3A_19] : memref<10000x64xf32, #tpu.memory_space<hbm>> -> memref<10000x64xf32, #tpu.memory_space<hbm>>
    tpu.enqueue_indirect_dma source(%dma_start3A_20 : memref<10000x64xf32, #tpu.memory_space<hbm>>) target(%arg10 : memref<80x64xf32, #tpu.memory_space<vmem>>) offsets(%dma_start3A_13 : memref<80xi32, #tpu.memory_space<vmem>>) semaphore(%arg19 : memref<!tpu.dma_semaphore, #tpu.memory_space<semaphore_mem>>)
    %dma_start3A_21 = arith.constant 2 : i32
    %dma_start3A_22 = arith.constant 0 : i32
    %dma_start3A_23 = tpu.memref_slice %arg7[%dma_start3A_21, %dma_start3A_22] : memref<250x80xi32, #tpu.memory_space<vmem>> -> memref<1x80xi32, #tpu.memory_space<vmem>>
    %dma_start3A_24 = tpu.memref_squeeze %dma_start3A_23 : memref<1x80xi32, #tpu.memory_space<vmem>> -> memref<80xi32, #tpu.memory_space<vmem>>
    %dma_start3A_25 = arith.constant 0 : i32
    %dma_start3A_26 = arith.constant 0 : i32
    %dma_start3A_27 = tpu.memref_slice %arg2[%arg0, %dma_start3A_25, %dma_start3A_26] : memref<2x10000x64xf32, #tpu.memory_space<hbm>> -> memref<1x10000x64xf32, #tpu.memory_space<hbm>>
    %dma_start3A_28 = tpu.memref_squeeze %dma_start3A_27 : memref<1x10000x64xf32, #tpu.memory_space<hbm>> -> memref<10000x64xf32, #tpu.memory_space<hbm>>
    %dma_start3A_29 = arith.constant 0 : i32
    %dma_start3A_30 = arith.constant 0 : i32
    %dma_start3A_31 = tpu.memref_slice %dma_start3A_28[%dma_start3A_29, %dma_start3A_30] : memref<10000x64xf32, #tpu.memory_space<hbm>> -> memref<10000x64xf32, #tpu.memory_space<hbm>>
    tpu.enqueue_indirect_dma source(%dma_start3A_31 : memref<10000x64xf32, #tpu.memory_space<hbm>>) target(%arg11 : memref<80x64xf32, #tpu.memory_space<vmem>>) offsets(%dma_start3A_24 : memref<80xi32, #tpu.memory_space<vmem>>) semaphore(%arg20 : memref<!tpu.dma_semaphore, #tpu.memory_space<semaphore_mem>>)
    %dma_start3A_32 = arith.constant 3 : i32
    %dma_start3A_33 = arith.constant 0 : i32
    %dma_start3A_34 = tpu.memref_slice %arg7[%dma_start3A_32, %dma_start3A_33] : memref<250x80xi32, #tpu.memory_space<vmem>> -> memref<1x80xi32, #tpu.memory_space<vmem>>
    %dma_start3A_35 = tpu.memref_squeeze %dma_start3A_34 : memref<1x80xi32, #tpu.memory_space<vmem>> -> memref<80xi32, #tpu.memory_space<vmem>>
    %dma_start3A_36 = arith.constant 0 : i32
    %dma_start3A_37 = arith.constant 0 : i32
    %dma_start3A_38 = tpu.memref_slice %arg2[%arg0, %dma_start3A_36, %dma_start3A_37] : memref<2x10000x64xf32, #tpu.memory_space<hbm>> -> memref<1x10000x64xf32, #tpu.memory_space<hbm>>
    %dma_start3A_39 = tpu.memref_squeeze %dma_start3A_38 : memref<1x10000x64xf32, #tpu.memory_space<hbm>> -> memref<10000x64xf32, #tpu.memory_space<hbm>>
    %dma_start3A_40 = arith.constant 0 : i32
    %dma_start3A_41 = arith.constant 0 : i32
    %dma_start3A_42 = tpu.memref_slice %dma_start3A_39[%dma_start3A_40, %dma_start3A_41] : memref<10000x64xf32, #tpu.memory_space<hbm>> -> memref<10000x64xf32, #tpu.memory_space<hbm>>
    tpu.enqueue_indirect_dma source(%dma_start3A_42 : memref<10000x64xf32, #tpu.memory_space<hbm>>) target(%arg12 : memref<80x64xf32, #tpu.memory_space<vmem>>) offsets(%dma_start3A_35 : memref<80xi32, #tpu.memory_space<vmem>>) semaphore(%arg21 : memref<!tpu.dma_semaphore, #tpu.memory_space<semaphore_mem>>)
    %mul3A = arith.constant 625 : i32
    %mul3A_43 = arith.muli %arg1, %mul3A : i32
    "tpu.region"() ({
      %run_scoped3A = tpu.sem_alloc : memref<!tpu.dma_semaphore, #tpu.memory_space<semaphore_mem>>
      %dma_start3A_131 = arith.constant 0 : i32
      %dma_start3A_132 = tpu.memref_slice %arg17[%mul3A_43, %dma_start3A_131] : memref<10000x64xf32, #tpu.memory_space<vmem_shared>> -> memref<625x64xf32, #tpu.memory_space<vmem_shared>>
      tpu.enqueue_dma source(%arg5 : memref<625x64xf32, #tpu.memory_space<hbm>>) target(%dma_start3A_132 : memref<625x64xf32, #tpu.memory_space<vmem_shared>>) target_semaphore(%run_scoped3A : memref<!tpu.dma_semaphore, #tpu.memory_space<semaphore_mem>>)
      %dma_wait3A_133 = arith.constant 0 : i32
      %dma_wait3A_134 = tpu.memref_slice %arg17[%mul3A_43, %dma_wait3A_133] : memref<10000x64xf32, #tpu.memory_space<vmem_shared>> -> memref<625x64xf32, #tpu.memory_space<vmem_shared>>
      tpu.wait_dma2 semaphore(%run_scoped3A : memref<!tpu.dma_semaphore, #tpu.memory_space<semaphore_mem>>) src(%arg5 : memref<625x64xf32, #tpu.memory_space<hbm>>) dst(%dma_wait3A_134 : memref<625x64xf32, #tpu.memory_space<vmem_shared>>)
      tpu.yield
    }) : () -> ()
    %barrier3A = arith.constant 0 : index
    tpu.barrier barrier_id(%barrier3A)
    %scan3A = arith.constant 0 : i32
    %scan3A_44 = arith.constant 0 : i32
    %scan3A_45 = arith.constant 31 : i32
    %scan3A_46 = arith.addi %scan3A_44, %scan3A_45 : i32
    %scan3A_47 = arith.constant 1 : i32
    scf.for %scan3A_131 = %scan3A_44 to %scan3A_46 step %scan3A_47  : i32 {
      %mul3A_132 = arith.constant 8 : i32
      %mul3A_133 = arith.muli %mul3A_132, %scan3A_131 : i32
      %add3A = arith.constant 0 : i32
      %add3A_134 = arith.addi %mul3A_133, %add3A : i32
      %dma_wait3A_135 = arith.constant 0 : i32
      %dma_wait3A_136 = tpu.memref_slice %arg7[%add3A_134, %dma_wait3A_135] : memref<250x80xi32, #tpu.memory_space<vmem>> -> memref<1x80xi32, #tpu.memory_space<vmem>>
      %dma_wait3A_137 = tpu.memref_squeeze %dma_wait3A_136 : memref<1x80xi32, #tpu.memory_space<vmem>> -> memref<80xi32, #tpu.memory_space<vmem>>
      %dma_wait3A_138 = arith.constant 0 : i32
      %dma_wait3A_139 = arith.constant 0 : i32
      %dma_wait3A_140 = tpu.memref_slice %arg2[%arg0, %dma_wait3A_138, %dma_wait3A_139] : memref<2x10000x64xf32, #tpu.memory_space<hbm>> -> memref<1x10000x64xf32, #tpu.memory_space<hbm>>
      %dma_wait3A_141 = tpu.memref_squeeze %dma_wait3A_140 : memref<1x10000x64xf32, #tpu.memory_space<hbm>> -> memref<10000x64xf32, #tpu.memory_space<hbm>>
      %dma_wait3A_142 = arith.constant 0 : i32
      %dma_wait3A_143 = arith.constant 0 : i32
      %dma_wait3A_144 = tpu.memref_slice %dma_wait3A_141[%dma_wait3A_142, %dma_wait3A_143] : memref<10000x64xf32, #tpu.memory_space<hbm>> -> memref<10000x64xf32, #tpu.memory_space<hbm>>
      tpu.wait_indirect_dma semaphore(%arg18 : memref<!tpu.dma_semaphore, #tpu.memory_space<semaphore_mem>>) src(%dma_wait3A_144 : memref<10000x64xf32, #tpu.memory_space<hbm>>) dst(%arg9 : memref<80x64xf32, #tpu.memory_space<vmem>>)
      %dma_start3A_145 = arith.constant 0 : i32
      %dma_start3A_146 = tpu.memref_slice %arg8[%add3A_134, %dma_start3A_145] : memref<250x80xi32, #tpu.memory_space<vmem>> -> memref<1x80xi32, #tpu.memory_space<vmem>>
      %dma_start3A_147 = tpu.memref_squeeze %dma_start3A_146 : memref<1x80xi32, #tpu.memory_space<vmem>> -> memref<80xi32, #tpu.memory_space<vmem>>
      %dma_start3A_148 = arith.constant 0 : i32
      %dma_start3A_149 = arith.constant 0 : i32
      %dma_start3A_150 = tpu.memref_slice %arg17[%dma_start3A_148, %dma_start3A_149] : memref<10000x64xf32, #tpu.memory_space<vmem_shared>> -> memref<10000x64xf32, #tpu.memory_space<vmem_shared>>
      tpu.enqueue_indirect_dma source(%arg9 : memref<80x64xf32, #tpu.memory_space<vmem>>) target(%dma_start3A_150 : memref<10000x64xf32, #tpu.memory_space<vmem_shared>>) offsets(%dma_start3A_147 : memref<80xi32, #tpu.memory_space<vmem>>) semaphore(%arg18 : memref<!tpu.dma_semaphore, #tpu.memory_space<semaphore_mem>>) {add = true}
      %sub3A = arith.constant 4 : i32
      %sub3A_151 = arith.subi %add3A_134, %sub3A : i32
      %ge3A = arith.constant 0 : i32
      %ge3A_152 = arith.cmpi sge, %sub3A_151, %ge3A : i32
      %convert_element_type3A = arith.extui %ge3A_152 : i1 to i32
      %cond3A = arith.constant 0 : i32
      %cond3A_153 = arith.cmpi ne, %convert_element_type3A, %cond3A : i32
      scf.if %cond3A_153 {
        %dma_wait3A_384 = arith.constant 0 : i32
        %dma_wait3A_385 = tpu.memref_slice %arg8[%sub3A_151, %dma_wait3A_384] : memref<250x80xi32, #tpu.memory_space<vmem>> -> memref<1x80xi32, #tpu.memory_space<vmem>>
        %dma_wait3A_386 = tpu.memref_squeeze %dma_wait3A_385 : memref<1x80xi32, #tpu.memory_space<vmem>> -> memref<80xi32, #tpu.memory_space<vmem>>
        %dma_wait3A_387 = arith.constant 0 : i32
        %dma_wait3A_388 = arith.constant 0 : i32
        %dma_wait3A_389 = tpu.memref_slice %arg17[%dma_wait3A_387, %dma_wait3A_388] : memref<10000x64xf32, #tpu.memory_space<vmem_shared>> -> memref<10000x64xf32, #tpu.memory_space<vmem_shared>>
        tpu.wait_indirect_dma semaphore(%arg22 : memref<!tpu.dma_semaphore, #tpu.memory_space<semaphore_mem>>) src(%arg13 : memref<80x64xf32, #tpu.memory_space<vmem>>) dst(%dma_wait3A_389 : memref<10000x64xf32, #tpu.memory_space<vmem_shared>>)
      } else {
      }
      %add3A_154 = arith.constant 4 : i32
      %add3A_155 = arith.addi %add3A_134, %add3A_154 : i32
      %lt3A = arith.constant 250 : i32
      %lt3A_156 = arith.cmpi slt, %add3A_155, %lt3A : i32
      %convert_element_type3A_157 = arith.extui %lt3A_156 : i1 to i32
      %cond3A_158 = arith.constant 0 : i32
      %cond3A_159 = arith.cmpi ne, %convert_element_type3A_157, %cond3A_158 : i32
      scf.if %cond3A_159 {
        %add3A_384 = arith.constant 4 : i32
        %add3A_385 = arith.addi %add3A_134, %add3A_384 : i32
        %dma_start3A_386 = arith.constant 0 : i32
        %dma_start3A_387 = tpu.memref_slice %arg7[%add3A_385, %dma_start3A_386] : memref<250x80xi32, #tpu.memory_space<vmem>> -> memref<1x80xi32, #tpu.memory_space<vmem>>
        %dma_start3A_388 = tpu.memref_squeeze %dma_start3A_387 : memref<1x80xi32, #tpu.memory_space<vmem>> -> memref<80xi32, #tpu.memory_space<vmem>>
        %dma_start3A_389 = arith.constant 0 : i32
        %dma_start3A_390 = arith.constant 0 : i32
        %dma_start3A_391 = tpu.memref_slice %arg2[%arg0, %dma_start3A_389, %dma_start3A_390] : memref<2x10000x64xf32, #tpu.memory_space<hbm>> -> memref<1x10000x64xf32, #tpu.memory_space<hbm>>
        %dma_start3A_392 = tpu.memref_squeeze %dma_start3A_391 : memref<1x10000x64xf32, #tpu.memory_space<hbm>> -> memref<10000x64xf32, #tpu.memory_space<hbm>>
        %dma_start3A_393 = arith.constant 0 : i32
        %dma_start3A_394 = arith.constant 0 : i32
        %dma_start3A_395 = tpu.memref_slice %dma_start3A_392[%dma_start3A_393, %dma_start3A_394] : memref<10000x64xf32, #tpu.memory_space<hbm>> -> memref<10000x64xf32, #tpu.memory_space<hbm>>
        tpu.enqueue_indirect_dma source(%dma_start3A_395 : memref<10000x64xf32, #tpu.memory_space<hbm>>) target(%arg13 : memref<80x64xf32, #tpu.memory_space<vmem>>) offsets(%dma_start3A_388 : memref<80xi32, #tpu.memory_space<vmem>>) semaphore(%arg22 : memref<!tpu.dma_semaphore, #tpu.memory_space<semaphore_mem>>)
      } else {
      }
      %add3A_160 = arith.constant 1 : i32
      %add3A_161 = arith.addi %mul3A_133, %add3A_160 : i32
      %dma_wait3A_162 = arith.constant 0 : i32
      %dma_wait3A_163 = tpu.memref_slice %arg7[%add3A_161, %dma_wait3A_162] : memref<250x80xi32, #tpu.memory_space<vmem>> -> memref<1x80xi32, #tpu.memory_space<vmem>>
      %dma_wait3A_164 = tpu.memref_squeeze %dma_wait3A_163 : memref<1x80xi32, #tpu.memory_space<vmem>> -> memref<80xi32, #tpu.memory_space<vmem>>
      %dma_wait3A_165 = arith.constant 0 : i32
      %dma_wait3A_166 = arith.constant 0 : i32
      %dma_wait3A_167 = tpu.memref_slice %arg2[%arg0, %dma_wait3A_165, %dma_wait3A_166] : memref<2x10000x64xf32, #tpu.memory_space<hbm>> -> memref<1x10000x64xf32, #tpu.memory_space<hbm>>
      %dma_wait3A_168 = tpu.memref_squeeze %dma_wait3A_167 : memref<1x10000x64xf32, #tpu.memory_space<hbm>> -> memref<10000x64xf32, #tpu.memory_space<hbm>>
      %dma_wait3A_169 = arith.constant 0 : i32
      %dma_wait3A_170 = arith.constant 0 : i32
      %dma_wait3A_171 = tpu.memref_slice %dma_wait3A_168[%dma_wait3A_169, %dma_wait3A_170] : memref<10000x64xf32, #tpu.memory_space<hbm>> -> memref<10000x64xf32, #tpu.memory_space<hbm>>
      tpu.wait_indirect_dma semaphore(%arg19 : memref<!tpu.dma_semaphore, #tpu.memory_space<semaphore_mem>>) src(%dma_wait3A_171 : memref<10000x64xf32, #tpu.memory_space<hbm>>) dst(%arg10 : memref<80x64xf32, #tpu.memory_space<vmem>>)
      %dma_start3A_172 = arith.constant 0 : i32
      %dma_start3A_173 = tpu.memref_slice %arg8[%add3A_161, %dma_start3A_172] : memref<250x80xi32, #tpu.memory_space<vmem>> -> memref<1x80xi32, #tpu.memory_space<vmem>>
      %dma_start3A_174 = tpu.memref_squeeze %dma_start3A_173 : memref<1x80xi32, #tpu.memory_space<vmem>> -> memref<80xi32, #tpu.memory_space<vmem>>
      %dma_start3A_175 = arith.constant 0 : i32
      %dma_start3A_176 = arith.constant 0 : i32
      %dma_start3A_177 = tpu.memref_slice %arg17[%dma_start3A_175, %dma_start3A_176] : memref<10000x64xf32, #tpu.memory_space<vmem_shared>> -> memref<10000x64xf32, #tpu.memory_space<vmem_shared>>
      tpu.enqueue_indirect_dma source(%arg10 : memref<80x64xf32, #tpu.memory_space<vmem>>) target(%dma_start3A_177 : memref<10000x64xf32, #tpu.memory_space<vmem_shared>>) offsets(%dma_start3A_174 : memref<80xi32, #tpu.memory_space<vmem>>) semaphore(%arg19 : memref<!tpu.dma_semaphore, #tpu.memory_space<semaphore_mem>>) {add = true}
      %sub3A_178 = arith.constant 4 : i32
      %sub3A_179 = arith.subi %add3A_161, %sub3A_178 : i32
      %ge3A_180 = arith.constant 0 : i32
      %ge3A_181 = arith.cmpi sge, %sub3A_179, %ge3A_180 : i32
      %convert_element_type3A_182 = arith.extui %ge3A_181 : i1 to i32
      %cond3A_183 = arith.constant 0 : i32
      %cond3A_184 = arith.cmpi ne, %convert_element_type3A_182, %cond3A_183 : i32
      scf.if %cond3A_184 {
        %dma_wait3A_384 = arith.constant 0 : i32
        %dma_wait3A_385 = tpu.memref_slice %arg8[%sub3A_179, %dma_wait3A_384] : memref<250x80xi32, #tpu.memory_space<vmem>> -> memref<1x80xi32, #tpu.memory_space<vmem>>
        %dma_wait3A_386 = tpu.memref_squeeze %dma_wait3A_385 : memref<1x80xi32, #tpu.memory_space<vmem>> -> memref<80xi32, #tpu.memory_space<vmem>>
        %dma_wait3A_387 = arith.constant 0 : i32
        %dma_wait3A_388 = arith.constant 0 : i32
        %dma_wait3A_389 = tpu.memref_slice %arg17[%dma_wait3A_387, %dma_wait3A_388] : memref<10000x64xf32, #tpu.memory_space<vmem_shared>> -> memref<10000x64xf32, #tpu.memory_space<vmem_shared>>
        tpu.wait_indirect_dma semaphore(%arg23 : memref<!tpu.dma_semaphore, #tpu.memory_space<semaphore_mem>>) src(%arg14 : memref<80x64xf32, #tpu.memory_space<vmem>>) dst(%dma_wait3A_389 : memref<10000x64xf32, #tpu.memory_space<vmem_shared>>)
      } else {
      }
      %add3A_185 = arith.constant 4 : i32
      %add3A_186 = arith.addi %add3A_161, %add3A_185 : i32
      %lt3A_187 = arith.constant 250 : i32
      %lt3A_188 = arith.cmpi slt, %add3A_186, %lt3A_187 : i32
      %convert_element_type3A_189 = arith.extui %lt3A_188 : i1 to i32
      %cond3A_190 = arith.constant 0 : i32
      %cond3A_191 = arith.cmpi ne, %convert_element_type3A_189, %cond3A_190 : i32
      scf.if %cond3A_191 {
        %add3A_384 = arith.constant 4 : i32
        %add3A_385 = arith.addi %add3A_161, %add3A_384 : i32
        %dma_start3A_386 = arith.constant 0 : i32
        %dma_start3A_387 = tpu.memref_slice %arg7[%add3A_385, %dma_start3A_386] : memref<250x80xi32, #tpu.memory_space<vmem>> -> memref<1x80xi32, #tpu.memory_space<vmem>>
        %dma_start3A_388 = tpu.memref_squeeze %dma_start3A_387 : memref<1x80xi32, #tpu.memory_space<vmem>> -> memref<80xi32, #tpu.memory_space<vmem>>
        %dma_start3A_389 = arith.constant 0 : i32
        %dma_start3A_390 = arith.constant 0 : i32
        %dma_start3A_391 = tpu.memref_slice %arg2[%arg0, %dma_start3A_389, %dma_start3A_390] : memref<2x10000x64xf32, #tpu.memory_space<hbm>> -> memref<1x10000x64xf32, #tpu.memory_space<hbm>>
        %dma_start3A_392 = tpu.memref_squeeze %dma_start3A_391 : memref<1x10000x64xf32, #tpu.memory_space<hbm>> -> memref<10000x64xf32, #tpu.memory_space<hbm>>
        %dma_start3A_393 = arith.constant 0 : i32
        %dma_start3A_394 = arith.constant 0 : i32
        %dma_start3A_395 = tpu.memref_slice %dma_start3A_392[%dma_start3A_393, %dma_start3A_394] : memref<10000x64xf32, #tpu.memory_space<hbm>> -> memref<10000x64xf32, #tpu.memory_space<hbm>>
        tpu.enqueue_indirect_dma source(%dma_start3A_395 : memref<10000x64xf32, #tpu.memory_space<hbm>>) target(%arg14 : memref<80x64xf32, #tpu.memory_space<vmem>>) offsets(%dma_start3A_388 : memref<80xi32, #tpu.memory_space<vmem>>) semaphore(%arg23 : memref<!tpu.dma_semaphore, #tpu.memory_space<semaphore_mem>>)
      } else {
      }
      %add3A_192 = arith.constant 2 : i32
      %add3A_193 = arith.addi %mul3A_133, %add3A_192 : i32
      %dma_wait3A_194 = arith.constant 0 : i32
      %dma_wait3A_195 = tpu.memref_slice %arg7[%add3A_193, %dma_wait3A_194] : memref<250x80xi32, #tpu.memory_space<vmem>> -> memref<1x80xi32, #tpu.memory_space<vmem>>
      %dma_wait3A_196 = tpu.memref_squeeze %dma_wait3A_195 : memref<1x80xi32, #tpu.memory_space<vmem>> -> memref<80xi32, #tpu.memory_space<vmem>>
      %dma_wait3A_197 = arith.constant 0 : i32
      %dma_wait3A_198 = arith.constant 0 : i32
      %dma_wait3A_199 = tpu.memref_slice %arg2[%arg0, %dma_wait3A_197, %dma_wait3A_198] : memref<2x10000x64xf32, #tpu.memory_space<hbm>> -> memref<1x10000x64xf32, #tpu.memory_space<hbm>>
      %dma_wait3A_200 = tpu.memref_squeeze %dma_wait3A_199 : memref<1x10000x64xf32, #tpu.memory_space<hbm>> -> memref<10000x64xf32, #tpu.memory_space<hbm>>
      %dma_wait3A_201 = arith.constant 0 : i32
      %dma_wait3A_202 = arith.constant 0 : i32
      %dma_wait3A_203 = tpu.memref_slice %dma_wait3A_200[%dma_wait3A_201, %dma_wait3A_202] : memref<10000x64xf32, #tpu.memory_space<hbm>> -> memref<10000x64xf32, #tpu.memory_space<hbm>>
      tpu.wait_indirect_dma semaphore(%arg20 : memref<!tpu.dma_semaphore, #tpu.memory_space<semaphore_mem>>) src(%dma_wait3A_203 : memref<10000x64xf32, #tpu.memory_space<hbm>>) dst(%arg11 : memref<80x64xf32, #tpu.memory_space<vmem>>)
      %dma_start3A_204 = arith.constant 0 : i32
      %dma_start3A_205 = tpu.memref_slice %arg8[%add3A_193, %dma_start3A_204] : memref<250x80xi32, #tpu.memory_space<vmem>> -> memref<1x80xi32, #tpu.memory_space<vmem>>
      %dma_start3A_206 = tpu.memref_squeeze %dma_start3A_205 : memref<1x80xi32, #tpu.memory_space<vmem>> -> memref<80xi32, #tpu.memory_space<vmem>>
      %dma_start3A_207 = arith.constant 0 : i32
      %dma_start3A_208 = arith.constant 0 : i32
      %dma_start3A_209 = tpu.memref_slice %arg17[%dma_start3A_207, %dma_start3A_208] : memref<10000x64xf32, #tpu.memory_space<vmem_shared>> -> memref<10000x64xf32, #tpu.memory_space<vmem_shared>>
      tpu.enqueue_indirect_dma source(%arg11 : memref<80x64xf32, #tpu.memory_space<vmem>>) target(%dma_start3A_209 : memref<10000x64xf32, #tpu.memory_space<vmem_shared>>) offsets(%dma_start3A_206 : memref<80xi32, #tpu.memory_space<vmem>>) semaphore(%arg20 : memref<!tpu.dma_semaphore, #tpu.memory_space<semaphore_mem>>) {add = true}
      %sub3A_210 = arith.constant 4 : i32
      %sub3A_211 = arith.subi %add3A_193, %sub3A_210 : i32
      %ge3A_212 = arith.constant 0 : i32
      %ge3A_213 = arith.cmpi sge, %sub3A_211, %ge3A_212 : i32
      %convert_element_type3A_214 = arith.extui %ge3A_213 : i1 to i32
      %cond3A_215 = arith.constant 0 : i32
      %cond3A_216 = arith.cmpi ne, %convert_element_type3A_214, %cond3A_215 : i32
      scf.if %cond3A_216 {
        %dma_wait3A_384 = arith.constant 0 : i32
        %dma_wait3A_385 = tpu.memref_slice %arg8[%sub3A_211, %dma_wait3A_384] : memref<250x80xi32, #tpu.memory_space<vmem>> -> memref<1x80xi32, #tpu.memory_space<vmem>>
        %dma_wait3A_386 = tpu.memref_squeeze %dma_wait3A_385 : memref<1x80xi32, #tpu.memory_space<vmem>> -> memref<80xi32, #tpu.memory_space<vmem>>
        %dma_wait3A_387 = arith.constant 0 : i32
        %dma_wait3A_388 = arith.constant 0 : i32
        %dma_wait3A_389 = tpu.memref_slice %arg17[%dma_wait3A_387, %dma_wait3A_388] : memref<10000x64xf32, #tpu.memory_space<vmem_shared>> -> memref<10000x64xf32, #tpu.memory_space<vmem_shared>>
        tpu.wait_indirect_dma semaphore(%arg24 : memref<!tpu.dma_semaphore, #tpu.memory_space<semaphore_mem>>) src(%arg15 : memref<80x64xf32, #tpu.memory_space<vmem>>) dst(%dma_wait3A_389 : memref<10000x64xf32, #tpu.memory_space<vmem_shared>>)
      } else {
      }
      %add3A_217 = arith.constant 4 : i32
      %add3A_218 = arith.addi %add3A_193, %add3A_217 : i32
      %lt3A_219 = arith.constant 250 : i32
      %lt3A_220 = arith.cmpi slt, %add3A_218, %lt3A_219 : i32
      %convert_element_type3A_221 = arith.extui %lt3A_220 : i1 to i32
      %cond3A_222 = arith.constant 0 : i32
      %cond3A_223 = arith.cmpi ne, %convert_element_type3A_221, %cond3A_222 : i32
      scf.if %cond3A_223 {
        %add3A_384 = arith.constant 4 : i32
        %add3A_385 = arith.addi %add3A_193, %add3A_384 : i32
        %dma_start3A_386 = arith.constant 0 : i32
        %dma_start3A_387 = tpu.memref_slice %arg7[%add3A_385, %dma_start3A_386] : memref<250x80xi32, #tpu.memory_space<vmem>> -> memref<1x80xi32, #tpu.memory_space<vmem>>
        %dma_start3A_388 = tpu.memref_squeeze %dma_start3A_387 : memref<1x80xi32, #tpu.memory_space<vmem>> -> memref<80xi32, #tpu.memory_space<vmem>>
        %dma_start3A_389 = arith.constant 0 : i32
        %dma_start3A_390 = arith.constant 0 : i32
        %dma_start3A_391 = tpu.memref_slice %arg2[%arg0, %dma_start3A_389, %dma_start3A_390] : memref<2x10000x64xf32, #tpu.memory_space<hbm>> -> memref<1x10000x64xf32, #tpu.memory_space<hbm>>
        %dma_start3A_392 = tpu.memref_squeeze %dma_start3A_391 : memref<1x10000x64xf32, #tpu.memory_space<hbm>> -> memref<10000x64xf32, #tpu.memory_space<hbm>>
        %dma_start3A_393 = arith.constant 0 : i32
        %dma_start3A_394 = arith.constant 0 : i32
        %dma_start3A_395 = tpu.memref_slice %dma_start3A_392[%dma_start3A_393, %dma_start3A_394] : memref<10000x64xf32, #tpu.memory_space<hbm>> -> memref<10000x64xf32, #tpu.memory_space<hbm>>
        tpu.enqueue_indirect_dma source(%dma_start3A_395 : memref<10000x64xf32, #tpu.memory_space<hbm>>) target(%arg15 : memref<80x64xf32, #tpu.memory_space<vmem>>) offsets(%dma_start3A_388 : memref<80xi32, #tpu.memory_space<vmem>>) semaphore(%arg24 : memref<!tpu.dma_semaphore, #tpu.memory_space<semaphore_mem>>)
      } else {
      }
      %add3A_224 = arith.constant 3 : i32
      %add3A_225 = arith.addi %mul3A_133, %add3A_224 : i32
      %dma_wait3A_226 = arith.constant 0 : i32
      %dma_wait3A_227 = tpu.memref_slice %arg7[%add3A_225, %dma_wait3A_226] : memref<250x80xi32, #tpu.memory_space<vmem>> -> memref<1x80xi32, #tpu.memory_space<vmem>>
      %dma_wait3A_228 = tpu.memref_squeeze %dma_wait3A_227 : memref<1x80xi32, #tpu.memory_space<vmem>> -> memref<80xi32, #tpu.memory_space<vmem>>
      %dma_wait3A_229 = arith.constant 0 : i32
      %dma_wait3A_230 = arith.constant 0 : i32
      %dma_wait3A_231 = tpu.memref_slice %arg2[%arg0, %dma_wait3A_229, %dma_wait3A_230] : memref<2x10000x64xf32, #tpu.memory_space<hbm>> -> memref<1x10000x64xf32, #tpu.memory_space<hbm>>
      %dma_wait3A_232 = tpu.memref_squeeze %dma_wait3A_231 : memref<1x10000x64xf32, #tpu.memory_space<hbm>> -> memref<10000x64xf32, #tpu.memory_space<hbm>>
      %dma_wait3A_233 = arith.constant 0 : i32
      %dma_wait3A_234 = arith.constant 0 : i32
      %dma_wait3A_235 = tpu.memref_slice %dma_wait3A_232[%dma_wait3A_233, %dma_wait3A_234] : memref<10000x64xf32, #tpu.memory_space<hbm>> -> memref<10000x64xf32, #tpu.memory_space<hbm>>
      tpu.wait_indirect_dma semaphore(%arg21 : memref<!tpu.dma_semaphore, #tpu.memory_space<semaphore_mem>>) src(%dma_wait3A_235 : memref<10000x64xf32, #tpu.memory_space<hbm>>) dst(%arg12 : memref<80x64xf32, #tpu.memory_space<vmem>>)
      %dma_start3A_236 = arith.constant 0 : i32
      %dma_start3A_237 = tpu.memref_slice %arg8[%add3A_225, %dma_start3A_236] : memref<250x80xi32, #tpu.memory_space<vmem>> -> memref<1x80xi32, #tpu.memory_space<vmem>>
      %dma_start3A_238 = tpu.memref_squeeze %dma_start3A_237 : memref<1x80xi32, #tpu.memory_space<vmem>> -> memref<80xi32, #tpu.memory_space<vmem>>
      %dma_start3A_239 = arith.constant 0 : i32
      %dma_start3A_240 = arith.constant 0 : i32
      %dma_start3A_241 = tpu.memref_slice %arg17[%dma_start3A_239, %dma_start3A_240] : memref<10000x64xf32, #tpu.memory_space<vmem_shared>> -> memref<10000x64xf32, #tpu.memory_space<vmem_shared>>
      tpu.enqueue_indirect_dma source(%arg12 : memref<80x64xf32, #tpu.memory_space<vmem>>) target(%dma_start3A_241 : memref<10000x64xf32, #tpu.memory_space<vmem_shared>>) offsets(%dma_start3A_238 : memref<80xi32, #tpu.memory_space<vmem>>) semaphore(%arg21 : memref<!tpu.dma_semaphore, #tpu.memory_space<semaphore_mem>>) {add = true}
      %sub3A_242 = arith.constant 4 : i32
      %sub3A_243 = arith.subi %add3A_225, %sub3A_242 : i32
      %ge3A_244 = arith.constant 0 : i32
      %ge3A_245 = arith.cmpi sge, %sub3A_243, %ge3A_244 : i32
      %convert_element_type3A_246 = arith.extui %ge3A_245 : i1 to i32
      %cond3A_247 = arith.constant 0 : i32
      %cond3A_248 = arith.cmpi ne, %convert_element_type3A_246, %cond3A_247 : i32
      scf.if %cond3A_248 {
        %dma_wait3A_384 = arith.constant 0 : i32
        %dma_wait3A_385 = tpu.memref_slice %arg8[%sub3A_243, %dma_wait3A_384] : memref<250x80xi32, #tpu.memory_space<vmem>> -> memref<1x80xi32, #tpu.memory_space<vmem>>
        %dma_wait3A_386 = tpu.memref_squeeze %dma_wait3A_385 : memref<1x80xi32, #tpu.memory_space<vmem>> -> memref<80xi32, #tpu.memory_space<vmem>>
        %dma_wait3A_387 = arith.constant 0 : i32
        %dma_wait3A_388 = arith.constant 0 : i32
        %dma_wait3A_389 = tpu.memref_slice %arg17[%dma_wait3A_387, %dma_wait3A_388] : memref<10000x64xf32, #tpu.memory_space<vmem_shared>> -> memref<10000x64xf32, #tpu.memory_space<vmem_shared>>
        tpu.wait_indirect_dma semaphore(%arg25 : memref<!tpu.dma_semaphore, #tpu.memory_space<semaphore_mem>>) src(%arg16 : memref<80x64xf32, #tpu.memory_space<vmem>>) dst(%dma_wait3A_389 : memref<10000x64xf32, #tpu.memory_space<vmem_shared>>)
      } else {
      }
      %add3A_249 = arith.constant 4 : i32
      %add3A_250 = arith.addi %add3A_225, %add3A_249 : i32
      %lt3A_251 = arith.constant 250 : i32
      %lt3A_252 = arith.cmpi slt, %add3A_250, %lt3A_251 : i32
      %convert_element_type3A_253 = arith.extui %lt3A_252 : i1 to i32
      %cond3A_254 = arith.constant 0 : i32
      %cond3A_255 = arith.cmpi ne, %convert_element_type3A_253, %cond3A_254 : i32
      scf.if %cond3A_255 {
        %add3A_384 = arith.constant 4 : i32
        %add3A_385 = arith.addi %add3A_225, %add3A_384 : i32
        %dma_start3A_386 = arith.constant 0 : i32
        %dma_start3A_387 = tpu.memref_slice %arg7[%add3A_385, %dma_start3A_386] : memref<250x80xi32, #tpu.memory_space<vmem>> -> memref<1x80xi32, #tpu.memory_space<vmem>>
        %dma_start3A_388 = tpu.memref_squeeze %dma_start3A_387 : memref<1x80xi32, #tpu.memory_space<vmem>> -> memref<80xi32, #tpu.memory_space<vmem>>
        %dma_start3A_389 = arith.constant 0 : i32
        %dma_start3A_390 = arith.constant 0 : i32
        %dma_start3A_391 = tpu.memref_slice %arg2[%arg0, %dma_start3A_389, %dma_start3A_390] : memref<2x10000x64xf32, #tpu.memory_space<hbm>> -> memref<1x10000x64xf32, #tpu.memory_space<hbm>>
        %dma_start3A_392 = tpu.memref_squeeze %dma_start3A_391 : memref<1x10000x64xf32, #tpu.memory_space<hbm>> -> memref<10000x64xf32, #tpu.memory_space<hbm>>
        %dma_start3A_393 = arith.constant 0 : i32
        %dma_start3A_394 = arith.constant 0 : i32
        %dma_start3A_395 = tpu.memref_slice %dma_start3A_392[%dma_start3A_393, %dma_start3A_394] : memref<10000x64xf32, #tpu.memory_space<hbm>> -> memref<10000x64xf32, #tpu.memory_space<hbm>>
        tpu.enqueue_indirect_dma source(%dma_start3A_395 : memref<10000x64xf32, #tpu.memory_space<hbm>>) target(%arg16 : memref<80x64xf32, #tpu.memory_space<vmem>>) offsets(%dma_start3A_388 : memref<80xi32, #tpu.memory_space<vmem>>) semaphore(%arg25 : memref<!tpu.dma_semaphore, #tpu.memory_space<semaphore_mem>>)
      } else {
      }
      %add3A_256 = arith.constant 4 : i32
      %add3A_257 = arith.addi %mul3A_133, %add3A_256 : i32
      %dma_wait3A_258 = arith.constant 0 : i32
      %dma_wait3A_259 = tpu.memref_slice %arg7[%add3A_257, %dma_wait3A_258] : memref<250x80xi32, #tpu.memory_space<vmem>> -> memref<1x80xi32, #tpu.memory_space<vmem>>
      %dma_wait3A_260 = tpu.memref_squeeze %dma_wait3A_259 : memref<1x80xi32, #tpu.memory_space<vmem>> -> memref<80xi32, #tpu.memory_space<vmem>>
      %dma_wait3A_261 = arith.constant 0 : i32
      %dma_wait3A_262 = arith.constant 0 : i32
      %dma_wait3A_263 = tpu.memref_slice %arg2[%arg0, %dma_wait3A_261, %dma_wait3A_262] : memref<2x10000x64xf32, #tpu.memory_space<hbm>> -> memref<1x10000x64xf32, #tpu.memory_space<hbm>>
      %dma_wait3A_264 = tpu.memref_squeeze %dma_wait3A_263 : memref<1x10000x64xf32, #tpu.memory_space<hbm>> -> memref<10000x64xf32, #tpu.memory_space<hbm>>
      %dma_wait3A_265 = arith.constant 0 : i32
      %dma_wait3A_266 = arith.constant 0 : i32
      %dma_wait3A_267 = tpu.memref_slice %dma_wait3A_264[%dma_wait3A_265, %dma_wait3A_266] : memref<10000x64xf32, #tpu.memory_space<hbm>> -> memref<10000x64xf32, #tpu.memory_space<hbm>>
      tpu.wait_indirect_dma semaphore(%arg22 : memref<!tpu.dma_semaphore, #tpu.memory_space<semaphore_mem>>) src(%dma_wait3A_267 : memref<10000x64xf32, #tpu.memory_space<hbm>>) dst(%arg13 : memref<80x64xf32, #tpu.memory_space<vmem>>)
      %dma_start3A_268 = arith.constant 0 : i32
      %dma_start3A_269 = tpu.memref_slice %arg8[%add3A_257, %dma_start3A_268] : memref<250x80xi32, #tpu.memory_space<vmem>> -> memref<1x80xi32, #tpu.memory_space<vmem>>
      %dma_start3A_270 = tpu.memref_squeeze %dma_start3A_269 : memref<1x80xi32, #tpu.memory_space<vmem>> -> memref<80xi32, #tpu.memory_space<vmem>>
      %dma_start3A_271 = arith.constant 0 : i32
      %dma_start3A_272 = arith.constant 0 : i32
      %dma_start3A_273 = tpu.memref_slice %arg17[%dma_start3A_271, %dma_start3A_272] : memref<10000x64xf32, #tpu.memory_space<vmem_shared>> -> memref<10000x64xf32, #tpu.memory_space<vmem_shared>>
      tpu.enqueue_indirect_dma source(%arg13 : memref<80x64xf32, #tpu.memory_space<vmem>>) target(%dma_start3A_273 : memref<10000x64xf32, #tpu.memory_space<vmem_shared>>) offsets(%dma_start3A_270 : memref<80xi32, #tpu.memory_space<vmem>>) semaphore(%arg22 : memref<!tpu.dma_semaphore, #tpu.memory_space<semaphore_mem>>) {add = true}
      %sub3A_274 = arith.constant 4 : i32
      %sub3A_275 = arith.subi %add3A_257, %sub3A_274 : i32
      %ge3A_276 = arith.constant 0 : i32
      %ge3A_277 = arith.cmpi sge, %sub3A_275, %ge3A_276 : i32
      %convert_element_type3A_278 = arith.extui %ge3A_277 : i1 to i32
      %cond3A_279 = arith.constant 0 : i32
      %cond3A_280 = arith.cmpi ne, %convert_element_type3A_278, %cond3A_279 : i32
      scf.if %cond3A_280 {
        %dma_wait3A_384 = arith.constant 0 : i32
        %dma_wait3A_385 = tpu.memref_slice %arg8[%sub3A_275, %dma_wait3A_384] : memref<250x80xi32, #tpu.memory_space<vmem>> -> memref<1x80xi32, #tpu.memory_space<vmem>>
        %dma_wait3A_386 = tpu.memref_squeeze %dma_wait3A_385 : memref<1x80xi32, #tpu.memory_space<vmem>> -> memref<80xi32, #tpu.memory_space<vmem>>
        %dma_wait3A_387 = arith.constant 0 : i32
        %dma_wait3A_388 = arith.constant 0 : i32
        %dma_wait3A_389 = tpu.memref_slice %arg17[%dma_wait3A_387, %dma_wait3A_388] : memref<10000x64xf32, #tpu.memory_space<vmem_shared>> -> memref<10000x64xf32, #tpu.memory_space<vmem_shared>>
        tpu.wait_indirect_dma semaphore(%arg18 : memref<!tpu.dma_semaphore, #tpu.memory_space<semaphore_mem>>) src(%arg9 : memref<80x64xf32, #tpu.memory_space<vmem>>) dst(%dma_wait3A_389 : memref<10000x64xf32, #tpu.memory_space<vmem_shared>>)
      } else {
      }
      %add3A_281 = arith.constant 4 : i32
      %add3A_282 = arith.addi %add3A_257, %add3A_281 : i32
      %lt3A_283 = arith.constant 250 : i32
      %lt3A_284 = arith.cmpi slt, %add3A_282, %lt3A_283 : i32
      %convert_element_type3A_285 = arith.extui %lt3A_284 : i1 to i32
      %cond3A_286 = arith.constant 0 : i32
      %cond3A_287 = arith.cmpi ne, %convert_element_type3A_285, %cond3A_286 : i32
      scf.if %cond3A_287 {
        %add3A_384 = arith.constant 4 : i32
        %add3A_385 = arith.addi %add3A_257, %add3A_384 : i32
        %dma_start3A_386 = arith.constant 0 : i32
        %dma_start3A_387 = tpu.memref_slice %arg7[%add3A_385, %dma_start3A_386] : memref<250x80xi32, #tpu.memory_space<vmem>> -> memref<1x80xi32, #tpu.memory_space<vmem>>
        %dma_start3A_388 = tpu.memref_squeeze %dma_start3A_387 : memref<1x80xi32, #tpu.memory_space<vmem>> -> memref<80xi32, #tpu.memory_space<vmem>>
        %dma_start3A_389 = arith.constant 0 : i32
        %dma_start3A_390 = arith.constant 0 : i32
        %dma_start3A_391 = tpu.memref_slice %arg2[%arg0, %dma_start3A_389, %dma_start3A_390] : memref<2x10000x64xf32, #tpu.memory_space<hbm>> -> memref<1x10000x64xf32, #tpu.memory_space<hbm>>
        %dma_start3A_392 = tpu.memref_squeeze %dma_start3A_391 : memref<1x10000x64xf32, #tpu.memory_space<hbm>> -> memref<10000x64xf32, #tpu.memory_space<hbm>>
        %dma_start3A_393 = arith.constant 0 : i32
        %dma_start3A_394 = arith.constant 0 : i32
        %dma_start3A_395 = tpu.memref_slice %dma_start3A_392[%dma_start3A_393, %dma_start3A_394] : memref<10000x64xf32, #tpu.memory_space<hbm>> -> memref<10000x64xf32, #tpu.memory_space<hbm>>
        tpu.enqueue_indirect_dma source(%dma_start3A_395 : memref<10000x64xf32, #tpu.memory_space<hbm>>) target(%arg9 : memref<80x64xf32, #tpu.memory_space<vmem>>) offsets(%dma_start3A_388 : memref<80xi32, #tpu.memory_space<vmem>>) semaphore(%arg18 : memref<!tpu.dma_semaphore, #tpu.memory_space<semaphore_mem>>)
      } else {
      }
      %add3A_288 = arith.constant 5 : i32
      %add3A_289 = arith.addi %mul3A_133, %add3A_288 : i32
      %dma_wait3A_290 = arith.constant 0 : i32
      %dma_wait3A_291 = tpu.memref_slice %arg7[%add3A_289, %dma_wait3A_290] : memref<250x80xi32, #tpu.memory_space<vmem>> -> memref<1x80xi32, #tpu.memory_space<vmem>>
      %dma_wait3A_292 = tpu.memref_squeeze %dma_wait3A_291 : memref<1x80xi32, #tpu.memory_space<vmem>> -> memref<80xi32, #tpu.memory_space<vmem>>
      %dma_wait3A_293 = arith.constant 0 : i32
      %dma_wait3A_294 = arith.constant 0 : i32
      %dma_wait3A_295 = tpu.memref_slice %arg2[%arg0, %dma_wait3A_293, %dma_wait3A_294] : memref<2x10000x64xf32, #tpu.memory_space<hbm>> -> memref<1x10000x64xf32, #tpu.memory_space<hbm>>
      %dma_wait3A_296 = tpu.memref_squeeze %dma_wait3A_295 : memref<1x10000x64xf32, #tpu.memory_space<hbm>> -> memref<10000x64xf32, #tpu.memory_space<hbm>>
      %dma_wait3A_297 = arith.constant 0 : i32
      %dma_wait3A_298 = arith.constant 0 : i32
      %dma_wait3A_299 = tpu.memref_slice %dma_wait3A_296[%dma_wait3A_297, %dma_wait3A_298] : memref<10000x64xf32, #tpu.memory_space<hbm>> -> memref<10000x64xf32, #tpu.memory_space<hbm>>
      tpu.wait_indirect_dma semaphore(%arg23 : memref<!tpu.dma_semaphore, #tpu.memory_space<semaphore_mem>>) src(%dma_wait3A_299 : memref<10000x64xf32, #tpu.memory_space<hbm>>) dst(%arg14 : memref<80x64xf32, #tpu.memory_space<vmem>>)
      %dma_start3A_300 = arith.constant 0 : i32
      %dma_start3A_301 = tpu.memref_slice %arg8[%add3A_289, %dma_start3A_300] : memref<250x80xi32, #tpu.memory_space<vmem>> -> memref<1x80xi32, #tpu.memory_space<vmem>>
      %dma_start3A_302 = tpu.memref_squeeze %dma_start3A_301 : memref<1x80xi32, #tpu.memory_space<vmem>> -> memref<80xi32, #tpu.memory_space<vmem>>
      %dma_start3A_303 = arith.constant 0 : i32
      %dma_start3A_304 = arith.constant 0 : i32
      %dma_start3A_305 = tpu.memref_slice %arg17[%dma_start3A_303, %dma_start3A_304] : memref<10000x64xf32, #tpu.memory_space<vmem_shared>> -> memref<10000x64xf32, #tpu.memory_space<vmem_shared>>
      tpu.enqueue_indirect_dma source(%arg14 : memref<80x64xf32, #tpu.memory_space<vmem>>) target(%dma_start3A_305 : memref<10000x64xf32, #tpu.memory_space<vmem_shared>>) offsets(%dma_start3A_302 : memref<80xi32, #tpu.memory_space<vmem>>) semaphore(%arg23 : memref<!tpu.dma_semaphore, #tpu.memory_space<semaphore_mem>>) {add = true}
      %sub3A_306 = arith.constant 4 : i32
      %sub3A_307 = arith.subi %add3A_289, %sub3A_306 : i32
      %ge3A_308 = arith.constant 0 : i32
      %ge3A_309 = arith.cmpi sge, %sub3A_307, %ge3A_308 : i32
      %convert_element_type3A_310 = arith.extui %ge3A_309 : i1 to i32
      %cond3A_311 = arith.constant 0 : i32
      %cond3A_312 = arith.cmpi ne, %convert_element_type3A_310, %cond3A_311 : i32
      scf.if %cond3A_312 {
        %dma_wait3A_384 = arith.constant 0 : i32
        %dma_wait3A_385 = tpu.memref_slice %arg8[%sub3A_307, %dma_wait3A_384] : memref<250x80xi32, #tpu.memory_space<vmem>> -> memref<1x80xi32, #tpu.memory_space<vmem>>
        %dma_wait3A_386 = tpu.memref_squeeze %dma_wait3A_385 : memref<1x80xi32, #tpu.memory_space<vmem>> -> memref<80xi32, #tpu.memory_space<vmem>>
        %dma_wait3A_387 = arith.constant 0 : i32
        %dma_wait3A_388 = arith.constant 0 : i32
        %dma_wait3A_389 = tpu.memref_slice %arg17[%dma_wait3A_387, %dma_wait3A_388] : memref<10000x64xf32, #tpu.memory_space<vmem_shared>> -> memref<10000x64xf32, #tpu.memory_space<vmem_shared>>
        tpu.wait_indirect_dma semaphore(%arg19 : memref<!tpu.dma_semaphore, #tpu.memory_space<semaphore_mem>>) src(%arg10 : memref<80x64xf32, #tpu.memory_space<vmem>>) dst(%dma_wait3A_389 : memref<10000x64xf32, #tpu.memory_space<vmem_shared>>)
      } else {
      }
      %add3A_313 = arith.constant 4 : i32
      %add3A_314 = arith.addi %add3A_289, %add3A_313 : i32
      %lt3A_315 = arith.constant 250 : i32
      %lt3A_316 = arith.cmpi slt, %add3A_314, %lt3A_315 : i32
      %convert_element_type3A_317 = arith.extui %lt3A_316 : i1 to i32
      %cond3A_318 = arith.constant 0 : i32
      %cond3A_319 = arith.cmpi ne, %convert_element_type3A_317, %cond3A_318 : i32
      scf.if %cond3A_319 {
        %add3A_384 = arith.constant 4 : i32
        %add3A_385 = arith.addi %add3A_289, %add3A_384 : i32
        %dma_start3A_386 = arith.constant 0 : i32
        %dma_start3A_387 = tpu.memref_slice %arg7[%add3A_385, %dma_start3A_386] : memref<250x80xi32, #tpu.memory_space<vmem>> -> memref<1x80xi32, #tpu.memory_space<vmem>>
        %dma_start3A_388 = tpu.memref_squeeze %dma_start3A_387 : memref<1x80xi32, #tpu.memory_space<vmem>> -> memref<80xi32, #tpu.memory_space<vmem>>
        %dma_start3A_389 = arith.constant 0 : i32
        %dma_start3A_390 = arith.constant 0 : i32
        %dma_start3A_391 = tpu.memref_slice %arg2[%arg0, %dma_start3A_389, %dma_start3A_390] : memref<2x10000x64xf32, #tpu.memory_space<hbm>> -> memref<1x10000x64xf32, #tpu.memory_space<hbm>>
        %dma_start3A_392 = tpu.memref_squeeze %dma_start3A_391 : memref<1x10000x64xf32, #tpu.memory_space<hbm>> -> memref<10000x64xf32, #tpu.memory_space<hbm>>
        %dma_start3A_393 = arith.constant 0 : i32
        %dma_start3A_394 = arith.constant 0 : i32
        %dma_start3A_395 = tpu.memref_slice %dma_start3A_392[%dma_start3A_393, %dma_start3A_394] : memref<10000x64xf32, #tpu.memory_space<hbm>> -> memref<10000x64xf32, #tpu.memory_space<hbm>>
        tpu.enqueue_indirect_dma source(%dma_start3A_395 : memref<10000x64xf32, #tpu.memory_space<hbm>>) target(%arg10 : memref<80x64xf32, #tpu.memory_space<vmem>>) offsets(%dma_start3A_388 : memref<80xi32, #tpu.memory_space<vmem>>) semaphore(%arg19 : memref<!tpu.dma_semaphore, #tpu.memory_space<semaphore_mem>>)
      } else {
      }
      %add3A_320 = arith.constant 6 : i32
      %add3A_321 = arith.addi %mul3A_133, %add3A_320 : i32
      %dma_wait3A_322 = arith.constant 0 : i32
      %dma_wait3A_323 = tpu.memref_slice %arg7[%add3A_321, %dma_wait3A_322] : memref<250x80xi32, #tpu.memory_space<vmem>> -> memref<1x80xi32, #tpu.memory_space<vmem>>
      %dma_wait3A_324 = tpu.memref_squeeze %dma_wait3A_323 : memref<1x80xi32, #tpu.memory_space<vmem>> -> memref<80xi32, #tpu.memory_space<vmem>>
      %dma_wait3A_325 = arith.constant 0 : i32
      %dma_wait3A_326 = arith.constant 0 : i32
      %dma_wait3A_327 = tpu.memref_slice %arg2[%arg0, %dma_wait3A_325, %dma_wait3A_326] : memref<2x10000x64xf32, #tpu.memory_space<hbm>> -> memref<1x10000x64xf32, #tpu.memory_space<hbm>>
      %dma_wait3A_328 = tpu.memref_squeeze %dma_wait3A_327 : memref<1x10000x64xf32, #tpu.memory_space<hbm>> -> memref<10000x64xf32, #tpu.memory_space<hbm>>
      %dma_wait3A_329 = arith.constant 0 : i32
      %dma_wait3A_330 = arith.constant 0 : i32
      %dma_wait3A_331 = tpu.memref_slice %dma_wait3A_328[%dma_wait3A_329, %dma_wait3A_330] : memref<10000x64xf32, #tpu.memory_space<hbm>> -> memref<10000x64xf32, #tpu.memory_space<hbm>>
      tpu.wait_indirect_dma semaphore(%arg24 : memref<!tpu.dma_semaphore, #tpu.memory_space<semaphore_mem>>) src(%dma_wait3A_331 : memref<10000x64xf32, #tpu.memory_space<hbm>>) dst(%arg15 : memref<80x64xf32, #tpu.memory_space<vmem>>)
      %dma_start3A_332 = arith.constant 0 : i32
      %dma_start3A_333 = tpu.memref_slice %arg8[%add3A_321, %dma_start3A_332] : memref<250x80xi32, #tpu.memory_space<vmem>> -> memref<1x80xi32, #tpu.memory_space<vmem>>
      %dma_start3A_334 = tpu.memref_squeeze %dma_start3A_333 : memref<1x80xi32, #tpu.memory_space<vmem>> -> memref<80xi32, #tpu.memory_space<vmem>>
      %dma_start3A_335 = arith.constant 0 : i32
      %dma_start3A_336 = arith.constant 0 : i32
      %dma_start3A_337 = tpu.memref_slice %arg17[%dma_start3A_335, %dma_start3A_336] : memref<10000x64xf32, #tpu.memory_space<vmem_shared>> -> memref<10000x64xf32, #tpu.memory_space<vmem_shared>>
      tpu.enqueue_indirect_dma source(%arg15 : memref<80x64xf32, #tpu.memory_space<vmem>>) target(%dma_start3A_337 : memref<10000x64xf32, #tpu.memory_space<vmem_shared>>) offsets(%dma_start3A_334 : memref<80xi32, #tpu.memory_space<vmem>>) semaphore(%arg24 : memref<!tpu.dma_semaphore, #tpu.memory_space<semaphore_mem>>) {add = true}
      %sub3A_338 = arith.constant 4 : i32
      %sub3A_339 = arith.subi %add3A_321, %sub3A_338 : i32
      %ge3A_340 = arith.constant 0 : i32
      %ge3A_341 = arith.cmpi sge, %sub3A_339, %ge3A_340 : i32
      %convert_element_type3A_342 = arith.extui %ge3A_341 : i1 to i32
      %cond3A_343 = arith.constant 0 : i32
      %cond3A_344 = arith.cmpi ne, %convert_element_type3A_342, %cond3A_343 : i32
      scf.if %cond3A_344 {
        %dma_wait3A_384 = arith.constant 0 : i32
        %dma_wait3A_385 = tpu.memref_slice %arg8[%sub3A_339, %dma_wait3A_384] : memref<250x80xi32, #tpu.memory_space<vmem>> -> memref<1x80xi32, #tpu.memory_space<vmem>>
        %dma_wait3A_386 = tpu.memref_squeeze %dma_wait3A_385 : memref<1x80xi32, #tpu.memory_space<vmem>> -> memref<80xi32, #tpu.memory_space<vmem>>
        %dma_wait3A_387 = arith.constant 0 : i32
        %dma_wait3A_388 = arith.constant 0 : i32
        %dma_wait3A_389 = tpu.memref_slice %arg17[%dma_wait3A_387, %dma_wait3A_388] : memref<10000x64xf32, #tpu.memory_space<vmem_shared>> -> memref<10000x64xf32, #tpu.memory_space<vmem_shared>>
        tpu.wait_indirect_dma semaphore(%arg20 : memref<!tpu.dma_semaphore, #tpu.memory_space<semaphore_mem>>) src(%arg11 : memref<80x64xf32, #tpu.memory_space<vmem>>) dst(%dma_wait3A_389 : memref<10000x64xf32, #tpu.memory_space<vmem_shared>>)
      } else {
      }
      %add3A_345 = arith.constant 4 : i32
      %add3A_346 = arith.addi %add3A_321, %add3A_345 : i32
      %lt3A_347 = arith.constant 250 : i32
      %lt3A_348 = arith.cmpi slt, %add3A_346, %lt3A_347 : i32
      %convert_element_type3A_349 = arith.extui %lt3A_348 : i1 to i32
      %cond3A_350 = arith.constant 0 : i32
      %cond3A_351 = arith.cmpi ne, %convert_element_type3A_349, %cond3A_350 : i32
      scf.if %cond3A_351 {
        %add3A_384 = arith.constant 4 : i32
        %add3A_385 = arith.addi %add3A_321, %add3A_384 : i32
        %dma_start3A_386 = arith.constant 0 : i32
        %dma_start3A_387 = tpu.memref_slice %arg7[%add3A_385, %dma_start3A_386] : memref<250x80xi32, #tpu.memory_space<vmem>> -> memref<1x80xi32, #tpu.memory_space<vmem>>
        %dma_start3A_388 = tpu.memref_squeeze %dma_start3A_387 : memref<1x80xi32, #tpu.memory_space<vmem>> -> memref<80xi32, #tpu.memory_space<vmem>>
        %dma_start3A_389 = arith.constant 0 : i32
        %dma_start3A_390 = arith.constant 0 : i32
        %dma_start3A_391 = tpu.memref_slice %arg2[%arg0, %dma_start3A_389, %dma_start3A_390] : memref<2x10000x64xf32, #tpu.memory_space<hbm>> -> memref<1x10000x64xf32, #tpu.memory_space<hbm>>
        %dma_start3A_392 = tpu.memref_squeeze %dma_start3A_391 : memref<1x10000x64xf32, #tpu.memory_space<hbm>> -> memref<10000x64xf32, #tpu.memory_space<hbm>>
        %dma_start3A_393 = arith.constant 0 : i32
        %dma_start3A_394 = arith.constant 0 : i32
        %dma_start3A_395 = tpu.memref_slice %dma_start3A_392[%dma_start3A_393, %dma_start3A_394] : memref<10000x64xf32, #tpu.memory_space<hbm>> -> memref<10000x64xf32, #tpu.memory_space<hbm>>
        tpu.enqueue_indirect_dma source(%dma_start3A_395 : memref<10000x64xf32, #tpu.memory_space<hbm>>) target(%arg11 : memref<80x64xf32, #tpu.memory_space<vmem>>) offsets(%dma_start3A_388 : memref<80xi32, #tpu.memory_space<vmem>>) semaphore(%arg20 : memref<!tpu.dma_semaphore, #tpu.memory_space<semaphore_mem>>)
      } else {
      }
      %add3A_352 = arith.constant 7 : i32
      %add3A_353 = arith.addi %mul3A_133, %add3A_352 : i32
      %dma_wait3A_354 = arith.constant 0 : i32
      %dma_wait3A_355 = tpu.memref_slice %arg7[%add3A_353, %dma_wait3A_354] : memref<250x80xi32, #tpu.memory_space<vmem>> -> memref<1x80xi32, #tpu.memory_space<vmem>>
      %dma_wait3A_356 = tpu.memref_squeeze %dma_wait3A_355 : memref<1x80xi32, #tpu.memory_space<vmem>> -> memref<80xi32, #tpu.memory_space<vmem>>
      %dma_wait3A_357 = arith.constant 0 : i32
      %dma_wait3A_358 = arith.constant 0 : i32
      %dma_wait3A_359 = tpu.memref_slice %arg2[%arg0, %dma_wait3A_357, %dma_wait3A_358] : memref<2x10000x64xf32, #tpu.memory_space<hbm>> -> memref<1x10000x64xf32, #tpu.memory_space<hbm>>
      %dma_wait3A_360 = tpu.memref_squeeze %dma_wait3A_359 : memref<1x10000x64xf32, #tpu.memory_space<hbm>> -> memref<10000x64xf32, #tpu.memory_space<hbm>>
      %dma_wait3A_361 = arith.constant 0 : i32
      %dma_wait3A_362 = arith.constant 0 : i32
      %dma_wait3A_363 = tpu.memref_slice %dma_wait3A_360[%dma_wait3A_361, %dma_wait3A_362] : memref<10000x64xf32, #tpu.memory_space<hbm>> -> memref<10000x64xf32, #tpu.memory_space<hbm>>
      tpu.wait_indirect_dma semaphore(%arg25 : memref<!tpu.dma_semaphore, #tpu.memory_space<semaphore_mem>>) src(%dma_wait3A_363 : memref<10000x64xf32, #tpu.memory_space<hbm>>) dst(%arg16 : memref<80x64xf32, #tpu.memory_space<vmem>>)
      %dma_start3A_364 = arith.constant 0 : i32
      %dma_start3A_365 = tpu.memref_slice %arg8[%add3A_353, %dma_start3A_364] : memref<250x80xi32, #tpu.memory_space<vmem>> -> memref<1x80xi32, #tpu.memory_space<vmem>>
      %dma_start3A_366 = tpu.memref_squeeze %dma_start3A_365 : memref<1x80xi32, #tpu.memory_space<vmem>> -> memref<80xi32, #tpu.memory_space<vmem>>
      %dma_start3A_367 = arith.constant 0 : i32
      %dma_start3A_368 = arith.constant 0 : i32
      %dma_start3A_369 = tpu.memref_slice %arg17[%dma_start3A_367, %dma_start3A_368] : memref<10000x64xf32, #tpu.memory_space<vmem_shared>> -> memref<10000x64xf32, #tpu.memory_space<vmem_shared>>
      tpu.enqueue_indirect_dma source(%arg16 : memref<80x64xf32, #tpu.memory_space<vmem>>) target(%dma_start3A_369 : memref<10000x64xf32, #tpu.memory_space<vmem_shared>>) offsets(%dma_start3A_366 : memref<80xi32, #tpu.memory_space<vmem>>) semaphore(%arg25 : memref<!tpu.dma_semaphore, #tpu.memory_space<semaphore_mem>>) {add = true}
      %sub3A_370 = arith.constant 4 : i32
      %sub3A_371 = arith.subi %add3A_353, %sub3A_370 : i32
      %ge3A_372 = arith.constant 0 : i32
      %ge3A_373 = arith.cmpi sge, %sub3A_371, %ge3A_372 : i32
      %convert_element_type3A_374 = arith.extui %ge3A_373 : i1 to i32
      %cond3A_375 = arith.constant 0 : i32
      %cond3A_376 = arith.cmpi ne, %convert_element_type3A_374, %cond3A_375 : i32
      scf.if %cond3A_376 {
        %dma_wait3A_384 = arith.constant 0 : i32
        %dma_wait3A_385 = tpu.memref_slice %arg8[%sub3A_371, %dma_wait3A_384] : memref<250x80xi32, #tpu.memory_space<vmem>> -> memref<1x80xi32, #tpu.memory_space<vmem>>
        %dma_wait3A_386 = tpu.memref_squeeze %dma_wait3A_385 : memref<1x80xi32, #tpu.memory_space<vmem>> -> memref<80xi32, #tpu.memory_space<vmem>>
        %dma_wait3A_387 = arith.constant 0 : i32
        %dma_wait3A_388 = arith.constant 0 : i32
        %dma_wait3A_389 = tpu.memref_slice %arg17[%dma_wait3A_387, %dma_wait3A_388] : memref<10000x64xf32, #tpu.memory_space<vmem_shared>> -> memref<10000x64xf32, #tpu.memory_space<vmem_shared>>
        tpu.wait_indirect_dma semaphore(%arg21 : memref<!tpu.dma_semaphore, #tpu.memory_space<semaphore_mem>>) src(%arg12 : memref<80x64xf32, #tpu.memory_space<vmem>>) dst(%dma_wait3A_389 : memref<10000x64xf32, #tpu.memory_space<vmem_shared>>)
      } else {
      }
      %add3A_377 = arith.constant 4 : i32
      %add3A_378 = arith.addi %add3A_353, %add3A_377 : i32
      %lt3A_379 = arith.constant 250 : i32
      %lt3A_380 = arith.cmpi slt, %add3A_378, %lt3A_379 : i32
      %convert_element_type3A_381 = arith.extui %lt3A_380 : i1 to i32
      %cond3A_382 = arith.constant 0 : i32
      %cond3A_383 = arith.cmpi ne, %convert_element_type3A_381, %cond3A_382 : i32
      scf.if %cond3A_383 {
        %add3A_384 = arith.constant 4 : i32
        %add3A_385 = arith.addi %add3A_353, %add3A_384 : i32
        %dma_start3A_386 = arith.constant 0 : i32
        %dma_start3A_387 = tpu.memref_slice %arg7[%add3A_385, %dma_start3A_386] : memref<250x80xi32, #tpu.memory_space<vmem>> -> memref<1x80xi32, #tpu.memory_space<vmem>>
        %dma_start3A_388 = tpu.memref_squeeze %dma_start3A_387 : memref<1x80xi32, #tpu.memory_space<vmem>> -> memref<80xi32, #tpu.memory_space<vmem>>
        %dma_start3A_389 = arith.constant 0 : i32
        %dma_start3A_390 = arith.constant 0 : i32
        %dma_start3A_391 = tpu.memref_slice %arg2[%arg0, %dma_start3A_389, %dma_start3A_390] : memref<2x10000x64xf32, #tpu.memory_space<hbm>> -> memref<1x10000x64xf32, #tpu.memory_space<hbm>>
        %dma_start3A_392 = tpu.memref_squeeze %dma_start3A_391 : memref<1x10000x64xf32, #tpu.memory_space<hbm>> -> memref<10000x64xf32, #tpu.memory_space<hbm>>
        %dma_start3A_393 = arith.constant 0 : i32
        %dma_start3A_394 = arith.constant 0 : i32
        %dma_start3A_395 = tpu.memref_slice %dma_start3A_392[%dma_start3A_393, %dma_start3A_394] : memref<10000x64xf32, #tpu.memory_space<hbm>> -> memref<10000x64xf32, #tpu.memory_space<hbm>>
        tpu.enqueue_indirect_dma source(%dma_start3A_395 : memref<10000x64xf32, #tpu.memory_space<hbm>>) target(%arg12 : memref<80x64xf32, #tpu.memory_space<vmem>>) offsets(%dma_start3A_388 : memref<80xi32, #tpu.memory_space<vmem>>) semaphore(%arg21 : memref<!tpu.dma_semaphore, #tpu.memory_space<semaphore_mem>>)
      } else {
      }
    }
    %scan3A_48 = arith.constant 31 : i32
    %dma_wait3A = arith.constant 248 : i32
    %dma_wait3A_49 = arith.constant 0 : i32
    %dma_wait3A_50 = tpu.memref_slice %arg7[%dma_wait3A, %dma_wait3A_49] : memref<250x80xi32, #tpu.memory_space<vmem>> -> memref<1x80xi32, #tpu.memory_space<vmem>>
    %dma_wait3A_51 = tpu.memref_squeeze %dma_wait3A_50 : memref<1x80xi32, #tpu.memory_space<vmem>> -> memref<80xi32, #tpu.memory_space<vmem>>
    %dma_wait3A_52 = arith.constant 0 : i32
    %dma_wait3A_53 = arith.constant 0 : i32
    %dma_wait3A_54 = tpu.memref_slice %arg2[%arg0, %dma_wait3A_52, %dma_wait3A_53] : memref<2x10000x64xf32, #tpu.memory_space<hbm>> -> memref<1x10000x64xf32, #tpu.memory_space<hbm>>
    %dma_wait3A_55 = tpu.memref_squeeze %dma_wait3A_54 : memref<1x10000x64xf32, #tpu.memory_space<hbm>> -> memref<10000x64xf32, #tpu.memory_space<hbm>>
    %dma_wait3A_56 = arith.constant 0 : i32
    %dma_wait3A_57 = arith.constant 0 : i32
    %dma_wait3A_58 = tpu.memref_slice %dma_wait3A_55[%dma_wait3A_56, %dma_wait3A_57] : memref<10000x64xf32, #tpu.memory_space<hbm>> -> memref<10000x64xf32, #tpu.memory_space<hbm>>
    tpu.wait_indirect_dma semaphore(%arg18 : memref<!tpu.dma_semaphore, #tpu.memory_space<semaphore_mem>>) src(%dma_wait3A_58 : memref<10000x64xf32, #tpu.memory_space<hbm>>) dst(%arg9 : memref<80x64xf32, #tpu.memory_space<vmem>>)
    %dma_start3A_59 = arith.constant 248 : i32
    %dma_start3A_60 = arith.constant 0 : i32
    %dma_start3A_61 = tpu.memref_slice %arg8[%dma_start3A_59, %dma_start3A_60] : memref<250x80xi32, #tpu.memory_space<vmem>> -> memref<1x80xi32, #tpu.memory_space<vmem>>
    %dma_start3A_62 = tpu.memref_squeeze %dma_start3A_61 : memref<1x80xi32, #tpu.memory_space<vmem>> -> memref<80xi32, #tpu.memory_space<vmem>>
    %dma_start3A_63 = arith.constant 0 : i32
    %dma_start3A_64 = arith.constant 0 : i32
    %dma_start3A_65 = tpu.memref_slice %arg17[%dma_start3A_63, %dma_start3A_64] : memref<10000x64xf32, #tpu.memory_space<vmem_shared>> -> memref<10000x64xf32, #tpu.memory_space<vmem_shared>>
    tpu.enqueue_indirect_dma source(%arg9 : memref<80x64xf32, #tpu.memory_space<vmem>>) target(%dma_start3A_65 : memref<10000x64xf32, #tpu.memory_space<vmem_shared>>) offsets(%dma_start3A_62 : memref<80xi32, #tpu.memory_space<vmem>>) semaphore(%arg18 : memref<!tpu.dma_semaphore, #tpu.memory_space<semaphore_mem>>) {add = true}
    %dma_wait3A_66 = arith.constant 249 : i32
    %dma_wait3A_67 = arith.constant 0 : i32
    %dma_wait3A_68 = tpu.memref_slice %arg7[%dma_wait3A_66, %dma_wait3A_67] : memref<250x80xi32, #tpu.memory_space<vmem>> -> memref<1x80xi32, #tpu.memory_space<vmem>>
    %dma_wait3A_69 = tpu.memref_squeeze %dma_wait3A_68 : memref<1x80xi32, #tpu.memory_space<vmem>> -> memref<80xi32, #tpu.memory_space<vmem>>
    %dma_wait3A_70 = arith.constant 0 : i32
    %dma_wait3A_71 = arith.constant 0 : i32
    %dma_wait3A_72 = tpu.memref_slice %arg2[%arg0, %dma_wait3A_70, %dma_wait3A_71] : memref<2x10000x64xf32, #tpu.memory_space<hbm>> -> memref<1x10000x64xf32, #tpu.memory_space<hbm>>
    %dma_wait3A_73 = tpu.memref_squeeze %dma_wait3A_72 : memref<1x10000x64xf32, #tpu.memory_space<hbm>> -> memref<10000x64xf32, #tpu.memory_space<hbm>>
    %dma_wait3A_74 = arith.constant 0 : i32
    %dma_wait3A_75 = arith.constant 0 : i32
    %dma_wait3A_76 = tpu.memref_slice %dma_wait3A_73[%dma_wait3A_74, %dma_wait3A_75] : memref<10000x64xf32, #tpu.memory_space<hbm>> -> memref<10000x64xf32, #tpu.memory_space<hbm>>
    tpu.wait_indirect_dma semaphore(%arg19 : memref<!tpu.dma_semaphore, #tpu.memory_space<semaphore_mem>>) src(%dma_wait3A_76 : memref<10000x64xf32, #tpu.memory_space<hbm>>) dst(%arg10 : memref<80x64xf32, #tpu.memory_space<vmem>>)
    %dma_start3A_77 = arith.constant 249 : i32
    %dma_start3A_78 = arith.constant 0 : i32
    %dma_start3A_79 = tpu.memref_slice %arg8[%dma_start3A_77, %dma_start3A_78] : memref<250x80xi32, #tpu.memory_space<vmem>> -> memref<1x80xi32, #tpu.memory_space<vmem>>
    %dma_start3A_80 = tpu.memref_squeeze %dma_start3A_79 : memref<1x80xi32, #tpu.memory_space<vmem>> -> memref<80xi32, #tpu.memory_space<vmem>>
    %dma_start3A_81 = arith.constant 0 : i32
    %dma_start3A_82 = arith.constant 0 : i32
    %dma_start3A_83 = tpu.memref_slice %arg17[%dma_start3A_81, %dma_start3A_82] : memref<10000x64xf32, #tpu.memory_space<vmem_shared>> -> memref<10000x64xf32, #tpu.memory_space<vmem_shared>>
    tpu.enqueue_indirect_dma source(%arg10 : memref<80x64xf32, #tpu.memory_space<vmem>>) target(%dma_start3A_83 : memref<10000x64xf32, #tpu.memory_space<vmem_shared>>) offsets(%dma_start3A_80 : memref<80xi32, #tpu.memory_space<vmem>>) semaphore(%arg19 : memref<!tpu.dma_semaphore, #tpu.memory_space<semaphore_mem>>) {add = true}
    %dma_wait3A_84 = arith.constant 244 : i32
    %dma_wait3A_85 = arith.constant 0 : i32
    %dma_wait3A_86 = tpu.memref_slice %arg8[%dma_wait3A_84, %dma_wait3A_85] : memref<250x80xi32, #tpu.memory_space<vmem>> -> memref<1x80xi32, #tpu.memory_space<vmem>>
    %dma_wait3A_87 = tpu.memref_squeeze %dma_wait3A_86 : memref<1x80xi32, #tpu.memory_space<vmem>> -> memref<80xi32, #tpu.memory_space<vmem>>
    %dma_wait3A_88 = arith.constant 0 : i32
    %dma_wait3A_89 = arith.constant 0 : i32
    %dma_wait3A_90 = tpu.memref_slice %arg17[%dma_wait3A_88, %dma_wait3A_89] : memref<10000x64xf32, #tpu.memory_space<vmem_shared>> -> memref<10000x64xf32, #tpu.memory_space<vmem_shared>>
    tpu.wait_indirect_dma semaphore(%arg22 : memref<!tpu.dma_semaphore, #tpu.memory_space<semaphore_mem>>) src(%arg13 : memref<80x64xf32, #tpu.memory_space<vmem>>) dst(%dma_wait3A_90 : memref<10000x64xf32, #tpu.memory_space<vmem_shared>>)
    %dma_wait3A_91 = arith.constant 245 : i32
    %dma_wait3A_92 = arith.constant 0 : i32
    %dma_wait3A_93 = tpu.memref_slice %arg8[%dma_wait3A_91, %dma_wait3A_92] : memref<250x80xi32, #tpu.memory_space<vmem>> -> memref<1x80xi32, #tpu.memory_space<vmem>>
    %dma_wait3A_94 = tpu.memref_squeeze %dma_wait3A_93 : memref<1x80xi32, #tpu.memory_space<vmem>> -> memref<80xi32, #tpu.memory_space<vmem>>
    %dma_wait3A_95 = arith.constant 0 : i32
    %dma_wait3A_96 = arith.constant 0 : i32
    %dma_wait3A_97 = tpu.memref_slice %arg17[%dma_wait3A_95, %dma_wait3A_96] : memref<10000x64xf32, #tpu.memory_space<vmem_shared>> -> memref<10000x64xf32, #tpu.memory_space<vmem_shared>>
    tpu.wait_indirect_dma semaphore(%arg23 : memref<!tpu.dma_semaphore, #tpu.memory_space<semaphore_mem>>) src(%arg14 : memref<80x64xf32, #tpu.memory_space<vmem>>) dst(%dma_wait3A_97 : memref<10000x64xf32, #tpu.memory_space<vmem_shared>>)
    %dma_wait3A_98 = arith.constant 246 : i32
    %dma_wait3A_99 = arith.constant 0 : i32
    %dma_wait3A_100 = tpu.memref_slice %arg8[%dma_wait3A_98, %dma_wait3A_99] : memref<250x80xi32, #tpu.memory_space<vmem>> -> memref<1x80xi32, #tpu.memory_space<vmem>>
    %dma_wait3A_101 = tpu.memref_squeeze %dma_wait3A_100 : memref<1x80xi32, #tpu.memory_space<vmem>> -> memref<80xi32, #tpu.memory_space<vmem>>
    %dma_wait3A_102 = arith.constant 0 : i32
    %dma_wait3A_103 = arith.constant 0 : i32
    %dma_wait3A_104 = tpu.memref_slice %arg17[%dma_wait3A_102, %dma_wait3A_103] : memref<10000x64xf32, #tpu.memory_space<vmem_shared>> -> memref<10000x64xf32, #tpu.memory_space<vmem_shared>>
    tpu.wait_indirect_dma semaphore(%arg24 : memref<!tpu.dma_semaphore, #tpu.memory_space<semaphore_mem>>) src(%arg15 : memref<80x64xf32, #tpu.memory_space<vmem>>) dst(%dma_wait3A_104 : memref<10000x64xf32, #tpu.memory_space<vmem_shared>>)
    %dma_wait3A_105 = arith.constant 247 : i32
    %dma_wait3A_106 = arith.constant 0 : i32
    %dma_wait3A_107 = tpu.memref_slice %arg8[%dma_wait3A_105, %dma_wait3A_106] : memref<250x80xi32, #tpu.memory_space<vmem>> -> memref<1x80xi32, #tpu.memory_space<vmem>>
    %dma_wait3A_108 = tpu.memref_squeeze %dma_wait3A_107 : memref<1x80xi32, #tpu.memory_space<vmem>> -> memref<80xi32, #tpu.memory_space<vmem>>
    %dma_wait3A_109 = arith.constant 0 : i32
    %dma_wait3A_110 = arith.constant 0 : i32
    %dma_wait3A_111 = tpu.memref_slice %arg17[%dma_wait3A_109, %dma_wait3A_110] : memref<10000x64xf32, #tpu.memory_space<vmem_shared>> -> memref<10000x64xf32, #tpu.memory_space<vmem_shared>>
    tpu.wait_indirect_dma semaphore(%arg25 : memref<!tpu.dma_semaphore, #tpu.memory_space<semaphore_mem>>) src(%arg16 : memref<80x64xf32, #tpu.memory_space<vmem>>) dst(%dma_wait3A_111 : memref<10000x64xf32, #tpu.memory_space<vmem_shared>>)
    %dma_wait3A_112 = arith.constant 248 : i32
    %dma_wait3A_113 = arith.constant 0 : i32
    %dma_wait3A_114 = tpu.memref_slice %arg8[%dma_wait3A_112, %dma_wait3A_113] : memref<250x80xi32, #tpu.memory_space<vmem>> -> memref<1x80xi32, #tpu.memory_space<vmem>>
    %dma_wait3A_115 = tpu.memref_squeeze %dma_wait3A_114 : memref<1x80xi32, #tpu.memory_space<vmem>> -> memref<80xi32, #tpu.memory_space<vmem>>
    %dma_wait3A_116 = arith.constant 0 : i32
    %dma_wait3A_117 = arith.constant 0 : i32
    %dma_wait3A_118 = tpu.memref_slice %arg17[%dma_wait3A_116, %dma_wait3A_117] : memref<10000x64xf32, #tpu.memory_space<vmem_shared>> -> memref<10000x64xf32, #tpu.memory_space<vmem_shared>>
    tpu.wait_indirect_dma semaphore(%arg18 : memref<!tpu.dma_semaphore, #tpu.memory_space<semaphore_mem>>) src(%arg9 : memref<80x64xf32, #tpu.memory_space<vmem>>) dst(%dma_wait3A_118 : memref<10000x64xf32, #tpu.memory_space<vmem_shared>>)
    %dma_wait3A_119 = arith.constant 249 : i32
    %dma_wait3A_120 = arith.constant 0 : i32
    %dma_wait3A_121 = tpu.memref_slice %arg8[%dma_wait3A_119, %dma_wait3A_120] : memref<250x80xi32, #tpu.memory_space<vmem>> -> memref<1x80xi32, #tpu.memory_space<vmem>>
    %dma_wait3A_122 = tpu.memref_squeeze %dma_wait3A_121 : memref<1x80xi32, #tpu.memory_space<vmem>> -> memref<80xi32, #tpu.memory_space<vmem>>
    %dma_wait3A_123 = arith.constant 0 : i32
    %dma_wait3A_124 = arith.constant 0 : i32
    %dma_wait3A_125 = tpu.memref_slice %arg17[%dma_wait3A_123, %dma_wait3A_124] : memref<10000x64xf32, #tpu.memory_space<vmem_shared>> -> memref<10000x64xf32, #tpu.memory_space<vmem_shared>>
    tpu.wait_indirect_dma semaphore(%arg19 : memref<!tpu.dma_semaphore, #tpu.memory_space<semaphore_mem>>) src(%arg10 : memref<80x64xf32, #tpu.memory_space<vmem>>) dst(%dma_wait3A_125 : memref<10000x64xf32, #tpu.memory_space<vmem_shared>>)
    %barrier3A_126 = arith.constant 0 : index
    tpu.barrier barrier_id(%barrier3A_126)
    %mul3A_127 = arith.constant 625 : i32
    %mul3A_128 = arith.muli %arg1, %mul3A_127 : i32
    %mul3A_129 = arith.constant 625 : i32
    %mul3A_130 = arith.muli %arg1, %mul3A_129 : i32
    "tpu.region"() ({
      %run_scoped3A = tpu.sem_alloc : memref<!tpu.dma_semaphore, #tpu.memory_space<semaphore_mem>>
      %dma_start3A_131 = arith.constant 0 : i32
      %dma_start3A_132 = tpu.memref_slice %arg6[%arg0, %mul3A_130, %dma_start3A_131] : memref<2x10000x64xf32, #tpu.memory_space<hbm>> -> memref<1x625x64xf32, #tpu.memory_space<hbm>>
      %dma_start3A_133 = tpu.memref_squeeze %dma_start3A_132 : memref<1x625x64xf32, #tpu.memory_space<hbm>> -> memref<625x64xf32, #tpu.memory_space<hbm>>
      %dma_start3A_134 = arith.constant 0 : i32
      %dma_start3A_135 = tpu.memref_slice %arg17[%mul3A_128, %dma_start3A_134] : memref<10000x64xf32, #tpu.memory_space<vmem_shared>> -> memref<625x64xf32, #tpu.memory_space<vmem_shared>>
      tpu.enqueue_dma source(%dma_start3A_135 : memref<625x64xf32, #tpu.memory_space<vmem_shared>>) target(%dma_start3A_133 : memref<625x64xf32, #tpu.memory_space<hbm>>) target_semaphore(%run_scoped3A : memref<!tpu.dma_semaphore, #tpu.memory_space<semaphore_mem>>)
      %dma_wait3A_136 = arith.constant 0 : i32
      %dma_wait3A_137 = tpu.memref_slice %arg6[%arg0, %mul3A_130, %dma_wait3A_136] : memref<2x10000x64xf32, #tpu.memory_space<hbm>> -> memref<1x625x64xf32, #tpu.memory_space<hbm>>
      %dma_wait3A_138 = tpu.memref_squeeze %dma_wait3A_137 : memref<1x625x64xf32, #tpu.memory_space<hbm>> -> memref<625x64xf32, #tpu.memory_space<hbm>>
      %dma_wait3A_139 = arith.constant 0 : i32
      %dma_wait3A_140 = tpu.memref_slice %arg17[%mul3A_128, %dma_wait3A_139] : memref<10000x64xf32, #tpu.memory_space<vmem_shared>> -> memref<625x64xf32, #tpu.memory_space<vmem_shared>>
      tpu.wait_dma2 semaphore(%run_scoped3A : memref<!tpu.dma_semaphore, #tpu.memory_space<semaphore_mem>>) src(%dma_wait3A_140 : memref<625x64xf32, #tpu.memory_space<vmem_shared>>) dst(%dma_wait3A_138 : memref<625x64xf32, #tpu.memory_space<hbm>>)
      tpu.yield
    }) : () -> ()
    return
  }
}

module attributes {stable_mosaic.version = 14 : i64} {
  func.func @_matmul1_body(%arg0: i32, %arg1: memref<2000x128xf32, #tpu.memory_space<vmem>>, %arg2: memref<128x128xbf16, #tpu.memory_space<vmem>>, %arg3: memref<2x2000x64xf32, #tpu.memory_space<vmem>>) attributes {dimension_semantics = [#tpu.dimension_semantics<arbitrary>], iteration_bounds = array<i64: 5>, scalar_prefetch = 0 : i64, scratch_operands = 0 : i64, tpu.core_type = #tpu.core_type<tc>, window_params = [{transform_indices = @transform_0, window_bounds = array<i64: 2000, 128>}, {pipeline_mode = #tpu.pipeline_mode<synchronous>, transform_indices = @transform_1, window_bounds = array<i64: 128, 128>}, {transform_indices = @transform_2, window_bounds = array<i64: 2, 2000, 64>}]} {
    %get3A = arith.constant 0 : index
    %get3A_0 = arith.constant 0 : index
    %get3A_1 = vector.load %arg1[%get3A, %get3A_0] : memref<2000x128xf32, #tpu.memory_space<vmem>>, vector<2000x128xf32>
    %convert_element_type3A = arith.truncf %get3A_1 : vector<2000x128xf32> to vector<2000x128xbf16>
    %get3A_2 = arith.constant 0 : index
    %get3A_3 = arith.constant 0 : index
    %get3A_4 = vector.load %arg2[%get3A_2, %get3A_3] : memref<128x128xbf16, #tpu.memory_space<vmem>>, vector<128x128xbf16>
    %dot_general3A = arith.constant dense<0.000000e+00> : vector<2000x128xf32>
    %dot_general3A_5 = tpu.matmul %convert_element_type3A, %get3A_4, %dot_general3A {dimension_numbers = #tpu.dot_dimension_numbers<[1], [0], [0], [1], [0, 0, 1, 1], [], []>, transpose_lhs_hint = false} : vector<2000x128xbf16>, vector<128x128xbf16>, vector<2000x128xf32> -> vector<2000x128xf32>
    %slice3A = vector.extract_strided_slice %dot_general3A_5 {offsets = [0, 0], sizes = [2000, 64], strides = [1, 1]} : vector<2000x128xf32> to vector<2000x64xf32>
    %swap3A = arith.constant 0 : index
    %swap3A_6 = arith.constant 0 : index
    %swap3A_7 = arith.constant 0 : index
    %swap3A_8 = vector.load %arg3[%swap3A, %swap3A_6, %swap3A_7] : memref<2x2000x64xf32, #tpu.memory_space<vmem>>, vector<1x2000x64xf32>
    %swap3A_9 = vector.shape_cast %swap3A_8 : vector<1x2000x64xf32> to vector<2000x64xf32>
    %swap3A_10 = vector.shape_cast %slice3A : vector<2000x64xf32> to vector<1x2000x64xf32>
    tpu.vector_store %arg3[%swap3A, %swap3A_6, %swap3A_7], %swap3A_10 {strides = array<i32>} : memref<2x2000x64xf32, #tpu.memory_space<vmem>>, vector<1x2000x64xf32>,
    %slice3A_11 = vector.extract_strided_slice %dot_general3A_5 {offsets = [0, 64], sizes = [2000, 64], strides = [1, 1]} : vector<2000x128xf32> to vector<2000x64xf32>
    %swap3A_12 = arith.constant 1 : index
    %swap3A_13 = arith.constant 0 : index
    %swap3A_14 = arith.constant 0 : index
    %swap3A_15 = vector.load %arg3[%swap3A_12, %swap3A_13, %swap3A_14] : memref<2x2000x64xf32, #tpu.memory_space<vmem>>, vector<1x2000x64xf32>
    %swap3A_16 = vector.shape_cast %swap3A_15 : vector<1x2000x64xf32> to vector<2000x64xf32>
    %swap3A_17 = vector.shape_cast %slice3A_11 : vector<2000x64xf32> to vector<1x2000x64xf32>
    tpu.vector_store %arg3[%swap3A_12, %swap3A_13, %swap3A_14], %swap3A_17 {strides = array<i32>} : memref<2x2000x64xf32, #tpu.memory_space<vmem>>, vector<1x2000x64xf32>,
    return
  }
  func.func @transform_0(%arg0: i32) -> (i32, i32) {
    %c0_i32 = arith.constant 0 : i32
    %c0_i32_0 = arith.constant 0 : i32
    return %arg0, %c0_i32 : i32, i32
  }
  func.func @transform_1(%arg0: i32) -> (i32, i32) {
    %c0_i32 = arith.constant 0 : i32
    %c0_i32_0 = arith.constant 0 : i32
    %c0_i32_1 = arith.constant 0 : i32
    return %c0_i32, %c0_i32_0 : i32, i32
  }
  func.func @transform_2(%arg0: i32) -> (i32, i32, i32) {
    %c0_i32 = arith.constant 0 : i32
    %c0_i32_0 = arith.constant 0 : i32
    %c0_i32_1 = arith.constant 0 : i32
    return %c0_i32, %arg0, %c0_i32_0 : i32, i32, i32
  }
}

module attributes {stable_mosaic.version = 14 : i64} {
  func.func @_norm1_body(%arg0: i32, %arg1: memref<2x2000x64xf32, #tpu.memory_space<vmem>>, %arg2: memref<2x2x2000x1xf32, #tpu.memory_space<vmem>>, %arg3: memref<2x2000x64xf32, #tpu.memory_space<vmem>>, %arg4: memref<2000x1xf32, #tpu.memory_space<vmem>>, %arg5: memref<2000x1xf32, #tpu.memory_space<vmem>>) attributes {dimension_semantics = [#tpu.dimension_semantics<arbitrary>], iteration_bounds = array<i64: 5>, scalar_prefetch = 0 : i64, scratch_operands = 0 : i64, tpu.core_type = #tpu.core_type<tc>, window_params = [{transform_indices = @transform_0, window_bounds = array<i64: 2, 2000, 64>}, {transform_indices = @transform_1, window_bounds = array<i64: 2, 2, 2000, 1>}, {transform_indices = @transform_2, window_bounds = array<i64: 2, 2000, 64>}, {transform_indices = @transform_3, window_bounds = array<i64: 2000, 1>}, {transform_indices = @transform_4, window_bounds = array<i64: 2000, 1>}]} {
    %get3A = arith.constant 0 : index
    %get3A_0 = arith.constant 0 : index
    %get3A_1 = arith.constant 0 : index
    %get3A_2 = arith.constant 0 : index
    %get3A_3 = vector.load %arg2[%get3A, %get3A_0, %get3A_1, %get3A_2] : memref<2x2x2000x1xf32, #tpu.memory_space<vmem>>, vector<2x2x2000x1xf32>
    %slice3A = vector.extract_strided_slice %get3A_3 {offsets = [0, 0, 0, 0], sizes = [1, 2, 2000, 1], strides = [1, 1, 1, 1]} : vector<2x2x2000x1xf32> to vector<1x2x2000x1xf32>
    %squeeze3A = vector.shape_cast %slice3A : vector<1x2x2000x1xf32> to vector<2x2000x1xf32>
    %slice3A_4 = vector.extract_strided_slice %get3A_3 {offsets = [1, 0, 0, 0], sizes = [1, 2, 2000, 1], strides = [1, 1, 1, 1]} : vector<2x2x2000x1xf32> to vector<1x2x2000x1xf32>
    %squeeze3A_5 = vector.shape_cast %slice3A_4 : vector<1x2x2000x1xf32> to vector<2x2000x1xf32>
    %add3A = arith.addf %squeeze3A, %squeeze3A_5 : vector<2x2000x1xf32>
    %slice3A_6 = vector.extract_strided_slice %add3A {offsets = [0, 0, 0], sizes = [1, 2000, 1], strides = [1, 1, 1]} : vector<2x2000x1xf32> to vector<1x2000x1xf32>
    %squeeze3A_7 = vector.shape_cast %slice3A_6 : vector<1x2000x1xf32> to vector<2000x1xf32>
    %max3A = arith.constant 1.000000e+00 : f32
    %max3A_8 = vector.broadcast %max3A : f32 to vector<2000x1xf32>
    %max3A_9 = arith.maximumf %squeeze3A_7, %max3A_8 : vector<2000x1xf32>
    %rsqrt3A = math.rsqrt %max3A_9 : vector<2000x1xf32>
    %slice3A_10 = vector.extract_strided_slice %add3A {offsets = [1, 0, 0], sizes = [1, 2000, 1], strides = [1, 1, 1]} : vector<2x2000x1xf32> to vector<1x2000x1xf32>
    %squeeze3A_11 = vector.shape_cast %slice3A_10 : vector<1x2000x1xf32> to vector<2000x1xf32>
    %max3A_12 = arith.constant 1.000000e+00 : f32
    %max3A_13 = vector.broadcast %max3A_12 : f32 to vector<2000x1xf32>
    %max3A_14 = arith.maximumf %squeeze3A_11, %max3A_13 : vector<2000x1xf32>
    %rsqrt3A_15 = math.rsqrt %max3A_14 : vector<2000x1xf32>
    %get3A_16 = arith.constant 0 : index
    %get3A_17 = arith.constant 0 : index
    %get3A_18 = arith.constant 0 : index
    %get3A_19 = vector.load %arg1[%get3A_16, %get3A_17, %get3A_18] : memref<2x2000x64xf32, #tpu.memory_space<vmem>>, vector<1x2000x64xf32>
    %get3A_20 = vector.shape_cast %get3A_19 : vector<1x2000x64xf32> to vector<2000x64xf32>
    %mul3A = vector.broadcast %rsqrt3A : vector<2000x1xf32> to vector<2000x64xf32>
    %mul3A_21 = arith.mulf %get3A_20, %mul3A : vector<2000x64xf32>
    %swap3A = arith.constant 0 : index
    %swap3A_22 = arith.constant 0 : index
    %swap3A_23 = arith.constant 0 : index
    %swap3A_24 = vector.load %arg3[%swap3A, %swap3A_22, %swap3A_23] : memref<2x2000x64xf32, #tpu.memory_space<vmem>>, vector<1x2000x64xf32>
    %swap3A_25 = vector.shape_cast %swap3A_24 : vector<1x2000x64xf32> to vector<2000x64xf32>
    %swap3A_26 = vector.shape_cast %mul3A_21 : vector<2000x64xf32> to vector<1x2000x64xf32>
    tpu.vector_store %arg3[%swap3A, %swap3A_22, %swap3A_23], %swap3A_26 {strides = array<i32>} : memref<2x2000x64xf32, #tpu.memory_space<vmem>>, vector<1x2000x64xf32>,
    %get3A_27 = arith.constant 1 : index
    %get3A_28 = arith.constant 0 : index
    %get3A_29 = arith.constant 0 : index
    %get3A_30 = vector.load %arg1[%get3A_27, %get3A_28, %get3A_29] : memref<2x2000x64xf32, #tpu.memory_space<vmem>>, vector<1x2000x64xf32>
    %get3A_31 = vector.shape_cast %get3A_30 : vector<1x2000x64xf32> to vector<2000x64xf32>
    %mul3A_32 = vector.broadcast %rsqrt3A : vector<2000x1xf32> to vector<2000x64xf32>
    %mul3A_33 = arith.mulf %get3A_31, %mul3A_32 : vector<2000x64xf32>
    %swap3A_34 = arith.constant 1 : index
    %swap3A_35 = arith.constant 0 : index
    %swap3A_36 = arith.constant 0 : index
    %swap3A_37 = vector.load %arg3[%swap3A_34, %swap3A_35, %swap3A_36] : memref<2x2000x64xf32, #tpu.memory_space<vmem>>, vector<1x2000x64xf32>
    %swap3A_38 = vector.shape_cast %swap3A_37 : vector<1x2000x64xf32> to vector<2000x64xf32>
    %swap3A_39 = vector.shape_cast %mul3A_33 : vector<2000x64xf32> to vector<1x2000x64xf32>
    tpu.vector_store %arg3[%swap3A_34, %swap3A_35, %swap3A_36], %swap3A_39 {strides = array<i32>} : memref<2x2000x64xf32, #tpu.memory_space<vmem>>, vector<1x2000x64xf32>,
    %swap3A_40 = arith.constant 0 : index
    %swap3A_41 = arith.constant 0 : index
    %swap3A_42 = vector.load %arg4[%swap3A_40, %swap3A_41] : memref<2000x1xf32, #tpu.memory_space<vmem>>, vector<2000x1xf32>
    tpu.vector_store %arg4[%swap3A_40, %swap3A_41], %rsqrt3A {strides = array<i32>} : memref<2000x1xf32, #tpu.memory_space<vmem>>, vector<2000x1xf32>,
    %swap3A_43 = arith.constant 0 : index
    %swap3A_44 = arith.constant 0 : index
    %swap3A_45 = vector.load %arg5[%swap3A_43, %swap3A_44] : memref<2000x1xf32, #tpu.memory_space<vmem>>, vector<2000x1xf32>
    tpu.vector_store %arg5[%swap3A_43, %swap3A_44], %rsqrt3A_15 {strides = array<i32>} : memref<2000x1xf32, #tpu.memory_space<vmem>>, vector<2000x1xf32>,
    return
  }
  func.func @transform_0(%arg0: i32) -> (i32, i32, i32) {
    %c0_i32 = arith.constant 0 : i32
    %c0_i32_0 = arith.constant 0 : i32
    %c0_i32_1 = arith.constant 0 : i32
    return %c0_i32, %arg0, %c0_i32_0 : i32, i32, i32
  }
  func.func @transform_1(%arg0: i32) -> (i32, i32, i32, i32) {
    %c0_i32 = arith.constant 0 : i32
    %c0_i32_0 = arith.constant 0 : i32
    %c0_i32_1 = arith.constant 0 : i32
    %c0_i32_2 = arith.constant 0 : i32
    return %c0_i32, %c0_i32_0, %arg0, %c0_i32_1 : i32, i32, i32, i32
  }
  func.func @transform_2(%arg0: i32) -> (i32, i32, i32) {
    %c0_i32 = arith.constant 0 : i32
    %c0_i32_0 = arith.constant 0 : i32
    %c0_i32_1 = arith.constant 0 : i32
    return %c0_i32, %arg0, %c0_i32_0 : i32, i32, i32
  }
  func.func @transform_3(%arg0: i32) -> (i32, i32) {
    %c0_i32 = arith.constant 0 : i32
    %c0_i32_0 = arith.constant 0 : i32
    return %arg0, %c0_i32 : i32, i32
  }
  func.func @transform_4(%arg0: i32) -> (i32, i32) {
    %c0_i32 = arith.constant 0 : i32
    %c0_i32_0 = arith.constant 0 : i32
    return %arg0, %c0_i32 : i32, i32
  }
}

module attributes {stable_mosaic.version = 14 : i64} {
  func.func @_dense2_body(%arg0: i32, %arg1: memref<2x2000x64xf32, #tpu.memory_space<vmem>>, %arg2: memref<2000x1xf32, #tpu.memory_space<vmem>>, %arg3: memref<2000x1xf32, #tpu.memory_space<vmem>>, %arg4: memref<1x128xf32, #tpu.memory_space<vmem>>, %arg5: memref<128x128xbf16, #tpu.memory_space<vmem>>, %arg6: memref<2x2000x64xf32, #tpu.memory_space<vmem>>) attributes {dimension_semantics = [#tpu.dimension_semantics<arbitrary>], iteration_bounds = array<i64: 5>, scalar_prefetch = 0 : i64, scratch_operands = 0 : i64, tpu.core_type = #tpu.core_type<tc>, window_params = [{transform_indices = @transform_0, window_bounds = array<i64: 2, 2000, 64>}, {transform_indices = @transform_1, window_bounds = array<i64: 2000, 1>}, {transform_indices = @transform_2, window_bounds = array<i64: 2000, 1>}, {pipeline_mode = #tpu.pipeline_mode<synchronous>, transform_indices = @transform_3, window_bounds = array<i64: 1, 128>}, {pipeline_mode = #tpu.pipeline_mode<synchronous>, transform_indices = @transform_4, window_bounds = array<i64: 128, 128>}, {transform_indices = @transform_5, window_bounds = array<i64: 2, 2000, 64>}]} {
    %get3A = arith.constant 0 : index
    %get3A_0 = arith.constant 0 : index
    %get3A_1 = arith.constant 0 : index
    %get3A_2 = vector.load %arg1[%get3A, %get3A_0, %get3A_1] : memref<2x2000x64xf32, #tpu.memory_space<vmem>>, vector<1x2000x64xf32>
    %get3A_3 = vector.shape_cast %get3A_2 : vector<1x2000x64xf32> to vector<2000x64xf32>
    %get3A_4 = arith.constant 1 : index
    %get3A_5 = arith.constant 0 : index
    %get3A_6 = arith.constant 0 : index
    %get3A_7 = vector.load %arg1[%get3A_4, %get3A_5, %get3A_6] : memref<2x2000x64xf32, #tpu.memory_space<vmem>>, vector<1x2000x64xf32>
    %get3A_8 = vector.shape_cast %get3A_7 : vector<1x2000x64xf32> to vector<2000x64xf32>
    %concatenate3A = tpu.concatenate %get3A_3, %get3A_8 in 1 : vector<2000x64xf32>, vector<2000x64xf32> -> vector<2000x128xf32>
    %get3A_9 = arith.constant 0 : index
    %get3A_10 = arith.constant 0 : index
    %get3A_11 = vector.load %arg3[%get3A_9, %get3A_10] : memref<2000x1xf32, #tpu.memory_space<vmem>>, vector<2000x1xf32>
    %mul3A = vector.broadcast %get3A_11 : vector<2000x1xf32> to vector<2000x128xf32>
    %mul3A_12 = arith.mulf %concatenate3A, %mul3A : vector<2000x128xf32>
    %get3A_13 = arith.constant 0 : index
    %get3A_14 = arith.constant 0 : index
    %get3A_15 = vector.load %arg4[%get3A_13, %get3A_14] : memref<1x128xf32, #tpu.memory_space<vmem>>, vector<1x128xf32>
    %add3A = vector.broadcast %get3A_15 : vector<1x128xf32> to vector<2000x128xf32>
    %add3A_16 = arith.addf %mul3A_12, %add3A : vector<2000x128xf32>
    %max3A = arith.constant 0.000000e+00 : f32
    %max3A_17 = vector.broadcast %max3A : f32 to vector<2000x128xf32>
    %max3A_18 = arith.maximumf %add3A_16, %max3A_17 : vector<2000x128xf32>
    %get3A_19 = arith.constant 0 : index
    %get3A_20 = arith.constant 0 : index
    %get3A_21 = vector.load %arg2[%get3A_19, %get3A_20] : memref<2000x1xf32, #tpu.memory_space<vmem>>, vector<2000x1xf32>
    %mul3A_22 = vector.broadcast %get3A_21 : vector<2000x1xf32> to vector<2000x128xf32>
    %mul3A_23 = arith.mulf %max3A_18, %mul3A_22 : vector<2000x128xf32>
    %convert_element_type3A = arith.truncf %mul3A_23 : vector<2000x128xf32> to vector<2000x128xbf16>
    %get3A_24 = arith.constant 0 : index
    %get3A_25 = arith.constant 0 : index
    %get3A_26 = vector.load %arg5[%get3A_24, %get3A_25] : memref<128x128xbf16, #tpu.memory_space<vmem>>, vector<128x128xbf16>
    %dot_general3A = arith.constant dense<0.000000e+00> : vector<2000x128xf32>
    %dot_general3A_27 = tpu.matmul %convert_element_type3A, %get3A_26, %dot_general3A {dimension_numbers = #tpu.dot_dimension_numbers<[1], [0], [0], [1], [0, 0, 1, 1], [], []>, transpose_lhs_hint = false} : vector<2000x128xbf16>, vector<128x128xbf16>, vector<2000x128xf32> -> vector<2000x128xf32>
    %slice3A = vector.extract_strided_slice %dot_general3A_27 {offsets = [0, 0], sizes = [2000, 64], strides = [1, 1]} : vector<2000x128xf32> to vector<2000x64xf32>
    %swap3A = arith.constant 0 : index
    %swap3A_28 = arith.constant 0 : index
    %swap3A_29 = arith.constant 0 : index
    %swap3A_30 = vector.load %arg6[%swap3A, %swap3A_28, %swap3A_29] : memref<2x2000x64xf32, #tpu.memory_space<vmem>>, vector<1x2000x64xf32>
    %swap3A_31 = vector.shape_cast %swap3A_30 : vector<1x2000x64xf32> to vector<2000x64xf32>
    %swap3A_32 = vector.shape_cast %slice3A : vector<2000x64xf32> to vector<1x2000x64xf32>
    tpu.vector_store %arg6[%swap3A, %swap3A_28, %swap3A_29], %swap3A_32 {strides = array<i32>} : memref<2x2000x64xf32, #tpu.memory_space<vmem>>, vector<1x2000x64xf32>,
    %slice3A_33 = vector.extract_strided_slice %dot_general3A_27 {offsets = [0, 64], sizes = [2000, 64], strides = [1, 1]} : vector<2000x128xf32> to vector<2000x64xf32>
    %swap3A_34 = arith.constant 1 : index
    %swap3A_35 = arith.constant 0 : index
    %swap3A_36 = arith.constant 0 : index
    %swap3A_37 = vector.load %arg6[%swap3A_34, %swap3A_35, %swap3A_36] : memref<2x2000x64xf32, #tpu.memory_space<vmem>>, vector<1x2000x64xf32>
    %swap3A_38 = vector.shape_cast %swap3A_37 : vector<1x2000x64xf32> to vector<2000x64xf32>
    %swap3A_39 = vector.shape_cast %slice3A_33 : vector<2000x64xf32> to vector<1x2000x64xf32>
    tpu.vector_store %arg6[%swap3A_34, %swap3A_35, %swap3A_36], %swap3A_39 {strides = array<i32>} : memref<2x2000x64xf32, #tpu.memory_space<vmem>>, vector<1x2000x64xf32>,
    return
  }
  func.func @transform_0(%arg0: i32) -> (i32, i32, i32) {
    %c0_i32 = arith.constant 0 : i32
    %c0_i32_0 = arith.constant 0 : i32
    %c0_i32_1 = arith.constant 0 : i32
    return %c0_i32, %arg0, %c0_i32_0 : i32, i32, i32
  }
  func.func @transform_1(%arg0: i32) -> (i32, i32) {
    %c0_i32 = arith.constant 0 : i32
    %c0_i32_0 = arith.constant 0 : i32
    return %arg0, %c0_i32 : i32, i32
  }
  func.func @transform_2(%arg0: i32) -> (i32, i32) {
    %c0_i32 = arith.constant 0 : i32
    %c0_i32_0 = arith.constant 0 : i32
    return %arg0, %c0_i32 : i32, i32
  }
  func.func @transform_3(%arg0: i32) -> (i32, i32) {
    %c0_i32 = arith.constant 0 : i32
    %c0_i32_0 = arith.constant 0 : i32
    %c0_i32_1 = arith.constant 0 : i32
    return %c0_i32, %c0_i32_0 : i32, i32
  }
  func.func @transform_4(%arg0: i32) -> (i32, i32) {
    %c0_i32 = arith.constant 0 : i32
    %c0_i32_0 = arith.constant 0 : i32
    %c0_i32_1 = arith.constant 0 : i32
    return %c0_i32, %c0_i32_0 : i32, i32
  }
  func.func @transform_5(%arg0: i32) -> (i32, i32, i32) {
    %c0_i32 = arith.constant 0 : i32
    %c0_i32_0 = arith.constant 0 : i32
    %c0_i32_1 = arith.constant 0 : i32
    return %c0_i32, %arg0, %c0_i32_0 : i32, i32, i32
  }
}

module attributes {stable_mosaic.version = 14 : i64} {
  func.func @_final_body(%arg0: i32, %arg1: memref<2x2000x64xf32, #tpu.memory_space<vmem>>, %arg2: memref<2000x1xf32, #tpu.memory_space<vmem>>, %arg3: memref<1x128xf32, #tpu.memory_space<vmem>>, %arg4: memref<1x128xf32, #tpu.memory_space<vmem>>, %arg5: memref<1x128xf32, #tpu.memory_space<vmem>>, %arg6: memref<1x1xf32, #tpu.memory_space<smem>>) attributes {dimension_semantics = [#tpu.dimension_semantics<arbitrary>], iteration_bounds = array<i64: 5>, scalar_prefetch = 0 : i64, scratch_operands = 2 : i64, tpu.core_type = #tpu.core_type<tc>, window_params = [{transform_indices = @transform_0, window_bounds = array<i64: 2, 2000, 64>}, {transform_indices = @transform_1, window_bounds = array<i64: 2000, 1>}, {pipeline_mode = #tpu.pipeline_mode<synchronous>, transform_indices = @transform_2, window_bounds = array<i64: 1, 128>}, {pipeline_mode = #tpu.pipeline_mode<synchronous>, transform_indices = @transform_3, window_bounds = array<i64: 1, 128>}]} {
    %get3A = arith.constant 0 : index
    %get3A_0 = arith.constant 0 : index
    %get3A_1 = arith.constant 0 : index
    %get3A_2 = vector.load %arg1[%get3A, %get3A_0, %get3A_1] : memref<2x2000x64xf32, #tpu.memory_space<vmem>>, vector<1x2000x64xf32>
    %get3A_3 = vector.shape_cast %get3A_2 : vector<1x2000x64xf32> to vector<2000x64xf32>
    %get3A_4 = arith.constant 1 : index
    %get3A_5 = arith.constant 0 : index
    %get3A_6 = arith.constant 0 : index
    %get3A_7 = vector.load %arg1[%get3A_4, %get3A_5, %get3A_6] : memref<2x2000x64xf32, #tpu.memory_space<vmem>>, vector<1x2000x64xf32>
    %get3A_8 = vector.shape_cast %get3A_7 : vector<1x2000x64xf32> to vector<2000x64xf32>
    %concatenate3A = tpu.concatenate %get3A_3, %get3A_8 in 1 : vector<2000x64xf32>, vector<2000x64xf32> -> vector<2000x128xf32>
    %get3A_9 = arith.constant 0 : index
    %get3A_10 = arith.constant 0 : index
    %get3A_11 = vector.load %arg2[%get3A_9, %get3A_10] : memref<2000x1xf32, #tpu.memory_space<vmem>>, vector<2000x1xf32>
    %mul3A = vector.broadcast %get3A_11 : vector<2000x1xf32> to vector<2000x128xf32>
    %mul3A_12 = arith.mulf %concatenate3A, %mul3A : vector<2000x128xf32>
    %get3A_13 = arith.constant 0 : index
    %get3A_14 = arith.constant 0 : index
    %get3A_15 = vector.load %arg3[%get3A_13, %get3A_14] : memref<1x128xf32, #tpu.memory_space<vmem>>, vector<1x128xf32>
    %add3A = vector.broadcast %get3A_15 : vector<1x128xf32> to vector<2000x128xf32>
    %add3A_16 = arith.addf %mul3A_12, %add3A : vector<2000x128xf32>
    %reduce_sum3A = arith.constant dense<0.000000e+00> : vector<128xf32>
    %reduce_sum3A_17 = vector.multi_reduction <add>, %add3A_16, %reduce_sum3A [0] : vector<2000x128xf32> to vector<128xf32>
    %broadcast_in_dim3A = vector.shape_cast %reduce_sum3A_17 : vector<128xf32> to vector<1x128xf32>
    %mul3A_18 = arith.mulf %add3A_16, %add3A_16 : vector<2000x128xf32>
    %reduce_sum3A_19 = arith.constant dense<0.000000e+00> : vector<2000xf32>
    %reduce_sum3A_20 = vector.multi_reduction <add>, %mul3A_18, %reduce_sum3A_19 [1] : vector<2000x128xf32> to vector<2000xf32>
    %broadcast_in_dim3A_21 = vector.shape_cast %reduce_sum3A_20 : vector<2000xf32> to vector<2000x1xf32>
    %sqrt3A = math.sqrt %broadcast_in_dim3A_21 : vector<2000x1xf32>
    %reduce_sum3A_22 = vector.shape_cast %sqrt3A : vector<2000x1xf32> to vector<1x2000x1xf32>
    %reduce_sum3A_23 = arith.constant dense<0.000000e+00> : vector<1xf32>
    %reduce_sum3A_24 = vector.multi_reduction <add>, %reduce_sum3A_22, %reduce_sum3A_23 [1, 2] : vector<1x2000x1xf32> to vector<1xf32>
    %reduce_sum3A_25 = vector.shape_cast %reduce_sum3A_24 : vector<1xf32> to vector<1x1x1xf32>
    %reduce_sum3A_26 = vector.extract %reduce_sum3A_25[0, 0, 0] : f32 from vector<1x1x1xf32>
    %eq3A = arith.constant 0 : i32
    %eq3A_27 = arith.cmpi eq, %arg0, %eq3A : i32
    %convert_element_type3A = arith.extui %eq3A_27 : i1 to i32
    %cond3A = arith.constant 0 : i32
    %cond3A_28 = arith.cmpi ne, %convert_element_type3A, %cond3A : i32
    scf.if %cond3A_28 {
      %swap3A = arith.constant 0 : index
      %swap3A_38 = arith.constant 0 : index
      %swap3A_39 = vector.load %arg5[%swap3A, %swap3A_38] : memref<1x128xf32, #tpu.memory_space<vmem>>, vector<1x128xf32>
      tpu.vector_store %arg5[%swap3A, %swap3A_38], %broadcast_in_dim3A {strides = array<i32>} : memref<1x128xf32, #tpu.memory_space<vmem>>, vector<1x128xf32>,
      %swap3A_40 = arith.constant 0 : index
      %swap3A_41 = arith.constant 0 : index
      %swap3A_42 = memref.load %arg6[%swap3A_40, %swap3A_41] : memref<1x1xf32, #tpu.memory_space<smem>>
      memref.store %reduce_sum3A_26, %arg6[%swap3A_40, %swap3A_41] : memref<1x1xf32, #tpu.memory_space<smem>>
    } else {
    }
    %gt3A = arith.constant 0 : i32
    %gt3A_29 = arith.cmpi sgt, %arg0, %gt3A : i32
    %convert_element_type3A_30 = arith.extui %gt3A_29 : i1 to i32
    %cond3A_31 = arith.constant 0 : i32
    %cond3A_32 = arith.cmpi ne, %convert_element_type3A_30, %cond3A_31 : i32
    scf.if %cond3A_32 {
      %get3A_38 = arith.constant 0 : index
      %get3A_39 = arith.constant 0 : index
      %get3A_40 = vector.load %arg5[%get3A_38, %get3A_39] : memref<1x128xf32, #tpu.memory_space<vmem>>, vector<1x128xf32>
      %add3A_41 = arith.addf %get3A_40, %broadcast_in_dim3A : vector<1x128xf32>
      %swap3A = arith.constant 0 : index
      %swap3A_42 = arith.constant 0 : index
      %swap3A_43 = vector.load %arg5[%swap3A, %swap3A_42] : memref<1x128xf32, #tpu.memory_space<vmem>>, vector<1x128xf32>
      tpu.vector_store %arg5[%swap3A, %swap3A_42], %add3A_41 {strides = array<i32>} : memref<1x128xf32, #tpu.memory_space<vmem>>, vector<1x128xf32>,
      %get3A_44 = arith.constant 0 : index
      %get3A_45 = arith.constant 0 : index
      %get3A_46 = memref.load %arg6[%get3A_44, %get3A_45] : memref<1x1xf32, #tpu.memory_space<smem>>
      %add3A_47 = arith.addf %get3A_46, %reduce_sum3A_26 : f32
      %swap3A_48 = arith.constant 0 : index
      %swap3A_49 = arith.constant 0 : index
      %swap3A_50 = memref.load %arg6[%swap3A_48, %swap3A_49] : memref<1x1xf32, #tpu.memory_space<smem>>
      memref.store %add3A_47, %arg6[%swap3A_48, %swap3A_49] : memref<1x1xf32, #tpu.memory_space<smem>>
    } else {
    }
    %eq3A_33 = arith.constant 4 : i32
    %eq3A_34 = arith.cmpi eq, %arg0, %eq3A_33 : i32
    %convert_element_type3A_35 = arith.extui %eq3A_34 : i1 to i32
    %cond3A_36 = arith.constant 0 : i32
    %cond3A_37 = arith.cmpi ne, %convert_element_type3A_35, %cond3A_36 : i32
    scf.if %cond3A_37 {
      %get3A_38 = arith.constant 0 : index
      %get3A_39 = arith.constant 0 : index
      %get3A_40 = vector.load %arg5[%get3A_38, %get3A_39] : memref<1x128xf32, #tpu.memory_space<vmem>>, vector<1x128xf32>
      %get3A_41 = arith.constant 0 : index
      %get3A_42 = arith.constant 0 : index
      %get3A_43 = memref.load %arg6[%get3A_41, %get3A_42] : memref<1x1xf32, #tpu.memory_space<smem>>
      %div3A = arith.constant 113137.086 : f32
      %div3A_44 = arith.divf %div3A, %get3A_43 : f32
      %mul3A_45 = vector.broadcast %div3A_44 : f32 to vector<1x128xf32>
      %mul3A_46 = arith.mulf %get3A_40, %mul3A_45 : vector<1x128xf32>
      %swap3A = arith.constant 0 : index
      %swap3A_47 = arith.constant 0 : index
      %swap3A_48 = vector.load %arg4[%swap3A, %swap3A_47] : memref<1x128xf32, #tpu.memory_space<vmem>>, vector<1x128xf32>
      tpu.vector_store %arg4[%swap3A, %swap3A_47], %mul3A_46 {strides = array<i32>} : memref<1x128xf32, #tpu.memory_space<vmem>>, vector<1x128xf32>,
    } else {
    }
    return
  }
  func.func @transform_0(%arg0: i32) -> (i32, i32, i32) {
    %c0_i32 = arith.constant 0 : i32
    %c0_i32_0 = arith.constant 0 : i32
    %c0_i32_1 = arith.constant 0 : i32
    return %c0_i32, %arg0, %c0_i32_0 : i32, i32, i32
  }
  func.func @transform_1(%arg0: i32) -> (i32, i32) {
    %c0_i32 = arith.constant 0 : i32
    %c0_i32_0 = arith.constant 0 : i32
    return %arg0, %c0_i32 : i32, i32
  }
  func.func @transform_2(%arg0: i32) -> (i32, i32) {
    %c0_i32 = arith.constant 0 : i32
    %c0_i32_0 = arith.constant 0 : i32
    %c0_i32_1 = arith.constant 0 : i32
    return %c0_i32, %c0_i32_0 : i32, i32
  }
  func.func @transform_3(%arg0: i32) -> (i32, i32) {
    %c0_i32 = arith.constant 0 : i32
    %c0_i32_0 = arith.constant 0 : i32
    %c0_i32_1 = arith.constant 0 : i32
    return %c0_i32, %c0_i32_0 : i32, i32
  }
}

</mosaic_0001>

<sc_bundles>
// kernel: kernel.12.cloned.1.call-start
scs
__scs_entry_jumppad:
0x0: {  	(pc) =	sbr.rel $0x88, $3  }
0x1: {  	(tag) =	ssettag $0x0;
	lr =	simm.s32 $0x1  }
0x2: {  	[smem:$0x3F9B] =	sst lr;
	_ =	strace $0xD0000000  }
0x3: {  	_ = 	snop  }
0x4: {  	_ = 	snop  }
0x5: {  	_ = 	snop  }
0x6: {  	_ = 	snop  }
0x7: {  	_ = 	snop  }
__scs_overlays_trampoline_lowered:
0x8: {  	[smem:$0x3FAA] =	sst s0  }
0x9: {  	[smem:$0x3FAB] =	sst s1  }
0xa: {  	[smem:$0x3FAC] =	sst s2  }
0xb: {  	[smem:$0x3FAD] =	sst s3  }
0xc: {  	[smem:$0x3FAE] =	sst s4  }
0xd: {  	[smem:$0x3FAF] =	sst s5  }
0xe: {  	[smem:$0x3FB0] =	sst s6  }
0xf: {  	[smem:$0x3FB1] =	sst s7  }
0x10: {  	[smem:$0x3FB2] =	sst s8  }
0x11: {  	[smem:$0x3FB3] =	sst s9;
	s0 =	simm.s32 @!p0 $0x0  }
0x12: {  	s1 =	sld [smem:$0x3F99];
	s0 =	simm.s32 @p0 $0x1  }
0x13: {  	[smem:$0x3FB4] =	sst s0;
	s0 =	simm.s32 @!p1 $0x0  }
0x14: {  	s2 =	sld [smem:$0x3F98];
	s0 =	simm.s32 @p1 $0x1  }
0x15: {  	[smem:$0x3FB5] =	sst s0;
	s0 =	simm.s32 @!p2 $0x0  }
0x16: {  	s3 =	sld [smem:$0x3FDB];
	s0 =	simm.s32 @p2 $0x1  }
0x17: {  	s4 =	simm.s32 $0x1BF5;
	[smem:$0x3FB7] =	sst s0  }
0x18: {  	s0 =	sld [smem:$0x3F9A];
	_ =	swait.ge [sflag:s4], $0x0  }
0x19: {  	s7 =	sld [smem:$0x3F9B]  }
0x1a: {  	s8 =	sadd.s32 $0xFFFFE003, lr  }
0x1b: {  	s9 =	sadd.s32 $0xFFFFFEF7, lr;
	s5 =	simm.s32 $0xFFFFFFFF;
	p2 =	slt.u32 s8, $0xFFFFF086  }
0x1c: {  	p1 =	slt.u32 s9, $0xF7A;
	s5 =	simm.s32 @!p2 $0x0  }
0x1d: {  	s5 =	simm.s32 @p1 $0x1;
	p0 =	seq.s32 s7, s2  }
0x1e: {  	s7 =	smul.u32 @!p0 $0xF7A, s2;
	p2 =	seq.s32 @!p0 s5, $0x0  }
0x1f: {  	s9 =	smul.u32 $0xF7A, s1;
	s8 =	simm.s32 @!p0 $0x1BF5;
	p2 =	por !p2, p0  }
0x20: {  	[sflag:s8] =	ssyncset.s32 @!p0 $0xFFFFF086;
	s6 =	sadd.s32 @!p0 s3, s7;
	s7 =	simm.s32 @!p0 $0x108  }
0x21: {  	s3 =	sadd.s32 s3, s9;
	s6 =	sadd.s32 @!p0 $0x88, s6;
	s7 =	simm.s32 @p2 $0x1082  }
0x22: {  	[simem:s7], [sflag:s8] =	dma.local @!p0 [hbm:s6], $0xF7A  }
0x23: {  	s9 =	sor.u32 $0xD0000000, s2;
	s6 =	simm.s32 $0x108;
	_ =	swait.ge @!p0 [sflag:s8], $0x0  }
0x24: {  	s3 =	sadd.s32 $0x88, s3;
	s6 =	simm.s32 @!p1 $0x1082;
	[sflag:s4] =	ssyncset.s32 $0xFFFFF086  }
0x25: {  	[simem:s6], [sflag:s4] =	dma.local [hbm:s3], $0xF7A  }
0x26: {  	[smem:$0x3F9B] =	sst s1;
	(tag) =	ssettag s2;
	_ =	strace s9  }
0x27: {  	s1 =	sld [smem:$0x3FAB]  }
0x28: {  	s2 =	sld [smem:$0x3FAC]  }
0x29: {  	s4 =	sld [smem:$0x3FAE]  }
0x2a: {  	p0 =	seq.s32 s5, $0x0;
	s5 =	sld [smem:$0x3FAF]  }
0x2b: {  	s6 =	sld [smem:$0x3FB0]  }
0x2c: {  	s7 =	sld [smem:$0x3FB1]  }
0x2d: {  	s3 =	simm.s32 $0x108;
	s8 =	sld [smem:$0x3FB2]  }
0x2e: {  	s3 =	simm.s32 @!p0 $0x1082;
	s9 =	sld [smem:$0x3FB3]  }
0x2f: {  	lr =	sadd.s32 s0, s3;
	s0 =	sld [smem:$0x3FAA]  }
0x30: {  	s3 =	sld [smem:$0x3FAD]  }
0x31: {  	[smem:$0x3FB6] =	sst s10  }
0x32: {  	s10 =	sld [smem:$0x3FB4];
	_ =	sdelay $0x3  }
0x33: {  	p0 =	seq.s32 s10, $0x1;
	s10 =	sld [smem:$0x3FB6];
	_ =	sdelay $0x3  }
0x34: {  	[smem:$0x3FB6] =	sst s10  }
0x35: {  	s10 =	sld [smem:$0x3FB5];
	_ =	sdelay $0x3  }
0x36: {  	p1 =	seq.s32 s10, $0x1;
	s10 =	sld [smem:$0x3FB6];
	_ =	sdelay $0x3  }
0x37: {  	[smem:$0x3FB6] =	sst s10  }
0x38: {  	s10 =	sld [smem:$0x3FB7]  }
0x39: {  	_ = 	snop;
	(pc) =	sbr.ind lr, $3  }
0x3a: {  	_ = 	snop  }
0x3b: {  	_ = 	snop  }
0x3c: {  	p2 =	seq.s32 s10, $0x1;
	s10 =	sld [smem:$0x3FB6]  }
0x3d: {  	_ =	shalt  }
0x3e: {  	_ =	shalt  }
0x3f: {  	_ =	shalt  }
0x40: {  	_ =	shalt  }
0x41: {  	_ =	shalt  }
0x42: {  	_ =	shalt  }
0x43: {  	_ =	shalt  }
0x44: {  	_ =	shalt  }
0x45: {  	_ =	shalt  }
0x46: {  	_ =	shalt  }
0x47: {  	_ =	shalt  }
0x48: {  	_ =	shalt  }
0x49: {  	_ =	shalt  }
0x4a: {  	_ =	shalt  }
0x4b: {  	_ =	shalt  }
0x4c: {  	_ =	shalt  }
0x4d: {  	_ =	shalt  }
0x4e: {  	_ =	shalt  }
0x4f: {  	_ =	shalt  }
0x50: {  	_ =	shalt  }
0x51: {  	_ =	shalt  }
0x52: {  	_ =	shalt  }
0x53: {  	_ =	shalt  }
0x54: {  	_ =	shalt  }
0x55: {  	_ =	shalt  }
0x56: {  	_ =	shalt  }
0x57: {  	_ =	shalt  }
0x58: {  	_ =	shalt  }
0x59: {  	_ =	shalt  }
0x5a: {  	_ =	shalt  }
0x5b: {  	_ =	shalt  }
0x5c: {  	_ =	shalt  }
0x5d: {  	_ =	shalt  }
0x5e: {  	_ =	shalt  }
0x5f: {  	_ =	shalt  }
0x60: {  	_ =	shalt  }
0x61: {  	_ =	shalt  }
0x62: {  	_ =	shalt  }
0x63: {  	_ =	shalt  }
0x64: {  	_ =	shalt  }
0x65: {  	_ =	shalt  }
0x66: {  	_ =	shalt  }
0x67: {  	_ =	shalt  }
0x68: {  	_ =	shalt  }
0x69: {  	_ =	shalt  }
0x6a: {  	_ =	shalt  }
0x6b: {  	_ =	shalt  }
0x6c: {  	_ =	shalt  }
0x6d: {  	_ =	shalt  }
0x6e: {  	_ =	shalt  }
0x6f: {  	_ =	shalt  }
0x70: {  	_ =	shalt  }
0x71: {  	_ =	shalt  }
0x72: {  	_ =	shalt  }
0x73: {  	_ =	shalt  }
0x74: {  	_ =	shalt  }
0x75: {  	_ =	shalt  }
0x76: {  	_ =	shalt  }
0x77: {  	_ =	shalt  }
0x78: {  	_ =	shalt  }
0x79: {  	_ =	shalt  }
0x7a: {  	_ =	shalt  }
0x7b: {  	_ =	shalt  }
0x7c: {  	_ =	shalt  }
0x7d: {  	_ =	shalt  }
0x7e: {  	_ =	shalt  }
0x7f: {  	_ =	shalt  }
0x80: {  	_ =	shalt  }
0x81: {  	_ =	shalt  }
0x82: {  	_ =	shalt  }
0x83: {  	_ =	shalt  }
0x84: {  	_ =	shalt  }
0x85: {  	_ =	shalt  }
0x86: {  	_ =	shalt  }
0x87: {  	_ =	shalt  }
.Lfunc_end0:
.L_simem_size_0:
called_computation.1_lowered:
.L_overlay_start_0:
0x88: {  	s2 =	sld [smem:$0x3FD9]  }
0x89: {  	s3 =	sld [smem:$0x3FFE];
	_ =	sdelay $0x1  }
0x8a: {  	s1 =	srdreg.scid  }
0x8b: {  	s0 =	sand.u32 $0x1, s1  }
0x8c: {  	s16 =	sshll.u32 s0, $0xA;
	s2 =	sadd.s32 s3, s2  }
0x8d: {  	s2 =	sadd.s32 s2, s16  }
0x8e: {  	[smem:$0x3FC2] =	sst s2  }
0x8f: {  	_ = 	snop  }
0x90: {  	(tm) =	ssettm $0x1  }
0x91: {  	s17 =	sld [smem:$0x3FFB];
	_ =	sdelay $0x3  }
0x92: {  	_ =	strace s17  }
0x93: {  	s2 =	sld [smem:$0x3FFC];
	_ =	sdelay $0x3  }
0x94: {  	_ =	strace s2  }
0x95: {  	s2 =	sld [smem:$0x3FFD];
	_ =	sdelay $0x3  }
0x96: {  	_ =	strace s2  }
0x97: {  	_ =	strace $0x8FFFFFFF  }
0x98: {  	s18 =	sld [smem:$0x3FDB];
	_ =	sdelay $0x1  }
0x99: {  	s19 =	simm.s32 $_scs_section_size  }
0x9a: {  	s4 =	simm.s32 $_size__tile_overlayer_lowered;
	s5 =	simm.s32 $_tile_overlayer_lowered  }
0x9b: {  	s22 =	simm.s32 $0x1BFF;
	s21 =	sshll.u32 s5, $0x1;
	s2 =	sadd.s32 s19, s18  }
0x9c: {  	s6 =	simm.s32 $0x0;
	s20 =	sshll.u32 s4, $0x1;
	s4 =	sadd.s32 s21, s2  }
0x9d: {  	[timem:s6], [sflag:s22] =	dma.local [hbm:s4], s20  }
0x9e: {  	_ =	swait.ge [sflag:s22], s20  }
0x9f: {  	s3 =	ssub.s32 $0x0, s20;
	[sflag:s22] =	ssyncset.done $0x0  }
0xa0: {  	[sflag:s22] =	ssyncadd.s32 s3;
	_ =	sdelay $0x1  }
0xa1: {  	s23 =	simm.s32 $0x1B8B  }
0xa2: {  	_ =	swait.ge [sflag:s23], $0x1  }
0xa3: {  	[sflag:s23] =	ssyncset.done $0x0  }
0xa4: {  	s25 =	simm.s32 $0x1B8E;
	s24 =	sld [smem:$0x3FFE];
	[sflag:s23] =	ssyncadd.s32 $0xFFFFFFFF  }
0xa5: {  	s26 =	simm.s32 $execute0_lowered;
	[smem:$0x3FD2] =	sst s25  }
0xa6: {  	s4 =	sshll.u32 s26, $0x1;
	_ =	strace $0x80000049;
	[dreg:$0x1] =	wrdreg $0xFFFFFFFF  }
0xa7: {  	s28 =	simm.s32 $_size_execute0_lowered;
	s2 =	sadd.s32 s2, s4;
	[dreg:$0x0] =	wrdreg $0x0  }
0xa8: {  	s4 =	sshll.u32 s28, $0x1;
	[dreg:$0x2] =	wrdreg s2  }
0xa9: {  	[dreg:$0x3] =	wrdreg s4  }
0xaa: {  	[dreg:$0x4] =	wrdreg $0xC0  }
0xab: {  	_ =	task [dreg:s6], $0x5FFFF  }
0xac: {  	[dreg:$0x1] =	wrdreg $0xFFFFFFFF  }
0xad: {  	[dreg:$0x0] =	wrdreg $0x60  }
0xae: {  	[dreg:$0x2] =	wrdreg s24  }
0xaf: {  	[dreg:$0x3] =	wrdreg $0x13C400  }
0xb0: {  	[dreg:$0x4] =	wrdreg $0x9  }
0xb1: {  	_ =	task.clear_ibuf [dreg:s6], $0x5FFFF;
	_ =	strace $0x90000049  }
0xb2: {  	s29 =	simm.s32 $0x9;
	_ =	strace $0x8000004B  }
0xb3: {  	_ =	swait.ge [sflag:s29], $0x1  }
0xb4: {  	[sflag:s29] =	ssyncadd.s32 $0xFFFFFFFF  }
0xb5: {  	_ =	strace $0x9000004B  }
0xb6: {  	_ =	sfence  }
0xb7: {  	s30 =	sld [smem:$0x0];
	_ =	sdelay $0x2  }
0xb8: {  	s31 =	sshll.u32 s1, $0xD;
	s1 =	sshrl.u32 s1, $0x2  }
0xb9: {  	s3 =	sand.u32 $0x4000, s31;
	s1 =	sadd.s32 s1, s30  }
0xba: {  	s0 =	sor.u32 s3, s0;
	s1 =	sshll.u32 s1, $0x11  }
0xbb: {  	s0 =	sor.u32 s1, s0  }
0xbc: {  	s0 =	sadd.s32 $0x8F2B, s0  }
0xbd: {  	[sflag:s0] =	ssyncadd.remote.s32 $0x1  }
0xbe: {  	_ =	sfence.sel $0xFFFF  }
0xbf: {  	[dreg:$0x0] =	wrdreg $0xFFFFFFFF;
	(pc) =	sbr.abs _section_cstart, $3  }
0xc0: {  	[dreg:$0x1] =	wrdreg $0xFFFFFFFF  }
0xc1: {  	_ =	task.clear_ibuf [dreg:s6], $0x2FFFF;
	_ =	strace $0x9FFFFFFF  }
0xc2: {  	(tm) =	ssettm $0x7FFFFFFF  }
0xc3: {  	_ =	shalt  }
tec
execute0_lowered:
.L_overlay_start_1:
0x0: {  	(tag) =	ssettag $0x1  }
0x1: {  	s0 =	rddreg [dreg:$0x0]  }
0x2: {  	s1 =	rddreg [dreg:$0x1];
	s2 =	srdreg.scid;
	s3 =	simm.s32 $0x0  }
0x3: {  	s9 =	stileid.u32;
	s12 =	simm.s32 $0x50;
	s13 =	simm.s32 $0x9C40  }
0x4: {  	s14 =	simm.s32 $0xB040;
	s16 =	simm.s32 $0xC440;
	s18 =	simm.s32 $0xD840  }
0x5: {  	s28 =	simm.s32 $0x4;
	s29 =	simm.s32 $0x12840;
	s30 =	simm.s32 $0x5  }
0x6: {  	s31 =	simm.s32 $0x6;
	s17 =	simm.s32 $0x0;
	s8 =	smul.u32 $0x9C40, s9  }
0x7: {  	s2 =	sand.u32 $0x1, s2;
	[smem:$0x7FF] =	sst s3;
	s6 =	smul.u32 $0x9C4, s9  }
0x8: {  	s10 =	sadd.s32 $0x3C600, s0;
	s26 =	sshll.u32 s9, $0x6;
	s4 =	smul.u32 $0x9C400, s2  }
0x9: {  	_ =	strace $0x8000004A;
	s2 =	ssub.s32 $0x2, s2;
	[dreg:$0x3] =	wrdreg s10  }
0xa: {  	s10 =	simm.s32 $0x9;
	s19 =	sor.u32 $0x1C09, s26;
	s26 =	simm.s32 $0x11440  }
0xb: {  	s6 =	sadd.s32 s6, s0;
	s21 =	sshrl.u32 s2, $0x1;
	s24 =	sadd.s32 s8, s1  }
0xc: {  	s5 =	sshrl.u32 s4, $0x3;
	s4 =	sadd.s32 s8, s4;
	s2 =	ssub.s32 s2, s21  }
0xd: {  	s22 =	sadd.s32 $0xB600, s6;
	s23 =	sadd.s32 $0x1800, s6;
	s20 =	sshrl.u32 s24, $0x3  }
0xe: {  	s21 =	simm.s32 $0x1;
	s24 =	simm.s32 $0x10040;
	s7 =	sadd.s32 s5, s0  }
.Ltmp0:
0xf: {  	s4 =	sshrl.u32 s4, $0x3;
	[dreg:$0x4] =	wrdreg s22;
	(pc) =	sbr.rel .LBB2_1-.Ltmp0, $4  }
0x10: {  	[dreg:$0x5] =	wrdreg s23;
	s25 =	smax.u32 s2, $0x1;
	s22 =	simm.s32 $0xEC40  }
0x11: {  	s23 =	simm.s32 $0x2;
	s2 =	simm.s32 $0x8;
	s0 =	sadd.s32 s4, s0  }
0x12: {  	s7 =	sadd.s32 $0x15400, s7;
	[dreg:$0x7] =	wrdreg s25;
	s0 =	sadd.s32 $0x3DA00, s0  }
0x13: {  	s25 =	simm.s32 $0x3;
	[dreg:$0x6] =	wrdreg s0;
	s0 =	simm.s32 $0x7  }
.LBB2_4:
0x14: {  	_ =	swait.ge [sflag:s2], $0x1400  }
0x15: {  	[sflag:s2] =	ssyncset.done $0x0  }
0x16: {  	[sflag:s2] =	ssyncadd.s32 $0xFFFFEC00  }
0x17: {  	[spmem:s1] =	stream.indirect.scatter.add.f32 [tilespmem:s29], [sflag:$0x8], $0x40, s4, s12, $0xb8;
	[tilespmem:$0x1D880] =	vst v63  }
0x18: {  	_ =	swait.ge [sflag:s28], $0x1400  }
0x19: {  	[sflag:s28] =	ssyncset.done $0x0  }
0x1a: {  	[sflag:s28] =	ssyncadd.s32 $0xFFFFEC00  }
0x1b: {  	_ =	swait.ge [sflag:s21], $0x1400  }
0x1c: {  	[sflag:s21] =	ssyncset.done $0x0  }
0x1d: {  	s8 =	simm.s32 $0x9BA0;
	[sflag:s21] =	ssyncadd.s32 $0xFFFFEC00  }
0x1e: {  	[spmem:s1] =	stream.indirect.scatter.add.f32 [tilespmem:s13], [sflag:$0x1], $0x40, s8, s12, $0xb8;
	[tilespmem:$0x1D880] =	vst v63  }
0x1f: {  	_ =	swait.ge [sflag:s23], $0x1400  }
0x20: {  	[sflag:s23] =	ssyncset.done $0x0  }
0x21: {  	s9 =	simm.s32 $0x9BF0;
	[sflag:s23] =	ssyncadd.s32 $0xFFFFEC00  }
0x22: {  	[spmem:s1] =	stream.indirect.scatter.add.f32 [tilespmem:s14], [sflag:$0x2], $0x40, s9, s12, $0xb8;
	[tilespmem:$0x1D880] =	vst v63  }
0x23: {  	_ =	swait.ge [sflag:s30], $0x1400  }
0x24: {  	[sflag:s30] =	ssyncset.done $0x0  }
0x25: {  	[sflag:s30] =	ssyncadd.s32 $0xFFFFEC00  }
0x26: {  	_ =	swait.ge [sflag:s31], $0x1400  }
0x27: {  	[sflag:s31] =	ssyncset.done $0x0  }
0x28: {  	[sflag:s31] =	ssyncadd.s32 $0xFFFFEC00  }
0x29: {  	_ =	swait.ge [sflag:s0], $0x1400  }
0x2a: {  	[sflag:s0] =	ssyncset.done $0x0  }
0x2b: {  	[sflag:s0] =	ssyncadd.s32 $0xFFFFEC00  }
0x2c: {  	_ =	swait.ge [sflag:s2], $0x1400  }
0x2d: {  	[sflag:s2] =	ssyncset.done $0x0  }
0x2e: {  	[sflag:s2] =	ssyncadd.s32 $0xFFFFEC00  }
0x2f: {  	_ =	swait.ge [sflag:s21], $0x1400  }
0x30: {  	[sflag:s21] =	ssyncset.done $0x0  }
0x31: {  	[sflag:s21] =	ssyncadd.s32 $0xFFFFEC00  }
0x32: {  	_ =	swait.ge [sflag:s23], $0x1400  }
0x33: {  	[sflag:s23] =	ssyncset.done $0x0  }
0x34: {  	[sflag:s23] =	ssyncadd.s32 $0xFFFFEC00  }
0x35: {  	[bflag:$0x0] =	sbarrier.arrive $0xFFFF  }
0x36: {  	s11 =	rddreg [dreg:$0x6]  }
0x37: {  	[hbm:s11], [sflag:s19] =	dma.local [spmem:s20], $0x1388  }
0x38: {  	_ =	swait.ge [sflag:s10], $0x1388  }
0x39: {  	s17 =	sadd.s32 $0x1, s17;
	s15 =	rddreg [dreg:$0x7]  }
0x3a: {  	p0 =	sne.s32 s17, s15  }
.Ltmp1:
0x3b: {  	_ = 	snop;
	(pc) =	sbr.rel @!p0 .LBB2_5-.Ltmp1, $3  }
0x3c: {  	_ =	sdelay $0x1  }
0x3d: {  	[sflag:s10] =	ssyncset.done $0x0  }
0x3e: {  	[sflag:s10] =	ssyncadd.s32 $0xFFFFEC78  }
.LBB2_1:
0x3f: {  	s4 =	rddreg [dreg:$0x4]  }
0x40: {  	[tilespmem:s3], [sflag:$0x9] =	stream.linear.gather [hbm4b:s4+s3], $0x4E20, $0x38;
	[tilespmem:$0x1D880] =	vst v63  }
0x41: {  	_ =	swait.ge [sflag:s10], $0x4E20  }
0x42: {  	[sflag:s10] =	ssyncset.done $0x0  }
0x43: {  	s5 =	simm.s32 $0x4E20;
	s8 =	rddreg [dreg:$0x5];
	[sflag:s10] =	ssyncadd.s32 $0xFFFFB1E0  }
0x44: {  	[tilespmem:s5], [sflag:$0x9] =	stream.linear.gather [hbm4b:s8+s3], $0x4E20, $0x38;
	[tilespmem:$0x1D880] =	vst v63  }
0x45: {  	_ =	swait.ge [sflag:s10], $0x4E20  }
0x46: {  	[sflag:s10] =	ssyncset.done $0x0  }
0x47: {  	[sflag:s10] =	ssyncadd.s32 $0xFFFFB1E0  }
0x48: {  	[tilespmem:s13], [sflag:$0x1] =	stream.indirect.gather [hbm4b:s7+s12], $0x40, s3, s12, $0xb8;
	[tilespmem:$0x1D880] =	vst v63  }
0x49: {  	_ = 	snop  }
0x4a: {  	[tilespmem:s14], [sflag:$0x2] =	stream.indirect.gather [hbm4b:s7+s12], $0x40, s12, s12, $0xb8;
	[tilespmem:$0x1D880] =	vst v63  }
0x4b: {  	s9 =	simm.s32 $0xA0  }
0x4c: {  	[tilespmem:s16], [sflag:$0x3] =	stream.indirect.gather [hbm4b:s7+s12], $0x40, s9, s12, $0xb8;
	[tilespmem:$0x1D880] =	vst v63  }
0x4d: {  	s11 =	simm.s32 $0xF0;
	s15 =	rddreg [dreg:$0x3]  }
0x4e: {  	[tilespmem:s18], [sflag:$0x4] =	stream.indirect.gather [hbm4b:s7+s12], $0x40, s11, s12, $0xb8;
	[tilespmem:$0x1D880] =	vst v63  }
0x4f: {  	[spmem:s20], [sflag:s19] =	dma.local [hbm:s15], $0x1388  }
0x50: {  	_ =	swait.ge [sflag:s10], $0x1388  }
0x51: {  	[sflag:s10] =	ssyncset.done $0x0  }
0x52: {  	[sflag:s10] =	ssyncadd.s32 $0xFFFFEC78  }
0x53: {  	s11 =	simm.s32 $0x0;
	[bflag:$0x0] =	sbarrier.arrive $0xFFFF  }
.LBB2_2:
0x54: {  	_ =	swait.ge [sflag:s21], $0x1400  }
0x55: {  	s15 =	sshra.s32 s11, $0x2;
	[sflag:s21] =	ssyncset.done $0x0  }
0x56: {  	p0 =	seq.s32 s11, $0x0;
	s4 =	sadd.s32 $0x4E20, s15;
	[sflag:s21] =	ssyncadd.s32 $0xFFFFEC00  }
0x57: {  	[spmem:s1] =	stream.indirect.scatter.add.f32 [tilespmem:s13], [sflag:$0x1], $0x40, s4, s12, $0xb8;
	[tilespmem:$0x1D880] =	vst v63  }
0x58: {  	s4 =	simm.s32 @!p0 $0x5  }
0x59: {  	s5 =	sadd.s32 @!p0 $0x500, s11;
	_ =	swait.ge @!p0 [sflag:s4], $0x1400  }
0x5a: {  	s5 =	simm.s32 @p0 $0x500;
	[sflag:s4] =	ssyncset.done @!p0 $0x0  }
0x5b: {  	[sflag:s4] =	ssyncadd.s32 @!p0 $0xFFFFEC00;
	s4 =	sshra.s32 s5, $0x2  }
0x5c: {  	[tilespmem:s22], [sflag:$0x5] =	stream.indirect.gather [hbm4b:s7+s12], $0x40, s4, s12, $0xb8;
	[tilespmem:$0x1D880] =	vst v63  }
0x5d: {  	_ =	swait.ge [sflag:s23], $0x1400  }
0x5e: {  	[sflag:s23] =	ssyncset.done $0x0  }
0x5f: {  	s6 =	sadd.s32 $0x4E70, s15;
	s5 =	simm.s32 @!p0 $0x6;
	[sflag:s23] =	ssyncadd.s32 $0xFFFFEC00  }
0x60: {  	[spmem:s1] =	stream.indirect.scatter.add.f32 [tilespmem:s14], [sflag:$0x2], $0x40, s6, s12, $0xb8;
	[tilespmem:$0x1D880] =	vst v63  }
0x61: {  	s6 =	sadd.s32 @!p0 $0x640, s11;
	_ =	swait.ge @!p0 [sflag:s5], $0x1400  }
0x62: {  	s6 =	simm.s32 @p0 $0x640;
	[sflag:s5] =	ssyncset.done @!p0 $0x0  }
0x63: {  	[sflag:s5] =	ssyncadd.s32 @!p0 $0xFFFFEC00;
	s5 =	sshra.s32 s6, $0x2  }
0x64: {  	[tilespmem:s24], [sflag:$0x6] =	stream.indirect.gather [hbm4b:s7+s12], $0x40, s5, s12, $0xb8;
	[tilespmem:$0x1D880] =	vst v63  }
0x65: {  	_ =	swait.ge [sflag:s25], $0x1400  }
0x66: {  	[sflag:s25] =	ssyncset.done $0x0  }
0x67: {  	s8 =	sadd.s32 $0x4EC0, s15;
	s6 =	simm.s32 @!p0 $0x7;
	[sflag:s25] =	ssyncadd.s32 $0xFFFFEC00  }
0x68: {  	[spmem:s1] =	stream.indirect.scatter.add.f32 [tilespmem:s16], [sflag:$0x3], $0x40, s8, s12, $0xb8;
	[tilespmem:$0x1D880] =	vst v63  }
0x69: {  	s8 =	sadd.s32 @!p0 $0x780, s11;
	_ =	swait.ge @!p0 [sflag:s6], $0x1400  }
0x6a: {  	s8 =	simm.s32 @p0 $0x780;
	[sflag:s6] =	ssyncset.done @!p0 $0x0  }
0x6b: {  	[sflag:s6] =	ssyncadd.s32 @!p0 $0xFFFFEC00;
	s6 =	sshra.s32 s8, $0x2  }
0x6c: {  	[tilespmem:s26], [sflag:$0x7] =	stream.indirect.gather [hbm4b:s7+s12], $0x40, s6, s12, $0xb8;
	[tilespmem:$0x1D880] =	vst v63  }
0x6d: {  	_ =	swait.ge [sflag:s28], $0x1400  }
0x6e: {  	[sflag:s28] =	ssyncset.done $0x0  }
0x6f: {  	s9 =	sadd.s32 $0x4F10, s15;
	s8 =	simm.s32 @!p0 $0x8;
	[sflag:s28] =	ssyncadd.s32 $0xFFFFEC00  }
0x70: {  	[spmem:s1] =	stream.indirect.scatter.add.f32 [tilespmem:s18], [sflag:$0x4], $0x40, s9, s12, $0xb8;
	[tilespmem:$0x1D880] =	vst v63  }
0x71: {  	s9 =	sadd.s32 @!p0 $0x8C0, s11;
	_ =	swait.ge @!p0 [sflag:s8], $0x1400  }
0x72: {  	s9 =	simm.s32 @p0 $0x8C0;
	[sflag:s8] =	ssyncset.done @!p0 $0x0  }
0x73: {  	[sflag:s8] =	ssyncadd.s32 @!p0 $0xFFFFEC00;
	s8 =	sshra.s32 s9, $0x2  }
0x74: {  	[tilespmem:s29], [sflag:$0x8] =	stream.indirect.gather [hbm4b:s7+s12], $0x40, s8, s12, $0xb8;
	[tilespmem:$0x1D880] =	vst v63  }
0x75: {  	_ =	swait.ge [sflag:s30], $0x1400  }
0x76: {  	[sflag:s30] =	ssyncset.done $0x0  }
0x77: {  	s4 =	sadd.s32 $0x4E20, s4;
	[sflag:s30] =	ssyncadd.s32 $0xFFFFEC00  }
0x78: {  	[spmem:s1] =	stream.indirect.scatter.add.f32 [tilespmem:s22], [sflag:$0x5], $0x40, s4, s12, $0xb8;
	[tilespmem:$0x1D880] =	vst v63  }
0x79: {  	_ =	swait.ge [sflag:s21], $0x1400  }
0x7a: {  	[sflag:s21] =	ssyncset.done $0x0  }
0x7b: {  	s9 =	sadd.s32 $0x280, s15;
	[sflag:s21] =	ssyncadd.s32 $0xFFFFEC00  }
0x7c: {  	[tilespmem:s13], [sflag:$0x1] =	stream.indirect.gather [hbm4b:s7+s12], $0x40, s9, s12, $0xb8;
	[tilespmem:$0x1D880] =	vst v63  }
0x7d: {  	_ =	swait.ge [sflag:s31], $0x1400  }
0x7e: {  	[sflag:s31] =	ssyncset.done $0x0  }
0x7f: {  	s9 =	sadd.s32 $0x4E20, s5;
	[sflag:s31] =	ssyncadd.s32 $0xFFFFEC00  }
0x80: {  	[spmem:s1] =	stream.indirect.scatter.add.f32 [tilespmem:s24], [sflag:$0x6], $0x40, s9, s12, $0xb8;
	[tilespmem:$0x1D880] =	vst v63  }
0x81: {  	_ =	swait.ge [sflag:s23], $0x1400  }
0x82: {  	[sflag:s23] =	ssyncset.done $0x0  }
0x83: {  	s5 =	sadd.s32 $0x2D0, s15;
	[sflag:s23] =	ssyncadd.s32 $0xFFFFEC00  }
0x84: {  	[tilespmem:s14], [sflag:$0x2] =	stream.indirect.gather [hbm4b:s7+s12], $0x40, s5, s12, $0xb8;
	[tilespmem:$0x1D880] =	vst v63  }
0x85: {  	_ =	swait.ge [sflag:s0], $0x1400  }
0x86: {  	p0 =	seq.s32 s11, $0x12C00;
	[sflag:s0] =	ssyncset.done $0x0  }
.Ltmp2:
0x87: {  	s9 =	sadd.s32 $0x4E20, s6;
	[sflag:s0] =	ssyncadd.s32 $0xFFFFEC00;
	(pc) =	sbr.rel @p0 .LBB2_4-.Ltmp2, $4  }
0x88: {  	[spmem:s1] =	stream.indirect.scatter.add.f32 [tilespmem:s26], [sflag:$0x7], $0x40, s9, s12, $0xb8;
	[tilespmem:$0x1D880] =	vst v63  }
0x89: {  	_ =	swait.ge [sflag:s25], $0x1400  }
0x8a: {  	[sflag:s25] =	ssyncset.done $0x0  }
0x8b: {  	s4 =	sadd.s32 $0x4E20, s8;
	[sflag:s25] =	ssyncadd.s32 $0xFFFFEC00  }
0x8c: {  	s5 =	sadd.s32 $0x320, s15  }
0x8d: {  	[tilespmem:s16], [sflag:$0x3] =	stream.indirect.gather [hbm4b:s7+s12], $0x40, s5, s12, $0xb8;
	[tilespmem:$0x1D880] =	vst v63  }
0x8e: {  	_ =	swait.ge [sflag:s2], $0x1400  }
0x8f: {  	[sflag:s2] =	ssyncset.done $0x0  }
0x90: {  	[sflag:s2] =	ssyncadd.s32 $0xFFFFEC00  }
0x91: {  	[spmem:s1] =	stream.indirect.scatter.add.f32 [tilespmem:s29], [sflag:$0x8], $0x40, s4, s12, $0xb8;
	[tilespmem:$0x1D880] =	vst v63  }
.Ltmp3:
0x92: {  	_ = 	snop;
	(pc) =	sbr.rel .LBB2_2-.Ltmp3, $4  }
0x93: {  	_ =	swait.ge [sflag:s28], $0x1400  }
0x94: {  	[sflag:s28] =	ssyncset.done $0x0  }
0x95: {  	s15 =	sadd.s32 $0x370, s15;
	s11 =	sadd.s32 $0xA00, s11;
	[sflag:s28] =	ssyncadd.s32 $0xFFFFEC00  }
0x96: {  	[tilespmem:s18], [sflag:$0x4] =	stream.indirect.gather [hbm4b:s7+s12], $0x40, s15, s12, $0xb8;
	[tilespmem:$0x1D880] =	vst v63  }
.LBB2_5:
0x97: {  	_ =	sfence.sel $0x180000  }
0x98: {  	[bflag:$0x0] =	sbarrier.arrive $0xFFFF  }
0x99: {  	_ =	strace $0x9000004A  }
0x9a: {  	s0 =	stileid.u32;
	[bflag:$0x2] =	sbarrier.arrive $0xFFFF  }
0x9b: {  	p0 =	sne.s32 s0, $0x0;
	s0 =	rddreg [dreg:$0x2]  }
0x9c: {  	s0 =	sadd.s32 @!p0 $0x100000, s0  }
0x9d: {  	[sflag:s0] =	ssyncadd.tile.s32 @!p0 $0x1;
	_ =	shalt  }
.Lfunc_end2:
_tile_overlayer_lowered:
.L_overlay_start_2:
0x9e: {  	(tag) =	ssettag $0x2  }
0x9f: {  	s0 =	rddreg [dreg:$0x0];
	s2 =	stileid.u32  }
0xa0: {  	s1 =	rddreg [dreg:$0x1];
	p0 =	sne.s32 s2, $0x0  }
0xa1: {  	s3 =	rddreg [dreg:$0x2];
	[bflag:$0x3] =	sbarrier.arrive $0xFFFF;
	s2 =	simm.s32 @!p0 $0x1C09  }
0xa2: {  	[timem:s3], [sflag:s2] =	dma.local @!p0 [hbm:s0], s1  }
0xa3: {  	s0 =	simm.s32 @!p0 $0x9  }
0xa4: {  	_ =	swait.ge @!p0 [sflag:s0], s1  }
0xa5: {  	s1 =	ssub.s32 @!p0 $0x0, s1;
	[sflag:s0] =	ssyncset.done @!p0 $0x0  }
0xa6: {  	[sflag:s0] =	ssyncadd.s32 @!p0 s1  }
0xa7: {  	[bflag:$0x3] =	sbarrier.arrive $0xFFFF  }
0xa8: {  	_ =	shalt  }

// kernel: kernel.15.cloned.1.call-start
scs
__scs_entry_jumppad:
0x0: {  	(pc) =	sbr.rel $0x88, $3  }
0x1: {  	(tag) =	ssettag $0x0;
	lr =	simm.s32 $0x1  }
0x2: {  	[smem:$0x3F9B] =	sst lr;
	_ =	strace $0xD0000000  }
0x3: {  	_ = 	snop  }
0x4: {  	_ = 	snop  }
0x5: {  	_ = 	snop  }
0x6: {  	_ = 	snop  }
0x7: {  	_ = 	snop  }
__scs_overlays_trampoline_lowered:
0x8: {  	[smem:$0x3FAA] =	sst s0  }
0x9: {  	[smem:$0x3FAB] =	sst s1  }
0xa: {  	[smem:$0x3FAC] =	sst s2  }
0xb: {  	[smem:$0x3FAD] =	sst s3  }
0xc: {  	[smem:$0x3FAE] =	sst s4  }
0xd: {  	[smem:$0x3FAF] =	sst s5  }
0xe: {  	[smem:$0x3FB0] =	sst s6  }
0xf: {  	[smem:$0x3FB1] =	sst s7  }
0x10: {  	[smem:$0x3FB2] =	sst s8  }
0x11: {  	[smem:$0x3FB3] =	sst s9;
	s0 =	simm.s32 @!p0 $0x0  }
0x12: {  	s1 =	sld [smem:$0x3F99];
	s0 =	simm.s32 @p0 $0x1  }
0x13: {  	[smem:$0x3FB4] =	sst s0;
	s0 =	simm.s32 @!p1 $0x0  }
0x14: {  	s2 =	sld [smem:$0x3F98];
	s0 =	simm.s32 @p1 $0x1  }
0x15: {  	[smem:$0x3FB5] =	sst s0;
	s0 =	simm.s32 @!p2 $0x0  }
0x16: {  	s3 =	sld [smem:$0x3FDB];
	s0 =	simm.s32 @p2 $0x1  }
0x17: {  	s4 =	simm.s32 $0x1BF5;
	[smem:$0x3FB7] =	sst s0  }
0x18: {  	s0 =	sld [smem:$0x3F9A];
	_ =	swait.ge [sflag:s4], $0x0  }
0x19: {  	s7 =	sld [smem:$0x3F9B]  }
0x1a: {  	s8 =	sadd.s32 $0xFFFFE003, lr  }
0x1b: {  	s9 =	sadd.s32 $0xFFFFFEF7, lr;
	s5 =	simm.s32 $0xFFFFFFFF;
	p2 =	slt.u32 s8, $0xFFFFF086  }
0x1c: {  	p1 =	slt.u32 s9, $0xF7A;
	s5 =	simm.s32 @!p2 $0x0  }
0x1d: {  	s5 =	simm.s32 @p1 $0x1;
	p0 =	seq.s32 s7, s2  }
0x1e: {  	s7 =	smul.u32 @!p0 $0xF7A, s2;
	p2 =	seq.s32 @!p0 s5, $0x0  }
0x1f: {  	s9 =	smul.u32 $0xF7A, s1;
	s8 =	simm.s32 @!p0 $0x1BF5;
	p2 =	por !p2, p0  }
0x20: {  	[sflag:s8] =	ssyncset.s32 @!p0 $0xFFFFF086;
	s6 =	sadd.s32 @!p0 s3, s7;
	s7 =	simm.s32 @!p0 $0x108  }
0x21: {  	s3 =	sadd.s32 s3, s9;
	s6 =	sadd.s32 @!p0 $0x88, s6;
	s7 =	simm.s32 @p2 $0x1082  }
0x22: {  	[simem:s7], [sflag:s8] =	dma.local @!p0 [hbm:s6], $0xF7A  }
0x23: {  	s9 =	sor.u32 $0xD0000000, s2;
	s6 =	simm.s32 $0x108;
	_ =	swait.ge @!p0 [sflag:s8], $0x0  }
0x24: {  	s3 =	sadd.s32 $0x88, s3;
	s6 =	simm.s32 @!p1 $0x1082;
	[sflag:s4] =	ssyncset.s32 $0xFFFFF086  }
0x25: {  	[simem:s6], [sflag:s4] =	dma.local [hbm:s3], $0xF7A  }
0x26: {  	[smem:$0x3F9B] =	sst s1;
	(tag) =	ssettag s2;
	_ =	strace s9  }
0x27: {  	s1 =	sld [smem:$0x3FAB]  }
0x28: {  	s2 =	sld [smem:$0x3FAC]  }
0x29: {  	s4 =	sld [smem:$0x3FAE]  }
0x2a: {  	p0 =	seq.s32 s5, $0x0;
	s5 =	sld [smem:$0x3FAF]  }
0x2b: {  	s6 =	sld [smem:$0x3FB0]  }
0x2c: {  	s7 =	sld [smem:$0x3FB1]  }
0x2d: {  	s3 =	simm.s32 $0x108;
	s8 =	sld [smem:$0x3FB2]  }
0x2e: {  	s3 =	simm.s32 @!p0 $0x1082;
	s9 =	sld [smem:$0x3FB3]  }
0x2f: {  	lr =	sadd.s32 s0, s3;
	s0 =	sld [smem:$0x3FAA]  }
0x30: {  	s3 =	sld [smem:$0x3FAD]  }
0x31: {  	[smem:$0x3FB6] =	sst s10  }
0x32: {  	s10 =	sld [smem:$0x3FB4];
	_ =	sdelay $0x3  }
0x33: {  	p0 =	seq.s32 s10, $0x1;
	s10 =	sld [smem:$0x3FB6];
	_ =	sdelay $0x3  }
0x34: {  	[smem:$0x3FB6] =	sst s10  }
0x35: {  	s10 =	sld [smem:$0x3FB5];
	_ =	sdelay $0x3  }
0x36: {  	p1 =	seq.s32 s10, $0x1;
	s10 =	sld [smem:$0x3FB6];
	_ =	sdelay $0x3  }
0x37: {  	[smem:$0x3FB6] =	sst s10  }
0x38: {  	s10 =	sld [smem:$0x3FB7]  }
0x39: {  	_ = 	snop;
	(pc) =	sbr.ind lr, $3  }
0x3a: {  	_ = 	snop  }
0x3b: {  	_ = 	snop  }
0x3c: {  	p2 =	seq.s32 s10, $0x1;
	s10 =	sld [smem:$0x3FB6]  }
0x3d: {  	_ =	shalt  }
0x3e: {  	_ =	shalt  }
0x3f: {  	_ =	shalt  }
0x40: {  	_ =	shalt  }
0x41: {  	_ =	shalt  }
0x42: {  	_ =	shalt  }
0x43: {  	_ =	shalt  }
0x44: {  	_ =	shalt  }
0x45: {  	_ =	shalt  }
0x46: {  	_ =	shalt  }
0x47: {  	_ =	shalt  }
0x48: {  	_ =	shalt  }
0x49: {  	_ =	shalt  }
0x4a: {  	_ =	shalt  }
0x4b: {  	_ =	shalt  }
0x4c: {  	_ =	shalt  }
0x4d: {  	_ =	shalt  }
0x4e: {  	_ =	shalt  }
0x4f: {  	_ =	shalt  }
0x50: {  	_ =	shalt  }
0x51: {  	_ =	shalt  }
0x52: {  	_ =	shalt  }
0x53: {  	_ =	shalt  }
0x54: {  	_ =	shalt  }
0x55: {  	_ =	shalt  }
0x56: {  	_ =	shalt  }
0x57: {  	_ =	shalt  }
0x58: {  	_ =	shalt  }
0x59: {  	_ =	shalt  }
0x5a: {  	_ =	shalt  }
0x5b: {  	_ =	shalt  }
0x5c: {  	_ =	shalt  }
0x5d: {  	_ =	shalt  }
0x5e: {  	_ =	shalt  }
0x5f: {  	_ =	shalt  }
0x60: {  	_ =	shalt  }
0x61: {  	_ =	shalt  }
0x62: {  	_ =	shalt  }
0x63: {  	_ =	shalt  }
0x64: {  	_ =	shalt  }
0x65: {  	_ =	shalt  }
0x66: {  	_ =	shalt  }
0x67: {  	_ =	shalt  }
0x68: {  	_ =	shalt  }
0x69: {  	_ =	shalt  }
0x6a: {  	_ =	shalt  }
0x6b: {  	_ =	shalt  }
0x6c: {  	_ =	shalt  }
0x6d: {  	_ =	shalt  }
0x6e: {  	_ =	shalt  }
0x6f: {  	_ =	shalt  }
0x70: {  	_ =	shalt  }
0x71: {  	_ =	shalt  }
0x72: {  	_ =	shalt  }
0x73: {  	_ =	shalt  }
0x74: {  	_ =	shalt  }
0x75: {  	_ =	shalt  }
0x76: {  	_ =	shalt  }
0x77: {  	_ =	shalt  }
0x78: {  	_ =	shalt  }
0x79: {  	_ =	shalt  }
0x7a: {  	_ =	shalt  }
0x7b: {  	_ =	shalt  }
0x7c: {  	_ =	shalt  }
0x7d: {  	_ =	shalt  }
0x7e: {  	_ =	shalt  }
0x7f: {  	_ =	shalt  }
0x80: {  	_ =	shalt  }
0x81: {  	_ =	shalt  }
0x82: {  	_ =	shalt  }
0x83: {  	_ =	shalt  }
0x84: {  	_ =	shalt  }
0x85: {  	_ =	shalt  }
0x86: {  	_ =	shalt  }
0x87: {  	_ =	shalt  }
.Lfunc_end0:
.L_simem_size_0:
called_computation.2_lowered:
.L_overlay_start_0:
0x88: {  	s2 =	sld [smem:$0x3FD9]  }
0x89: {  	s3 =	sld [smem:$0x3FFE];
	_ =	sdelay $0x1  }
0x8a: {  	s1 =	srdreg.scid  }
0x8b: {  	s0 =	sand.u32 $0x1, s1  }
0x8c: {  	s16 =	sshll.u32 s0, $0xA;
	s2 =	sadd.s32 s3, s2  }
0x8d: {  	s2 =	sadd.s32 s2, s16  }
0x8e: {  	[smem:$0x3FC2] =	sst s2  }
0x8f: {  	_ = 	snop  }
0x90: {  	(tm) =	ssettm $0x1  }
0x91: {  	s17 =	sld [smem:$0x3FFB];
	_ =	sdelay $0x3  }
0x92: {  	_ =	strace s17  }
0x93: {  	s2 =	sld [smem:$0x3FFC];
	_ =	sdelay $0x3  }
0x94: {  	_ =	strace s2  }
0x95: {  	s2 =	sld [smem:$0x3FFD];
	_ =	sdelay $0x3  }
0x96: {  	_ =	strace s2  }
0x97: {  	_ =	strace $0x8FFFFFFF  }
0x98: {  	s18 =	sld [smem:$0x3FDB];
	_ =	sdelay $0x1  }
0x99: {  	s19 =	simm.s32 $_scs_section_size  }
0x9a: {  	s4 =	simm.s32 $_size__tile_overlayer_lowered;
	s5 =	simm.s32 $_tile_overlayer_lowered  }
0x9b: {  	s22 =	simm.s32 $0x1BFF;
	s21 =	sshll.u32 s5, $0x1;
	s2 =	sadd.s32 s19, s18  }
0x9c: {  	s6 =	simm.s32 $0x0;
	s20 =	sshll.u32 s4, $0x1;
	s4 =	sadd.s32 s21, s2  }
0x9d: {  	[timem:s6], [sflag:s22] =	dma.local [hbm:s4], s20  }
0x9e: {  	_ =	swait.ge [sflag:s22], s20  }
0x9f: {  	s3 =	ssub.s32 $0x0, s20;
	[sflag:s22] =	ssyncset.done $0x0  }
0xa0: {  	[sflag:s22] =	ssyncadd.s32 s3;
	_ =	sdelay $0x1  }
0xa1: {  	s23 =	simm.s32 $0x1B8B  }
0xa2: {  	_ =	swait.ge [sflag:s23], $0x1  }
0xa3: {  	[sflag:s23] =	ssyncset.done $0x0  }
0xa4: {  	s25 =	simm.s32 $0x1B8E;
	s24 =	sld [smem:$0x3FFE];
	[sflag:s23] =	ssyncadd.s32 $0xFFFFFFFF  }
0xa5: {  	s26 =	simm.s32 $execute0_lowered;
	[smem:$0x3FD2] =	sst s25  }
0xa6: {  	s4 =	sshll.u32 s26, $0x1;
	_ =	strace $0x8000004C;
	[dreg:$0x1] =	wrdreg $0xFFFFFFFF  }
0xa7: {  	s28 =	simm.s32 $_size_execute0_lowered;
	s2 =	sadd.s32 s2, s4;
	[dreg:$0x0] =	wrdreg $0x0  }
0xa8: {  	s4 =	sshll.u32 s28, $0x1;
	[dreg:$0x2] =	wrdreg s2  }
0xa9: {  	[dreg:$0x3] =	wrdreg s4  }
0xaa: {  	[dreg:$0x4] =	wrdreg $0xC0  }
0xab: {  	_ =	task [dreg:s6], $0x5FFFF  }
0xac: {  	[dreg:$0x1] =	wrdreg $0xFFFFFFFF  }
0xad: {  	[dreg:$0x0] =	wrdreg $0x60  }
0xae: {  	[dreg:$0x2] =	wrdreg s24  }
0xaf: {  	[dreg:$0x3] =	wrdreg $0x13C400  }
0xb0: {  	[dreg:$0x4] =	wrdreg $0x9  }
0xb1: {  	_ =	task.clear_ibuf [dreg:s6], $0x5FFFF;
	_ =	strace $0x9000004C  }
0xb2: {  	s29 =	simm.s32 $0x9;
	_ =	strace $0x8000004E  }
0xb3: {  	_ =	swait.ge [sflag:s29], $0x1  }
0xb4: {  	[sflag:s29] =	ssyncadd.s32 $0xFFFFFFFF  }
0xb5: {  	_ =	strace $0x9000004E  }
0xb6: {  	_ =	sfence  }
0xb7: {  	s30 =	sld [smem:$0x0];
	_ =	sdelay $0x2  }
0xb8: {  	s31 =	sshll.u32 s1, $0xD;
	s1 =	sshrl.u32 s1, $0x2  }
0xb9: {  	s3 =	sand.u32 $0x4000, s31;
	s1 =	sadd.s32 s1, s30  }
0xba: {  	s0 =	sor.u32 s3, s0;
	s1 =	sshll.u32 s1, $0x11  }
0xbb: {  	s0 =	sor.u32 s1, s0  }
0xbc: {  	s0 =	sadd.s32 $0x8F2B, s0  }
0xbd: {  	[sflag:s0] =	ssyncadd.remote.s32 $0x1  }
0xbe: {  	_ =	sfence.sel $0xFFFF  }
0xbf: {  	[dreg:$0x0] =	wrdreg $0xFFFFFFFF;
	(pc) =	sbr.abs _section_cstart, $3  }
0xc0: {  	[dreg:$0x1] =	wrdreg $0xFFFFFFFF  }
0xc1: {  	_ =	task.clear_ibuf [dreg:s6], $0x2FFFF;
	_ =	strace $0x9FFFFFFF  }
0xc2: {  	(tm) =	ssettm $0x7FFFFFFF  }
0xc3: {  	_ =	shalt  }
tec
execute0_lowered:
.L_overlay_start_1:
0x0: {  	(tag) =	ssettag $0x1  }
0x1: {  	s0 =	rddreg [dreg:$0x0]  }
0x2: {  	s1 =	rddreg [dreg:$0x1];
	s2 =	srdreg.scid;
	s3 =	simm.s32 $0x0  }
0x3: {  	s9 =	stileid.u32;
	s12 =	simm.s32 $0x50;
	s13 =	simm.s32 $0x9C40  }
0x4: {  	s14 =	simm.s32 $0xB040;
	s16 =	simm.s32 $0xC440;
	s18 =	simm.s32 $0xD840  }
0x5: {  	s28 =	simm.s32 $0x4;
	s29 =	simm.s32 $0x12840;
	s30 =	simm.s32 $0x5  }
0x6: {  	s31 =	simm.s32 $0x6;
	s17 =	simm.s32 $0x0;
	s8 =	smul.u32 $0x9C40, s9  }
0x7: {  	s2 =	sand.u32 $0x1, s2;
	[smem:$0x7FF] =	sst s3;
	s6 =	smul.u32 $0x9C4, s9  }
0x8: {  	s10 =	sadd.s32 $0x3C600, s0;
	s26 =	sshll.u32 s9, $0x6;
	s4 =	smul.u32 $0x9C400, s2  }
0x9: {  	_ =	strace $0x8000004D;
	s2 =	ssub.s32 $0x2, s2;
	[dreg:$0x3] =	wrdreg s10  }
0xa: {  	s10 =	simm.s32 $0x9;
	s19 =	sor.u32 $0x1C09, s26;
	s26 =	simm.s32 $0x11440  }
0xb: {  	s6 =	sadd.s32 s6, s0;
	s21 =	sshrl.u32 s2, $0x1;
	s24 =	sadd.s32 s8, s1  }
0xc: {  	s5 =	sshrl.u32 s4, $0x3;
	s4 =	sadd.s32 s8, s4;
	s2 =	ssub.s32 s2, s21  }
0xd: {  	s22 =	sadd.s32 $0xB600, s6;
	s23 =	sadd.s32 $0x1800, s6;
	s20 =	sshrl.u32 s24, $0x3  }
0xe: {  	s21 =	simm.s32 $0x1;
	s24 =	simm.s32 $0x10040;
	s7 =	sadd.s32 s5, s0  }
.Ltmp0:
0xf: {  	s4 =	sshrl.u32 s4, $0x3;
	[dreg:$0x4] =	wrdreg s22;
	(pc) =	sbr.rel .LBB2_1-.Ltmp0, $4  }
0x10: {  	[dreg:$0x5] =	wrdreg s23;
	s25 =	smax.u32 s2, $0x1;
	s22 =	simm.s32 $0xEC40  }
0x11: {  	s23 =	simm.s32 $0x2;
	s2 =	simm.s32 $0x8;
	s0 =	sadd.s32 s4, s0  }
0x12: {  	s7 =	sadd.s32 $0x15400, s7;
	[dreg:$0x7] =	wrdreg s25;
	s0 =	sadd.s32 $0x3DA00, s0  }
0x13: {  	s25 =	simm.s32 $0x3;
	[dreg:$0x6] =	wrdreg s0;
	s0 =	simm.s32 $0x7  }
.LBB2_4:
0x14: {  	_ =	swait.ge [sflag:s2], $0x1400  }
0x15: {  	[sflag:s2] =	ssyncset.done $0x0  }
0x16: {  	[sflag:s2] =	ssyncadd.s32 $0xFFFFEC00  }
0x17: {  	[spmem:s1] =	stream.indirect.scatter.add.f32 [tilespmem:s29], [sflag:$0x8], $0x40, s4, s12, $0xb8;
	[tilespmem:$0x1D880] =	vst v63  }
0x18: {  	_ =	swait.ge [sflag:s28], $0x1400  }
0x19: {  	[sflag:s28] =	ssyncset.done $0x0  }
0x1a: {  	[sflag:s28] =	ssyncadd.s32 $0xFFFFEC00  }
0x1b: {  	_ =	swait.ge [sflag:s21], $0x1400  }
0x1c: {  	[sflag:s21] =	ssyncset.done $0x0  }
0x1d: {  	s8 =	simm.s32 $0x9BA0;
	[sflag:s21] =	ssyncadd.s32 $0xFFFFEC00  }
0x1e: {  	[spmem:s1] =	stream.indirect.scatter.add.f32 [tilespmem:s13], [sflag:$0x1], $0x40, s8, s12, $0xb8;
	[tilespmem:$0x1D880] =	vst v63  }
0x1f: {  	_ =	swait.ge [sflag:s23], $0x1400  }
0x20: {  	[sflag:s23] =	ssyncset.done $0x0  }
0x21: {  	s9 =	simm.s32 $0x9BF0;
	[sflag:s23] =	ssyncadd.s32 $0xFFFFEC00  }
0x22: {  	[spmem:s1] =	stream.indirect.scatter.add.f32 [tilespmem:s14], [sflag:$0x2], $0x40, s9, s12, $0xb8;
	[tilespmem:$0x1D880] =	vst v63  }
0x23: {  	_ =	swait.ge [sflag:s30], $0x1400  }
0x24: {  	[sflag:s30] =	ssyncset.done $0x0  }
0x25: {  	[sflag:s30] =	ssyncadd.s32 $0xFFFFEC00  }
0x26: {  	_ =	swait.ge [sflag:s31], $0x1400  }
0x27: {  	[sflag:s31] =	ssyncset.done $0x0  }
0x28: {  	[sflag:s31] =	ssyncadd.s32 $0xFFFFEC00  }
0x29: {  	_ =	swait.ge [sflag:s0], $0x1400  }
0x2a: {  	[sflag:s0] =	ssyncset.done $0x0  }
0x2b: {  	[sflag:s0] =	ssyncadd.s32 $0xFFFFEC00  }
0x2c: {  	_ =	swait.ge [sflag:s2], $0x1400  }
0x2d: {  	[sflag:s2] =	ssyncset.done $0x0  }
0x2e: {  	[sflag:s2] =	ssyncadd.s32 $0xFFFFEC00  }
0x2f: {  	_ =	swait.ge [sflag:s21], $0x1400  }
0x30: {  	[sflag:s21] =	ssyncset.done $0x0  }
0x31: {  	[sflag:s21] =	ssyncadd.s32 $0xFFFFEC00  }
0x32: {  	_ =	swait.ge [sflag:s23], $0x1400  }
0x33: {  	[sflag:s23] =	ssyncset.done $0x0  }
0x34: {  	[sflag:s23] =	ssyncadd.s32 $0xFFFFEC00  }
0x35: {  	[bflag:$0x0] =	sbarrier.arrive $0xFFFF  }
0x36: {  	s11 =	rddreg [dreg:$0x6]  }
0x37: {  	[hbm:s11], [sflag:s19] =	dma.local [spmem:s20], $0x1388  }
0x38: {  	_ =	swait.ge [sflag:s10], $0x1388  }
0x39: {  	s17 =	sadd.s32 $0x1, s17;
	s15 =	rddreg [dreg:$0x7]  }
0x3a: {  	p0 =	sne.s32 s17, s15  }
.Ltmp1:
0x3b: {  	_ = 	snop;
	(pc) =	sbr.rel @!p0 .LBB2_5-.Ltmp1, $3  }
0x3c: {  	_ =	sdelay $0x1  }
0x3d: {  	[sflag:s10] =	ssyncset.done $0x0  }
0x3e: {  	[sflag:s10] =	ssyncadd.s32 $0xFFFFEC78  }
.LBB2_1:
0x3f: {  	s4 =	rddreg [dreg:$0x4]  }
0x40: {  	[tilespmem:s3], [sflag:$0x9] =	stream.linear.gather [hbm4b:s4+s3], $0x4E20, $0x38;
	[tilespmem:$0x1D880] =	vst v63  }
0x41: {  	_ =	swait.ge [sflag:s10], $0x4E20  }
0x42: {  	[sflag:s10] =	ssyncset.done $0x0  }
0x43: {  	s5 =	simm.s32 $0x4E20;
	s8 =	rddreg [dreg:$0x5];
	[sflag:s10] =	ssyncadd.s32 $0xFFFFB1E0  }
0x44: {  	[tilespmem:s5], [sflag:$0x9] =	stream.linear.gather [hbm4b:s8+s3], $0x4E20, $0x38;
	[tilespmem:$0x1D880] =	vst v63  }
0x45: {  	_ =	swait.ge [sflag:s10], $0x4E20  }
0x46: {  	[sflag:s10] =	ssyncset.done $0x0  }
0x47: {  	[sflag:s10] =	ssyncadd.s32 $0xFFFFB1E0  }
0x48: {  	[tilespmem:s13], [sflag:$0x1] =	stream.indirect.gather [hbm4b:s7+s12], $0x40, s3, s12, $0xb8;
	[tilespmem:$0x1D880] =	vst v63  }
0x49: {  	_ = 	snop  }
0x4a: {  	[tilespmem:s14], [sflag:$0x2] =	stream.indirect.gather [hbm4b:s7+s12], $0x40, s12, s12, $0xb8;
	[tilespmem:$0x1D880] =	vst v63  }
0x4b: {  	s9 =	simm.s32 $0xA0  }
0x4c: {  	[tilespmem:s16], [sflag:$0x3] =	stream.indirect.gather [hbm4b:s7+s12], $0x40, s9, s12, $0xb8;
	[tilespmem:$0x1D880] =	vst v63  }
0x4d: {  	s11 =	simm.s32 $0xF0;
	s15 =	rddreg [dreg:$0x3]  }
0x4e: {  	[tilespmem:s18], [sflag:$0x4] =	stream.indirect.gather [hbm4b:s7+s12], $0x40, s11, s12, $0xb8;
	[tilespmem:$0x1D880] =	vst v63  }
0x4f: {  	[spmem:s20], [sflag:s19] =	dma.local [hbm:s15], $0x1388  }
0x50: {  	_ =	swait.ge [sflag:s10], $0x1388  }
0x51: {  	[sflag:s10] =	ssyncset.done $0x0  }
0x52: {  	[sflag:s10] =	ssyncadd.s32 $0xFFFFEC78  }
0x53: {  	s11 =	simm.s32 $0x0;
	[bflag:$0x0] =	sbarrier.arrive $0xFFFF  }
.LBB2_2:
0x54: {  	_ =	swait.ge [sflag:s21], $0x1400  }
0x55: {  	s15 =	sshra.s32 s11, $0x2;
	[sflag:s21] =	ssyncset.done $0x0  }
0x56: {  	p0 =	seq.s32 s11, $0x0;
	s4 =	sadd.s32 $0x4E20, s15;
	[sflag:s21] =	ssyncadd.s32 $0xFFFFEC00  }
0x57: {  	[spmem:s1] =	stream.indirect.scatter.add.f32 [tilespmem:s13], [sflag:$0x1], $0x40, s4, s12, $0xb8;
	[tilespmem:$0x1D880] =	vst v63  }
0x58: {  	s4 =	simm.s32 @!p0 $0x5  }
0x59: {  	s5 =	sadd.s32 @!p0 $0x500, s11;
	_ =	swait.ge @!p0 [sflag:s4], $0x1400  }
0x5a: {  	s5 =	simm.s32 @p0 $0x500;
	[sflag:s4] =	ssyncset.done @!p0 $0x0  }
0x5b: {  	[sflag:s4] =	ssyncadd.s32 @!p0 $0xFFFFEC00;
	s4 =	sshra.s32 s5, $0x2  }
0x5c: {  	[tilespmem:s22], [sflag:$0x5] =	stream.indirect.gather [hbm4b:s7+s12], $0x40, s4, s12, $0xb8;
	[tilespmem:$0x1D880] =	vst v63  }
0x5d: {  	_ =	swait.ge [sflag:s23], $0x1400  }
0x5e: {  	[sflag:s23] =	ssyncset.done $0x0  }
0x5f: {  	s6 =	sadd.s32 $0x4E70, s15;
	s5 =	simm.s32 @!p0 $0x6;
	[sflag:s23] =	ssyncadd.s32 $0xFFFFEC00  }
0x60: {  	[spmem:s1] =	stream.indirect.scatter.add.f32 [tilespmem:s14], [sflag:$0x2], $0x40, s6, s12, $0xb8;
	[tilespmem:$0x1D880] =	vst v63  }
0x61: {  	s6 =	sadd.s32 @!p0 $0x640, s11;
	_ =	swait.ge @!p0 [sflag:s5], $0x1400  }
0x62: {  	s6 =	simm.s32 @p0 $0x640;
	[sflag:s5] =	ssyncset.done @!p0 $0x0  }
0x63: {  	[sflag:s5] =	ssyncadd.s32 @!p0 $0xFFFFEC00;
	s5 =	sshra.s32 s6, $0x2  }
0x64: {  	[tilespmem:s24], [sflag:$0x6] =	stream.indirect.gather [hbm4b:s7+s12], $0x40, s5, s12, $0xb8;
	[tilespmem:$0x1D880] =	vst v63  }
0x65: {  	_ =	swait.ge [sflag:s25], $0x1400  }
0x66: {  	[sflag:s25] =	ssyncset.done $0x0  }
0x67: {  	s8 =	sadd.s32 $0x4EC0, s15;
	s6 =	simm.s32 @!p0 $0x7;
	[sflag:s25] =	ssyncadd.s32 $0xFFFFEC00  }
0x68: {  	[spmem:s1] =	stream.indirect.scatter.add.f32 [tilespmem:s16], [sflag:$0x3], $0x40, s8, s12, $0xb8;
	[tilespmem:$0x1D880] =	vst v63  }
0x69: {  	s8 =	sadd.s32 @!p0 $0x780, s11;
	_ =	swait.ge @!p0 [sflag:s6], $0x1400  }
0x6a: {  	s8 =	simm.s32 @p0 $0x780;
	[sflag:s6] =	ssyncset.done @!p0 $0x0  }
0x6b: {  	[sflag:s6] =	ssyncadd.s32 @!p0 $0xFFFFEC00;
	s6 =	sshra.s32 s8, $0x2  }
0x6c: {  	[tilespmem:s26], [sflag:$0x7] =	stream.indirect.gather [hbm4b:s7+s12], $0x40, s6, s12, $0xb8;
	[tilespmem:$0x1D880] =	vst v63  }
0x6d: {  	_ =	swait.ge [sflag:s28], $0x1400  }
0x6e: {  	[sflag:s28] =	ssyncset.done $0x0  }
0x6f: {  	s9 =	sadd.s32 $0x4F10, s15;
	s8 =	simm.s32 @!p0 $0x8;
	[sflag:s28] =	ssyncadd.s32 $0xFFFFEC00  }
0x70: {  	[spmem:s1] =	stream.indirect.scatter.add.f32 [tilespmem:s18], [sflag:$0x4], $0x40, s9, s12, $0xb8;
	[tilespmem:$0x1D880] =	vst v63  }
0x71: {  	s9 =	sadd.s32 @!p0 $0x8C0, s11;
	_ =	swait.ge @!p0 [sflag:s8], $0x1400  }
0x72: {  	s9 =	simm.s32 @p0 $0x8C0;
	[sflag:s8] =	ssyncset.done @!p0 $0x0  }
0x73: {  	[sflag:s8] =	ssyncadd.s32 @!p0 $0xFFFFEC00;
	s8 =	sshra.s32 s9, $0x2  }
0x74: {  	[tilespmem:s29], [sflag:$0x8] =	stream.indirect.gather [hbm4b:s7+s12], $0x40, s8, s12, $0xb8;
	[tilespmem:$0x1D880] =	vst v63  }
0x75: {  	_ =	swait.ge [sflag:s30], $0x1400  }
0x76: {  	[sflag:s30] =	ssyncset.done $0x0  }
0x77: {  	s4 =	sadd.s32 $0x4E20, s4;
	[sflag:s30] =	ssyncadd.s32 $0xFFFFEC00  }
0x78: {  	[spmem:s1] =	stream.indirect.scatter.add.f32 [tilespmem:s22], [sflag:$0x5], $0x40, s4, s12, $0xb8;
	[tilespmem:$0x1D880] =	vst v63  }
0x79: {  	_ =	swait.ge [sflag:s21], $0x1400  }
0x7a: {  	[sflag:s21] =	ssyncset.done $0x0  }
0x7b: {  	s9 =	sadd.s32 $0x280, s15;
	[sflag:s21] =	ssyncadd.s32 $0xFFFFEC00  }
0x7c: {  	[tilespmem:s13], [sflag:$0x1] =	stream.indirect.gather [hbm4b:s7+s12], $0x40, s9, s12, $0xb8;
	[tilespmem:$0x1D880] =	vst v63  }
0x7d: {  	_ =	swait.ge [sflag:s31], $0x1400  }
0x7e: {  	[sflag:s31] =	ssyncset.done $0x0  }
0x7f: {  	s9 =	sadd.s32 $0x4E20, s5;
	[sflag:s31] =	ssyncadd.s32 $0xFFFFEC00  }
0x80: {  	[spmem:s1] =	stream.indirect.scatter.add.f32 [tilespmem:s24], [sflag:$0x6], $0x40, s9, s12, $0xb8;
	[tilespmem:$0x1D880] =	vst v63  }
0x81: {  	_ =	swait.ge [sflag:s23], $0x1400  }
0x82: {  	[sflag:s23] =	ssyncset.done $0x0  }
0x83: {  	s5 =	sadd.s32 $0x2D0, s15;
	[sflag:s23] =	ssyncadd.s32 $0xFFFFEC00  }
0x84: {  	[tilespmem:s14], [sflag:$0x2] =	stream.indirect.gather [hbm4b:s7+s12], $0x40, s5, s12, $0xb8;
	[tilespmem:$0x1D880] =	vst v63  }
0x85: {  	_ =	swait.ge [sflag:s0], $0x1400  }
0x86: {  	p0 =	seq.s32 s11, $0x12C00;
	[sflag:s0] =	ssyncset.done $0x0  }
.Ltmp2:
0x87: {  	s9 =	sadd.s32 $0x4E20, s6;
	[sflag:s0] =	ssyncadd.s32 $0xFFFFEC00;
	(pc) =	sbr.rel @p0 .LBB2_4-.Ltmp2, $4  }
0x88: {  	[spmem:s1] =	stream.indirect.scatter.add.f32 [tilespmem:s26], [sflag:$0x7], $0x40, s9, s12, $0xb8;
	[tilespmem:$0x1D880] =	vst v63  }
0x89: {  	_ =	swait.ge [sflag:s25], $0x1400  }
0x8a: {  	[sflag:s25] =	ssyncset.done $0x0  }
0x8b: {  	s4 =	sadd.s32 $0x4E20, s8;
	[sflag:s25] =	ssyncadd.s32 $0xFFFFEC00  }
0x8c: {  	s5 =	sadd.s32 $0x320, s15  }
0x8d: {  	[tilespmem:s16], [sflag:$0x3] =	stream.indirect.gather [hbm4b:s7+s12], $0x40, s5, s12, $0xb8;
	[tilespmem:$0x1D880] =	vst v63  }
0x8e: {  	_ =	swait.ge [sflag:s2], $0x1400  }
0x8f: {  	[sflag:s2] =	ssyncset.done $0x0  }
0x90: {  	[sflag:s2] =	ssyncadd.s32 $0xFFFFEC00  }
0x91: {  	[spmem:s1] =	stream.indirect.scatter.add.f32 [tilespmem:s29], [sflag:$0x8], $0x40, s4, s12, $0xb8;
	[tilespmem:$0x1D880] =	vst v63  }
.Ltmp3:
0x92: {  	_ = 	snop;
	(pc) =	sbr.rel .LBB2_2-.Ltmp3, $4  }
0x93: {  	_ =	swait.ge [sflag:s28], $0x1400  }
0x94: {  	[sflag:s28] =	ssyncset.done $0x0  }
0x95: {  	s15 =	sadd.s32 $0x370, s15;
	s11 =	sadd.s32 $0xA00, s11;
	[sflag:s28] =	ssyncadd.s32 $0xFFFFEC00  }
0x96: {  	[tilespmem:s18], [sflag:$0x4] =	stream.indirect.gather [hbm4b:s7+s12], $0x40, s15, s12, $0xb8;
	[tilespmem:$0x1D880] =	vst v63  }
.LBB2_5:
0x97: {  	_ =	sfence.sel $0x180000  }
0x98: {  	[bflag:$0x0] =	sbarrier.arrive $0xFFFF  }
0x99: {  	_ =	strace $0x9000004D  }
0x9a: {  	s0 =	stileid.u32;
	[bflag:$0x2] =	sbarrier.arrive $0xFFFF  }
0x9b: {  	p0 =	sne.s32 s0, $0x0;
	s0 =	rddreg [dreg:$0x2]  }
0x9c: {  	s0 =	sadd.s32 @!p0 $0x100000, s0  }
0x9d: {  	[sflag:s0] =	ssyncadd.tile.s32 @!p0 $0x1;
	_ =	shalt  }
.Lfunc_end2:
_tile_overlayer_lowered:
.L_overlay_start_2:
0x9e: {  	(tag) =	ssettag $0x2  }
0x9f: {  	s0 =	rddreg [dreg:$0x0];
	s2 =	stileid.u32  }
0xa0: {  	s1 =	rddreg [dreg:$0x1];
	p0 =	sne.s32 s2, $0x0  }
0xa1: {  	s3 =	rddreg [dreg:$0x2];
	[bflag:$0x3] =	sbarrier.arrive $0xFFFF;
	s2 =	simm.s32 @!p0 $0x1C09  }
0xa2: {  	[timem:s3], [sflag:s2] =	dma.local @!p0 [hbm:s0], s1  }
0xa3: {  	s0 =	simm.s32 @!p0 $0x9  }
0xa4: {  	_ =	swait.ge @!p0 [sflag:s0], s1  }
0xa5: {  	s1 =	ssub.s32 @!p0 $0x0, s1;
	[sflag:s0] =	ssyncset.done @!p0 $0x0  }
0xa6: {  	[sflag:s0] =	ssyncadd.s32 @!p0 s1  }
0xa7: {  	[bflag:$0x3] =	sbarrier.arrive $0xFFFF  }
0xa8: {  	_ =	shalt  }

// kernel: kernel.9.cloned.1.call-start
scs
__scs_entry_jumppad:
0x0: {  	(pc) =	sbr.rel $0x88, $3  }
0x1: {  	(tag) =	ssettag $0x0;
	lr =	simm.s32 $0x1  }
0x2: {  	[smem:$0x3F9B] =	sst lr;
	_ =	strace $0xD0000000  }
0x3: {  	_ = 	snop  }
0x4: {  	_ = 	snop  }
0x5: {  	_ = 	snop  }
0x6: {  	_ = 	snop  }
0x7: {  	_ = 	snop  }
__scs_overlays_trampoline_lowered:
0x8: {  	[smem:$0x3FAA] =	sst s0  }
0x9: {  	[smem:$0x3FAB] =	sst s1  }
0xa: {  	[smem:$0x3FAC] =	sst s2  }
0xb: {  	[smem:$0x3FAD] =	sst s3  }
0xc: {  	[smem:$0x3FAE] =	sst s4  }
0xd: {  	[smem:$0x3FAF] =	sst s5  }
0xe: {  	[smem:$0x3FB0] =	sst s6  }
0xf: {  	[smem:$0x3FB1] =	sst s7  }
0x10: {  	[smem:$0x3FB2] =	sst s8  }
0x11: {  	[smem:$0x3FB3] =	sst s9;
	s0 =	simm.s32 @!p0 $0x0  }
0x12: {  	s1 =	sld [smem:$0x3F99];
	s0 =	simm.s32 @p0 $0x1  }
0x13: {  	[smem:$0x3FB4] =	sst s0;
	s0 =	simm.s32 @!p1 $0x0  }
0x14: {  	s2 =	sld [smem:$0x3F98];
	s0 =	simm.s32 @p1 $0x1  }
0x15: {  	[smem:$0x3FB5] =	sst s0;
	s0 =	simm.s32 @!p2 $0x0  }
0x16: {  	s3 =	sld [smem:$0x3FDB];
	s0 =	simm.s32 @p2 $0x1  }
0x17: {  	s4 =	simm.s32 $0x1BF5;
	[smem:$0x3FB7] =	sst s0  }
0x18: {  	s0 =	sld [smem:$0x3F9A];
	_ =	swait.ge [sflag:s4], $0x0  }
0x19: {  	s7 =	sld [smem:$0x3F9B]  }
0x1a: {  	s8 =	sadd.s32 $0xFFFFE003, lr  }
0x1b: {  	s9 =	sadd.s32 $0xFFFFFEF7, lr;
	s5 =	simm.s32 $0xFFFFFFFF;
	p2 =	slt.u32 s8, $0xFFFFF086  }
0x1c: {  	p1 =	slt.u32 s9, $0xF7A;
	s5 =	simm.s32 @!p2 $0x0  }
0x1d: {  	s5 =	simm.s32 @p1 $0x1;
	p0 =	seq.s32 s7, s2  }
0x1e: {  	s7 =	smul.u32 @!p0 $0xF7A, s2;
	p2 =	seq.s32 @!p0 s5, $0x0  }
0x1f: {  	s9 =	smul.u32 $0xF7A, s1;
	s8 =	simm.s32 @!p0 $0x1BF5;
	p2 =	por !p2, p0  }
0x20: {  	[sflag:s8] =	ssyncset.s32 @!p0 $0xFFFFF086;
	s6 =	sadd.s32 @!p0 s3, s7;
	s7 =	simm.s32 @!p0 $0x108  }
0x21: {  	s3 =	sadd.s32 s3, s9;
	s6 =	sadd.s32 @!p0 $0x88, s6;
	s7 =	simm.s32 @p2 $0x1082  }
0x22: {  	[simem:s7], [sflag:s8] =	dma.local @!p0 [hbm:s6], $0xF7A  }
0x23: {  	s9 =	sor.u32 $0xD0000000, s2;
	s6 =	simm.s32 $0x108;
	_ =	swait.ge @!p0 [sflag:s8], $0x0  }
0x24: {  	s3 =	sadd.s32 $0x88, s3;
	s6 =	simm.s32 @!p1 $0x1082;
	[sflag:s4] =	ssyncset.s32 $0xFFFFF086  }
0x25: {  	[simem:s6], [sflag:s4] =	dma.local [hbm:s3], $0xF7A  }
0x26: {  	[smem:$0x3F9B] =	sst s1;
	(tag) =	ssettag s2;
	_ =	strace s9  }
0x27: {  	s1 =	sld [smem:$0x3FAB]  }
0x28: {  	s2 =	sld [smem:$0x3FAC]  }
0x29: {  	s4 =	sld [smem:$0x3FAE]  }
0x2a: {  	p0 =	seq.s32 s5, $0x0;
	s5 =	sld [smem:$0x3FAF]  }
0x2b: {  	s6 =	sld [smem:$0x3FB0]  }
0x2c: {  	s7 =	sld [smem:$0x3FB1]  }
0x2d: {  	s3 =	simm.s32 $0x108;
	s8 =	sld [smem:$0x3FB2]  }
0x2e: {  	s3 =	simm.s32 @!p0 $0x1082;
	s9 =	sld [smem:$0x3FB3]  }
0x2f: {  	lr =	sadd.s32 s0, s3;
	s0 =	sld [smem:$0x3FAA]  }
0x30: {  	s3 =	sld [smem:$0x3FAD]  }
0x31: {  	[smem:$0x3FB6] =	sst s10  }
0x32: {  	s10 =	sld [smem:$0x3FB4];
	_ =	sdelay $0x3  }
0x33: {  	p0 =	seq.s32 s10, $0x1;
	s10 =	sld [smem:$0x3FB6];
	_ =	sdelay $0x3  }
0x34: {  	[smem:$0x3FB6] =	sst s10  }
0x35: {  	s10 =	sld [smem:$0x3FB5];
	_ =	sdelay $0x3  }
0x36: {  	p1 =	seq.s32 s10, $0x1;
	s10 =	sld [smem:$0x3FB6];
	_ =	sdelay $0x3  }
0x37: {  	[smem:$0x3FB6] =	sst s10  }
0x38: {  	s10 =	sld [smem:$0x3FB7]  }
0x39: {  	_ = 	snop;
	(pc) =	sbr.ind lr, $3  }
0x3a: {  	_ = 	snop  }
0x3b: {  	_ = 	snop  }
0x3c: {  	p2 =	seq.s32 s10, $0x1;
	s10 =	sld [smem:$0x3FB6]  }
0x3d: {  	_ =	shalt  }
0x3e: {  	_ =	shalt  }
0x3f: {  	_ =	shalt  }
0x40: {  	_ =	shalt  }
0x41: {  	_ =	shalt  }
0x42: {  	_ =	shalt  }
0x43: {  	_ =	shalt  }
0x44: {  	_ =	shalt  }
0x45: {  	_ =	shalt  }
0x46: {  	_ =	shalt  }
0x47: {  	_ =	shalt  }
0x48: {  	_ =	shalt  }
0x49: {  	_ =	shalt  }
0x4a: {  	_ =	shalt  }
0x4b: {  	_ =	shalt  }
0x4c: {  	_ =	shalt  }
0x4d: {  	_ =	shalt  }
0x4e: {  	_ =	shalt  }
0x4f: {  	_ =	shalt  }
0x50: {  	_ =	shalt  }
0x51: {  	_ =	shalt  }
0x52: {  	_ =	shalt  }
0x53: {  	_ =	shalt  }
0x54: {  	_ =	shalt  }
0x55: {  	_ =	shalt  }
0x56: {  	_ =	shalt  }
0x57: {  	_ =	shalt  }
0x58: {  	_ =	shalt  }
0x59: {  	_ =	shalt  }
0x5a: {  	_ =	shalt  }
0x5b: {  	_ =	shalt  }
0x5c: {  	_ =	shalt  }
0x5d: {  	_ =	shalt  }
0x5e: {  	_ =	shalt  }
0x5f: {  	_ =	shalt  }
0x60: {  	_ =	shalt  }
0x61: {  	_ =	shalt  }
0x62: {  	_ =	shalt  }
0x63: {  	_ =	shalt  }
0x64: {  	_ =	shalt  }
0x65: {  	_ =	shalt  }
0x66: {  	_ =	shalt  }
0x67: {  	_ =	shalt  }
0x68: {  	_ =	shalt  }
0x69: {  	_ =	shalt  }
0x6a: {  	_ =	shalt  }
0x6b: {  	_ =	shalt  }
0x6c: {  	_ =	shalt  }
0x6d: {  	_ =	shalt  }
0x6e: {  	_ =	shalt  }
0x6f: {  	_ =	shalt  }
0x70: {  	_ =	shalt  }
0x71: {  	_ =	shalt  }
0x72: {  	_ =	shalt  }
0x73: {  	_ =	shalt  }
0x74: {  	_ =	shalt  }
0x75: {  	_ =	shalt  }
0x76: {  	_ =	shalt  }
0x77: {  	_ =	shalt  }
0x78: {  	_ =	shalt  }
0x79: {  	_ =	shalt  }
0x7a: {  	_ =	shalt  }
0x7b: {  	_ =	shalt  }
0x7c: {  	_ =	shalt  }
0x7d: {  	_ =	shalt  }
0x7e: {  	_ =	shalt  }
0x7f: {  	_ =	shalt  }
0x80: {  	_ =	shalt  }
0x81: {  	_ =	shalt  }
0x82: {  	_ =	shalt  }
0x83: {  	_ =	shalt  }
0x84: {  	_ =	shalt  }
0x85: {  	_ =	shalt  }
0x86: {  	_ =	shalt  }
0x87: {  	_ =	shalt  }
.Lfunc_end0:
.L_simem_size_0:
called_computation_lowered:
.L_overlay_start_0:
0x88: {  	s2 =	sld [smem:$0x3FD9]  }
0x89: {  	s3 =	sld [smem:$0x3FFE];
	_ =	sdelay $0x1  }
0x8a: {  	s1 =	srdreg.scid  }
0x8b: {  	s0 =	sand.u32 $0x1, s1  }
0x8c: {  	s16 =	sshll.u32 s0, $0xA;
	s2 =	sadd.s32 s3, s2  }
0x8d: {  	s2 =	sadd.s32 s2, s16  }
0x8e: {  	[smem:$0x3FC2] =	sst s2  }
0x8f: {  	_ = 	snop  }
0x90: {  	(tm) =	ssettm $0x1  }
0x91: {  	s17 =	sld [smem:$0x3FFB];
	_ =	sdelay $0x3  }
0x92: {  	_ =	strace s17  }
0x93: {  	s2 =	sld [smem:$0x3FFC];
	_ =	sdelay $0x3  }
0x94: {  	_ =	strace s2  }
0x95: {  	s2 =	sld [smem:$0x3FFD];
	_ =	sdelay $0x3  }
0x96: {  	_ =	strace s2  }
0x97: {  	_ =	strace $0x8FFFFFFF  }
0x98: {  	s18 =	sld [smem:$0x3FDB];
	_ =	sdelay $0x1  }
0x99: {  	s19 =	simm.s32 $_scs_section_size  }
0x9a: {  	s4 =	simm.s32 $_size__tile_overlayer_lowered;
	s5 =	simm.s32 $_tile_overlayer_lowered  }
0x9b: {  	s22 =	simm.s32 $0x1BFF;
	s21 =	sshll.u32 s5, $0x1;
	s2 =	sadd.s32 s19, s18  }
0x9c: {  	s6 =	simm.s32 $0x0;
	s20 =	sshll.u32 s4, $0x1;
	s4 =	sadd.s32 s21, s2  }
0x9d: {  	[timem:s6], [sflag:s22] =	dma.local [hbm:s4], s20  }
0x9e: {  	_ =	swait.ge [sflag:s22], s20  }
0x9f: {  	s3 =	ssub.s32 $0x0, s20;
	[sflag:s22] =	ssyncset.done $0x0  }
0xa0: {  	[sflag:s22] =	ssyncadd.s32 s3;
	_ =	sdelay $0x1  }
0xa1: {  	s23 =	simm.s32 $0x1B8B  }
0xa2: {  	_ =	swait.ge [sflag:s23], $0x1  }
0xa3: {  	[sflag:s23] =	ssyncset.done $0x0  }
0xa4: {  	s25 =	simm.s32 $0x1B8E;
	s24 =	sld [smem:$0x3FFE];
	[sflag:s23] =	ssyncadd.s32 $0xFFFFFFFF  }
0xa5: {  	s26 =	simm.s32 $execute0_lowered;
	[smem:$0x3FD2] =	sst s25  }
0xa6: {  	s4 =	sshll.u32 s26, $0x1;
	_ =	strace $0x80000046;
	[dreg:$0x1] =	wrdreg $0xFFFFFFFF  }
0xa7: {  	s28 =	simm.s32 $_size_execute0_lowered;
	s2 =	sadd.s32 s2, s4;
	[dreg:$0x0] =	wrdreg $0x0  }
0xa8: {  	s4 =	sshll.u32 s28, $0x1;
	[dreg:$0x2] =	wrdreg s2  }
0xa9: {  	[dreg:$0x3] =	wrdreg s4  }
0xaa: {  	[dreg:$0x4] =	wrdreg $0xC0  }
0xab: {  	_ =	task [dreg:s6], $0x5FFFF  }
0xac: {  	[dreg:$0x1] =	wrdreg $0xFFFFFFFF  }
0xad: {  	[dreg:$0x0] =	wrdreg $0x60  }
0xae: {  	[dreg:$0x2] =	wrdreg s24  }
0xaf: {  	[dreg:$0x3] =	wrdreg $0x9C900  }
0xb0: {  	[dreg:$0x4] =	wrdreg $0x9F100  }
0xb1: {  	[dreg:$0x5] =	wrdreg $0x9  }
0xb2: {  	_ =	task.clear_ibuf [dreg:s6], $0x6FFFF;
	_ =	strace $0x90000046  }
0xb3: {  	s29 =	simm.s32 $0x9;
	_ =	strace $0x80000048  }
0xb4: {  	_ =	swait.ge [sflag:s29], $0x1  }
0xb5: {  	[sflag:s29] =	ssyncadd.s32 $0xFFFFFFFF  }
0xb6: {  	_ =	strace $0x90000048  }
0xb7: {  	_ =	sfence  }
0xb8: {  	s30 =	sld [smem:$0x0];
	_ =	sdelay $0x2  }
0xb9: {  	s31 =	sshll.u32 s1, $0xD;
	s1 =	sshrl.u32 s1, $0x2  }
0xba: {  	s3 =	sand.u32 $0x4000, s31;
	s1 =	sadd.s32 s1, s30  }
0xbb: {  	s0 =	sor.u32 s3, s0;
	s1 =	sshll.u32 s1, $0x11  }
0xbc: {  	s0 =	sor.u32 s1, s0  }
0xbd: {  	s0 =	sadd.s32 $0x8F2B, s0  }
0xbe: {  	[sflag:s0] =	ssyncadd.remote.s32 $0x1  }
0xbf: {  	_ =	sfence.sel $0xFFFF  }
0xc0: {  	[dreg:$0x0] =	wrdreg $0xFFFFFFFF;
	(pc) =	sbr.abs _section_cstart, $3  }
0xc1: {  	[dreg:$0x1] =	wrdreg $0xFFFFFFFF  }
0xc2: {  	_ =	task.clear_ibuf [dreg:s6], $0x2FFFF;
	_ =	strace $0x9FFFFFFF  }
0xc3: {  	(tm) =	ssettm $0x7FFFFFFF  }
tec
execute0_lowered:
.L_overlay_start_1:
0x0: {  	(tag) =	ssettag $0x1  }
0x1: {  	s6 =	rddreg [dreg:$0x0]  }
0x2: {  	s2 =	rddreg [dreg:$0x1];
	s0 =	stileid.u32  }
0x3: {  	s1 =	srdreg.scid;
	s3 =	rddreg [dreg:$0x2];
	s4 =	simm.s32 $0x0  }
0x4: {  	s13 =	simm.s32 $0x3;
	s14 =	simm.s32 $0x4E20;
	s18 =	simm.s32 $0x50  }
0x5: {  	s19 =	simm.s32 $0x9C40;
	s20 =	simm.s32 $0x1;
	s21 =	simm.s32 $0x2  }
0x6: {  	s8 =	sand.u32 $0x1, s1;
	s9 =	smul.u32 $0x280, s0;
	s1 =	rddreg [dreg:$0x3]  }
0x7: {  	s22 =	simm.s32 $0x0;
	[smem:$0x7FF] =	sst s4;
	s7 =	smul.u32 $0x9C4, s0  }
0x8: {  	s15 =	sshll.u32 s0, $0x6;
	s5 =	smul.u32 $0x5000, s8;
	_ =	strace $0x80000047  }
0x9: {  	s10 =	ssub.s32 $0x2, s8;
	s31 =	smul.u32 $0x9C40, s8;
	s15 =	sor.u32 $0x1C03, s15  }
0xa: {  	s7 =	sadd.s32 s7, s6;
	s12 =	sshrl.u32 s10, $0x1;
	s16 =	sadd.s32 s9, s2  }
0xb: {  	s17 =	sadd.s32 s9, s3;
	s5 =	sadd.s32 s9, s5;
	s10 =	ssub.s32 s10, s12  }
0xc: {  	s16 =	sshrl.u32 s16, $0x3;
	s17 =	sshrl.u32 s17, $0x3;
	s11 =	sshrl.u32 s5, $0x3  }
0xd: {  	s5 =	sadd.s32 $0x15400, s6;
	s10 =	smax.u32 s10, $0x1;
	s11 =	sadd.s32 s11, s6  }
0xe: {  	s8 =	sadd.s32 $0x15600, s11;
	s9 =	sadd.s32 $0x15B00, s11;
	s11 =	sshrl.u32 s31, $0x2  }
0xf: {  	v0 =	vimm.f32 $1.000000000e+00;
	s6 =	sadd.s32 $0xB600, s7;
	s7 =	sadd.s32 $0x1800, s7;
	s12 =	sadd.s32 $0x4E20, s11  }
.LBB2_1:
0x10: {  	[tilespmem:$0x9C40] =	vst v0  }
0x11: {  	[tilespmem:$0x9C50] =	vst v0  }
0x12: {  	[tilespmem:$0x9C60] =	vst v0  }
0x13: {  	[tilespmem:$0x9C70] =	vst v0  }
0x14: {  	[tilespmem:$0x9C80] =	vst v0  }
0x15: {  	[tilespmem:s4], [sflag:$0x3] =	stream.linear.gather [hbm4b:s6+s4], $0x4E20, $0x38;
	[tilespmem:$0xA190] =	vst v63  }
0x16: {  	_ =	swait.ge [sflag:s13], $0x4E20  }
0x17: {  	[sflag:s13] =	ssyncset.done $0x0  }
0x18: {  	[sflag:s13] =	ssyncadd.s32 $0xFFFFB1E0  }
0x19: {  	[tilespmem:s14], [sflag:$0x3] =	stream.linear.gather [hbm4b:s7+s4], $0x4E20, $0x38;
	[tilespmem:$0xA190] =	vst v63  }
0x1a: {  	_ =	swait.ge [sflag:s13], $0x4E20  }
0x1b: {  	[sflag:s13] =	ssyncset.done $0x0  }
0x1c: {  	[sflag:s13] =	ssyncadd.s32 $0xFFFFB1E0  }
0x1d: {  	[spmem:s16], [sflag:s15] =	dma.local [hbm:s5], $0x50  }
0x1e: {  	_ =	swait.ge [sflag:s13], $0x50  }
0x1f: {  	[sflag:s13] =	ssyncset.done $0x0  }
0x20: {  	[sflag:s13] =	ssyncadd.s32 $0xFFFFFFB0  }
0x21: {  	[spmem:s17], [sflag:s15] =	dma.local [hbm:s5], $0x50  }
0x22: {  	_ =	swait.ge [sflag:s13], $0x50  }
0x23: {  	[sflag:s13] =	ssyncset.done $0x0  }
0x24: {  	[sflag:s13] =	ssyncadd.s32 $0xFFFFFFB0  }
0x25: {  	p0 =	por $0x1, $0x1;
	[bflag:$0x0] =	sbarrier.arrive $0xFFFF  }
0x26: {  	[spmem:s2] =	stream.indirect.scatter.add.f32 [tilespmem:s19], [sflag:$0x1], $0x1, s11, s18, $0xb8;
	[tilespmem:$0xA190] =	vst v63  }
0x27: {  	s23 =	simm.s32 @!p0 $0x1  }
0x28: {  	[spmem:s3] =	stream.indirect.scatter.add.f32 [tilespmem:s19], [sflag:$0x2], $0x1, s12, s18, $0xb8;
	[tilespmem:$0xA190] =	vst v63  }
0x29: {  	_ =	swait.ge @!p0 [sflag:s23], $0x50  }
0x2a: {  	[sflag:s23] =	ssyncset.done @!p0 $0x0  }
0x2b: {  	s24 =	sadd.s32 $0x50, s11;
	s26 =	simm.s32 @!p0 $0x2;
	[sflag:s23] =	ssyncadd.s32 @!p0 $0xFFFFFFB0  }
0x2c: {  	s25 =	smov.u32 s12;
	s23 =	simm.s32 $0x1;
	_ =	swait.ge @!p0 [sflag:s26], $0x50  }
.LBB2_2:
0x2d: {  	[sflag:s26] =	ssyncset.done @!p0 $0x0  }
0x2e: {  	s25 =	sadd.s32 $0x50, s25;
	s28 =	smov.u32 s23;
	s23 =	sadd.s32 $0x1, s23  }
0x2f: {  	p1 =	sne.s32 s23, $0x7D;
	[sflag:s26] =	ssyncadd.s32 @!p0 $0xFFFFFFB0  }
0x30: {  	[spmem:s2] =	stream.indirect.scatter.add.f32 [tilespmem:s19], [sflag:$0x1], $0x1, s24, s18, $0xb8;
	[tilespmem:$0xA190] =	vst v63  }
0x31: {  	p0 =	slt.u32 s28, $0x8  }
0x32: {  	[spmem:s3] =	stream.indirect.scatter.add.f32 [tilespmem:s19], [sflag:$0x2], $0x1, s25, s18, $0xb8;
	[tilespmem:$0xA190] =	vst v63  }
.Ltmp0:
0x33: {  	s28 =	simm.s32 @!p0 $0x1;
	(pc) =	sbr.rel @p1 .LBB2_2-.Ltmp0, $4  }
0x34: {  	_ =	swait.ge @!p0 [sflag:s28], $0x50  }
0x35: {  	s26 =	simm.s32 @!p0 $0x2;
	[sflag:s28] =	ssyncset.done @!p0 $0x0  }
0x36: {  	[sflag:s28] =	ssyncadd.s32 @!p0 $0xFFFFFFB0  }
0x37: {  	s24 =	sadd.s32 $0x50, s24;
	_ =	swait.ge @!p0 [sflag:s26], $0x50  }
0x38: {  	[sflag:s26] =	ssyncset.done @!p0 $0x0  }
0x39: {  	[sflag:s26] =	ssyncadd.s32 @!p0 $0xFFFFFFB0  }
0x3a: {  	_ =	swait.ge [sflag:s20], $0x50  }
0x3b: {  	[sflag:s20] =	ssyncset.done $0x0  }
0x3c: {  	[sflag:s20] =	ssyncadd.s32 $0xFFFFFFB0  }
0x3d: {  	_ =	swait.ge [sflag:s21], $0x50  }
0x3e: {  	[sflag:s21] =	ssyncset.done $0x0  }
0x3f: {  	[sflag:s21] =	ssyncadd.s32 $0xFFFFFFB0  }
0x40: {  	_ =	swait.ge [sflag:s20], $0x50  }
0x41: {  	[sflag:s20] =	ssyncset.done $0x0  }
0x42: {  	[sflag:s20] =	ssyncadd.s32 $0xFFFFFFB0  }
0x43: {  	_ =	swait.ge [sflag:s21], $0x50  }
0x44: {  	[sflag:s21] =	ssyncset.done $0x0  }
0x45: {  	[sflag:s21] =	ssyncadd.s32 $0xFFFFFFB0  }
0x46: {  	_ =	swait.ge [sflag:s20], $0x50  }
0x47: {  	[sflag:s20] =	ssyncset.done $0x0  }
0x48: {  	[sflag:s20] =	ssyncadd.s32 $0xFFFFFFB0  }
0x49: {  	_ =	swait.ge [sflag:s21], $0x50  }
0x4a: {  	[sflag:s21] =	ssyncset.done $0x0  }
0x4b: {  	[sflag:s21] =	ssyncadd.s32 $0xFFFFFFB0  }
0x4c: {  	_ =	swait.ge [sflag:s20], $0x50  }
0x4d: {  	[sflag:s20] =	ssyncset.done $0x0  }
0x4e: {  	[sflag:s20] =	ssyncadd.s32 $0xFFFFFFB0  }
0x4f: {  	_ =	swait.ge [sflag:s21], $0x50  }
0x50: {  	[sflag:s21] =	ssyncset.done $0x0  }
0x51: {  	[sflag:s21] =	ssyncadd.s32 $0xFFFFFFB0  }
0x52: {  	_ =	swait.ge [sflag:s20], $0x50  }
0x53: {  	[sflag:s20] =	ssyncset.done $0x0  }
0x54: {  	[sflag:s20] =	ssyncadd.s32 $0xFFFFFFB0  }
0x55: {  	_ =	swait.ge [sflag:s21], $0x50  }
0x56: {  	[sflag:s21] =	ssyncset.done $0x0  }
0x57: {  	[sflag:s21] =	ssyncadd.s32 $0xFFFFFFB0  }
0x58: {  	_ =	swait.ge [sflag:s20], $0x50  }
0x59: {  	[sflag:s20] =	ssyncset.done $0x0  }
0x5a: {  	[sflag:s20] =	ssyncadd.s32 $0xFFFFFFB0  }
0x5b: {  	_ =	swait.ge [sflag:s21], $0x50  }
0x5c: {  	[sflag:s21] =	ssyncset.done $0x0  }
0x5d: {  	[sflag:s21] =	ssyncadd.s32 $0xFFFFFFB0  }
0x5e: {  	_ =	swait.ge [sflag:s20], $0x50  }
0x5f: {  	[sflag:s20] =	ssyncset.done $0x0  }
0x60: {  	[sflag:s20] =	ssyncadd.s32 $0xFFFFFFB0  }
0x61: {  	_ =	swait.ge [sflag:s21], $0x50  }
0x62: {  	[sflag:s21] =	ssyncset.done $0x0  }
0x63: {  	[sflag:s21] =	ssyncadd.s32 $0xFFFFFFB0  }
0x64: {  	_ =	swait.ge [sflag:s20], $0x50  }
0x65: {  	[sflag:s20] =	ssyncset.done $0x0  }
0x66: {  	[sflag:s20] =	ssyncadd.s32 $0xFFFFFFB0  }
0x67: {  	_ =	swait.ge [sflag:s21], $0x50  }
0x68: {  	[sflag:s21] =	ssyncset.done $0x0  }
0x69: {  	[sflag:s21] =	ssyncadd.s32 $0xFFFFFFB0  }
0x6a: {  	[bflag:$0x0] =	sbarrier.arrive $0xFFFF  }
0x6b: {  	[hbm:s8], [sflag:s15] =	dma.local [spmem:s16], $0x50  }
0x6c: {  	s22 =	sadd.s32 $0x1, s22;
	_ =	swait.ge [sflag:s13], $0x50  }
0x6d: {  	p0 =	sne.s32 s22, s10;
	[sflag:s13] =	ssyncset.done $0x0  }
.Ltmp1:
0x6e: {  	[sflag:s13] =	ssyncadd.s32 $0xFFFFFFB0;
	(pc) =	sbr.rel @p0 .LBB2_1-.Ltmp1, $4  }
0x6f: {  	[hbm:s9], [sflag:s15] =	dma.local [spmem:s17], $0x50  }
0x70: {  	_ =	swait.ge [sflag:s13], $0x50  }
0x71: {  	[sflag:s13] =	ssyncset.done $0x0  }
0x72: {  	[sflag:s13] =	ssyncadd.s32 $0xFFFFFFB0  }
0x73: {  	_ =	sfence.sel $0x180000  }
0x74: {  	[bflag:$0x0] =	sbarrier.arrive $0xFFFF  }
0x75: {  	p0 =	sne.s32 s0, $0x0;
	_ =	strace $0x90000047  }
0x76: {  	s0 =	sadd.s32 @!p0 $0x100000, s1;
	[bflag:$0x2] =	sbarrier.arrive $0xFFFF  }
0x77: {  	[sflag:s0] =	ssyncadd.tile.s32 @!p0 $0x1;
	_ =	shalt  }
.Lfunc_end2:
_tile_overlayer_lowered:
.L_overlay_start_2:
0x78: {  	(tag) =	ssettag $0x2  }
0x79: {  	s0 =	rddreg [dreg:$0x0];
	s2 =	stileid.u32  }
0x7a: {  	s1 =	rddreg [dreg:$0x1];
	p0 =	sne.s32 s2, $0x0  }
0x7b: {  	s3 =	rddreg [dreg:$0x2];
	[bflag:$0x3] =	sbarrier.arrive $0xFFFF;
	s2 =	simm.s32 @!p0 $0x1C03  }
0x7c: {  	[timem:s3], [sflag:s2] =	dma.local @!p0 [hbm:s0], s1  }
0x7d: {  	s0 =	simm.s32 @!p0 $0x3  }
0x7e: {  	_ =	swait.ge @!p0 [sflag:s0], s1  }
0x7f: {  	s1 =	ssub.s32 @!p0 $0x0, s1;
	[sflag:s0] =	ssyncset.done @!p0 $0x0  }
0x80: {  	[sflag:s0] =	ssyncadd.s32 @!p0 s1  }
0x81: {  	[bflag:$0x3] =	sbarrier.arrive $0xFFFF  }
0x82: {  	_ =	shalt  }

</sc_bundles>
